<compile_context>
chip_gen: v7x
topology: tpu7x:2x2x1
jax: 0.10.2.dev20260603
libtpu: 0.0.44.dev20260713+nightly
codegen_flags: <defaults>
</compile_context>

<pallas_src>
import functools

import jax
import jax.numpy as jnp
from jax import lax
from jax.experimental import pallas as pl
from jax.experimental.pallas import tpu as pltpu
from jax.experimental.pallas import tpu_sc as plsc

N = 10000
E = 320000
H = 128
NC = 2
NS = 16
NT = NC * NS
CHUNK = 128
CPT = 80
NCHUNKS = NT * CPT
E_PAD = NCHUNKS * CHUNK
N_PAD = 10240
RPT = N_PAD // NS


def _mesh():
    return plsc.VectorSubcoreMesh(core_axis_name="c", subcore_axis_name="s")


@functools.partial(
    pl.kernel,
    mesh=_mesh(),
    out_type=jax.ShapeDtypeStruct((NC, N_PAD), jnp.float32),
    scratch_types=[
        pltpu.VMEM((CPT, CHUNK), jnp.int32),
        pltpu.VMEM((CHUNK,), jnp.float32),
        pltpu.VMEM_SHARED((N_PAD,), jnp.float32),
    ],
)
def _sc_degree(dst_hbm, zn_hbm, out_hbm, didx_all, ones, acc):
    cid = lax.axis_index("c")
    sid = lax.axis_index("s")
    wid = cid * NS + sid
    for j in range(CHUNK // 16):
        ones[pl.ds(j * 16, 16)] = jnp.ones((16,), jnp.float32)

    r0 = sid * RPT
    pltpu.sync_copy(zn_hbm.at[pl.ds(r0, RPT)], acc.at[pl.ds(r0, RPT)])
    pltpu.sync_copy(dst_hbm.at[wid], didx_all)
    plsc.subcore_barrier()

    def body(i, carry):
        pltpu.sync_copy(ones, acc.at[didx_all.at[i]], add=True)
        return carry

    lax.fori_loop(0, CPT, body, 0)

    plsc.subcore_barrier()
    pltpu.sync_copy(acc.at[pl.ds(r0, RPT)], out_hbm.at[cid].at[pl.ds(r0, RPT)])


@functools.partial(
    pl.kernel,
    mesh=_mesh(),
    out_type=jax.ShapeDtypeStruct((NC, N_PAD, H), jnp.float32),
    scratch_types=[
        pltpu.VMEM((CPT // 2, CHUNK), jnp.int32),
        pltpu.VMEM((CPT // 2, CHUNK), jnp.int32),
        pltpu.VMEM((CHUNK, H), jnp.float32),
        pltpu.VMEM((CHUNK, H), jnp.float32),
        pltpu.VMEM_SHARED((N_PAD, H), jnp.float32),
        pltpu.SemaphoreType.DMA,
        pltpu.SemaphoreType.DMA,
        pltpu.SemaphoreType.DMA,
    ],
)
def _sc_scatter(y_hbm, src_hbm, dst_hbm, zm_hbm, out_hbm,
                sidx, didx, rows0, rows1, acc, sem0, sem1, isem):
    cid = lax.axis_index("c")
    sid = lax.axis_index("s")
    wid = cid * NS + sid
    r0 = sid * RPT
    half = CPT // 2

    pltpu.async_copy(zm_hbm.at[pl.ds(r0, RPT)], acc.at[pl.ds(r0, RPT)], isem)
    pltpu.sync_copy(src_hbm.at[wid].at[pl.ds(0, half)], sidx)
    pltpu.sync_copy(dst_hbm.at[wid].at[pl.ds(0, half)], didx)
    pltpu.make_async_copy(zm_hbm.at[pl.ds(r0, RPT)],
                          acc.at[pl.ds(r0, RPT)], isem).wait()
    plsc.subcore_barrier()

    for h in range(2):
        if h == 1:
            pltpu.sync_copy(src_hbm.at[wid].at[pl.ds(h * half, half)], sidx)
            pltpu.sync_copy(dst_hbm.at[wid].at[pl.ds(h * half, half)], didx)
        pltpu.async_copy(y_hbm.at[sidx.at[0]], rows0, sem0)

        def body(j, carry):
            i = 2 * j
            pltpu.async_copy(y_hbm.at[sidx.at[i + 1]], rows1, sem1)
            pltpu.make_async_copy(y_hbm.at[sidx.at[i]], rows0, sem0).wait()
            pltpu.sync_copy(rows0, acc.at[didx.at[i]], add=True)

            @pl.when(j + 1 < half // 2)
            def _():
                pltpu.async_copy(y_hbm.at[sidx.at[i + 2]], rows0, sem0)

            pltpu.make_async_copy(y_hbm.at[sidx.at[i + 1]], rows1,
                                  sem1).wait()
            pltpu.sync_copy(rows1, acc.at[didx.at[i + 1]], add=True)
            return carry

        lax.fori_loop(0, half // 2, body, 0)

    plsc.subcore_barrier()
    pltpu.sync_copy(acc.at[pl.ds(r0, RPT)], out_hbm.at[cid].at[pl.ds(r0, RPT)])


R = 2000
GRID = N // R


def _tc_first_body(x_ref, w_ref, da_ref, db_ref, dinv_ref, y_ref):
    deg = da_ref[0] + db_ref[0] + 1.0
    dinv = lax.rsqrt(deg)
    dinv_ref[...] = dinv
    y_ref[...] = jnp.dot(x_ref[...], w_ref[...],
                         preferred_element_type=jnp.float32) * dinv


_tc_first = pl.pallas_call(
    _tc_first_body,
    grid=(GRID,),
    in_specs=[
        pl.BlockSpec((R, H), lambda i: (i, 0)),
        pl.BlockSpec((H, H), lambda i: (0, 0)),
        pl.BlockSpec((1, R, 1), lambda i: (0, i, 0)),
        pl.BlockSpec((1, R, 1), lambda i: (1, i, 0)),
    ],
    out_specs=[
        pl.BlockSpec((R, 1), lambda i: (i, 0)),
        pl.BlockSpec((R, H), lambda i: (i, 0)),
    ],
    out_shape=[
        jax.ShapeDtypeStruct((N, 1), jnp.float32),
        jax.ShapeDtypeStruct((N, H), jnp.float32),
    ],
)


def _tc_mid_body(pa_ref, pb_ref, y_ref, dinv_ref, b_ref, w_ref, h_ref,
                 yn_ref):
    dinv = dinv_ref[...]
    h = jnp.maximum(
        dinv * (pa_ref[0] + pb_ref[0] + y_ref[...]) + b_ref[...], 0.0)
    h_ref[...] = h
    yn_ref[...] = jnp.dot(h, w_ref[...],
                          preferred_element_type=jnp.float32) * dinv


_tc_mid = pl.pallas_call(
    _tc_mid_body,
    grid=(GRID,),
    in_specs=[
        pl.BlockSpec((1, R, H), lambda i: (0, i, 0)),
        pl.BlockSpec((1, R, H), lambda i: (1, i, 0)),
        pl.BlockSpec((R, H), lambda i: (i, 0)),
        pl.BlockSpec((R, 1), lambda i: (i, 0)),
        pl.BlockSpec((1, H), lambda i: (0, 0)),
        pl.BlockSpec((H, H), lambda i: (0, 0)),
    ],
    out_specs=[
        pl.BlockSpec((R, H), lambda i: (i, 0)),
        pl.BlockSpec((R, H), lambda i: (i, 0)),
    ],
    out_shape=[
        jax.ShapeDtypeStruct((N, H), jnp.float32),
        jax.ShapeDtypeStruct((N, H), jnp.float32),
    ],
)


def _tc_last_body(pa_ref, pb_ref, y_ref, dinv_ref, b_ref, h1_ref, h2_ref,
                  jk_ref, out_ref):
    h3 = jnp.maximum(
        dinv_ref[...] * (pa_ref[0] + pb_ref[0] + y_ref[...]) + b_ref[...],
        0.0)
    jk = jk_ref[...]
    e = jnp.exp(jk - jnp.max(jk))
    w = e / jnp.sum(e)
    out_ref[...] = (w[0:1, 0:1] * h1_ref[...] + w[0:1, 1:2] * h2_ref[...]
                    + w[0:1, 2:3] * h3)


_tc_last = pl.pallas_call(
    _tc_last_body,
    grid=(GRID,),
    in_specs=[
        pl.BlockSpec((1, R, H), lambda i: (0, i, 0)),
        pl.BlockSpec((1, R, H), lambda i: (1, i, 0)),
        pl.BlockSpec((R, H), lambda i: (i, 0)),
        pl.BlockSpec((R, 1), lambda i: (i, 0)),
        pl.BlockSpec((1, H), lambda i: (0, 0)),
        pl.BlockSpec((R, H), lambda i: (i, 0)),
        pl.BlockSpec((R, H), lambda i: (i, 0)),
        pl.BlockSpec((1, 3), lambda i: (0, 0)),
    ],
    out_specs=pl.BlockSpec((R, H), lambda i: (i, 0)),
    out_shape=jax.ShapeDtypeStruct((N, H), jnp.float32),
)


def kernel(x, edge_index, batch_nodes, W1, b1, W2, b2, W3, b3, jk_w):
    del batch_nodes
    ei = edge_index.astype(jnp.int32)
    pad = E_PAD - E
    iot = jnp.arange(pad, dtype=jnp.int32)
    src3d = jnp.concatenate([ei[0], iot % N]).reshape(NT, CPT, CHUNK)
    dst3d = jnp.concatenate(
        [ei[1], N + iot % (N_PAD - N)]).reshape(NT, CPT, CHUNK)
    zn = jnp.zeros((N_PAD,), jnp.float32)
    zm = jnp.zeros((N_PAD, H), jnp.float32)

    degp = _sc_degree(dst3d, zn).reshape(NC, N_PAD, 1)
    dinv, y = _tc_first(x, W1, degp, degp)

    p = _sc_scatter(y, src3d, dst3d, zm)
    h1, y = _tc_mid(p, p, y, dinv, b1.reshape(1, H), W2)
    p = _sc_scatter(y, src3d, dst3d, zm)
    h2, y = _tc_mid(p, p, y, dinv, b2.reshape(1, H), W3)
    p = _sc_scatter(y, src3d, dst3d, zm)
    out = _tc_last(p, p, y, dinv, b3.reshape(1, H), h1, h2, jk_w.reshape(1, 3))
    return out

# --- scband reference (transcript-rebuilt; emitter-appended) ---
"""Pipeline reference for scband-gnn-19353122635866 (READ-ONLY COPY).

The authoritative reference and input builder live on the scoring server;
editing this copy changes nothing except your own understanding.
"""

import jax, jax.numpy as jnp
import numpy as np

N = 10000
E = 320000
D_IN = 128
H = 128
NUM_LAYERS = 3


def _gcn_conv(x, edge_index, W, b):
    # GCNConv: symmetric-normalized scatter-add aggregation with self loops
    src = edge_index[0]
    dst = edge_index[1]
    loop = jnp.arange(N, dtype=src.dtype)
    src = jnp.concatenate([src, loop])
    dst = jnp.concatenate([dst, loop])
    deg = jax.ops.segment_sum(jnp.ones(src.shape[0], dtype=x.dtype), dst, num_segments=N)
    dinv = jnp.where(deg > 0, 1.0 / jnp.sqrt(deg), 0.0)
    xw = x @ W
    norm = (dinv[src] * dinv[dst])[:, None]
    msg = jnp.take(xw, src, axis=0) * norm
    agg = jax.ops.segment_sum(msg, dst, num_segments=N)
    return agg + b


def setup_inputs(seed: int = 0) -> dict:
    key = jax.random.key(seed)
    ks = jax.random.split(key, 12)
    x = jax.random.normal(ks[0], (N, D_IN), dtype=jnp.float32)
    edge_index = jax.random.randint(ks[1], (2, E), 0, N, dtype=jnp.int64)
    batch_nodes = jax.random.randint(ks[2], (1000,), 0, N, dtype=jnp.int64)
    W1 = jax.random.normal(ks[3], (D_IN, H), dtype=jnp.float32) * 0.05
    b1 = jnp.zeros((H,), dtype=jnp.float32)
    W2 = jax.random.normal(ks[4], (H, H), dtype=jnp.float32) * 0.05
    b2 = jnp.zeros((H,), dtype=jnp.float32)
    W3 = jax.random.normal(ks[5], (H, H), dtype=jnp.float32) * 0.05
    b3 = jnp.zeros((H,), dtype=jnp.float32)
    jk_w = jax.random.normal(ks[6], (NUM_LAYERS,), dtype=jnp.float32)
    return {"x": x, "edge_index": edge_index, "batch_nodes": batch_nodes,
            "W1": W1, "b1": b1, "W2": W2, "b2": b2, "W3": W3, "b3": b3, "jk_w": jk_w}


def reference(x, edge_index, batch_nodes, W1, b1, W2, b2, W3, b3, jk_w):
    # eval mode: dropout=0.0, use_bn=False, positional=False, label=False, jk_mode='mean'
    h = x
    x_lst = []
    for (W, b) in ((W1, b1), (W2, b2), (W3, b3)):
        h = _gcn_conv(h, edge_index, W, b)
        h = jax.nn.relu(h)
        x_lst.append(h)
    weights = jax.nn.softmax(jk_w, axis=0)
    stacked = jnp.stack([x_lst[i] * weights[i] for i in range(NUM_LAYERS)], axis=-1)
    out = stacked.sum(axis=-1)
    return out

if __name__ == "__main__":
    import jax
    _d = setup_inputs()
    print(jax.jit(kernel)(*tuple(_d.values())))

</pallas_src>

<mosaic_0001>
#map = affine_map<(d0, d1) -> (0, 0, 0)>
#map1 = affine_map<(d0, d1) -> (0)>
#map2 = affine_map<(d0, d1) -> (0, 0)>
module attributes {stable_mosaic.version = 14 : i64} {
  func.func @_sc_degree(%arg0: i32, %arg1: i32, %arg2: memref<32x80x128xi32, #tpu.memory_space<hbm>>, %arg3: memref<10240xf32, #tpu.memory_space<hbm>>, %arg4: memref<2x10240xf32, #tpu.memory_space<hbm>>, %arg5: memref<80x128xi32, #tpu.memory_space<vmem>>, %arg6: memref<128xf32, #tpu.memory_space<vmem>>, %arg7: memref<10240xf32, #tpu.memory_space<vmem_shared>>) attributes {dimension_semantics = [#tpu.dimension_semantics<core_parallel>, #tpu.dimension_semantics<subcore_parallel>], iteration_bounds = array<i64: 2, 16>, scalar_prefetch = 0 : i64, scratch_operands = 3 : i64, tpu.core_type = #tpu.core_type<sc_vector_subcore>, window_params = [{transform_indices = #map}, {transform_indices = #map1}, {transform_indices = #map2}]} {
    %mul3A = arith.constant 16 : i32
    %mul3A_0 = arith.muli %arg0, %mul3A : i32
    %add3A = arith.addi %mul3A_0, %arg1 : i32
    %broadcast_in_dim3A = arith.constant 1.000000e+00 : f32
    %broadcast_in_dim3A_1 = vector.broadcast %broadcast_in_dim3A : f32 to vector<16xf32>
    %swap3A = arith.constant 0 : index
    %swap3A_2 = tpu.vector_load %arg6[%swap3A] {strides = array<i32>} : memref<128xf32, #tpu.memory_space<vmem>>, vector<16xf32>,
    %swap3A_3 = vector.shape_cast %swap3A_2 : vector<16xf32> to vector<16xf32>
    %swap3A_4 = vector.shape_cast %broadcast_in_dim3A_1 : vector<16xf32> to vector<16xf32>
    tpu.vector_store %arg6[%swap3A], %swap3A_4 {strides = array<i32>} : memref<128xf32, #tpu.memory_space<vmem>>, vector<16xf32>,
    %broadcast_in_dim3A_5 = arith.constant 1.000000e+00 : f32
    %broadcast_in_dim3A_6 = vector.broadcast %broadcast_in_dim3A_5 : f32 to vector<16xf32>
    %swap3A_7 = arith.constant 16 : index
    %swap3A_8 = tpu.vector_load %arg6[%swap3A_7] {strides = array<i32>} : memref<128xf32, #tpu.memory_space<vmem>>, vector<16xf32>,
    %swap3A_9 = vector.shape_cast %swap3A_8 : vector<16xf32> to vector<16xf32>
    %swap3A_10 = vector.shape_cast %broadcast_in_dim3A_6 : vector<16xf32> to vector<16xf32>
    tpu.vector_store %arg6[%swap3A_7], %swap3A_10 {strides = array<i32>} : memref<128xf32, #tpu.memory_space<vmem>>, vector<16xf32>,
    %broadcast_in_dim3A_11 = arith.constant 1.000000e+00 : f32
    %broadcast_in_dim3A_12 = vector.broadcast %broadcast_in_dim3A_11 : f32 to vector<16xf32>
    %swap3A_13 = arith.constant 32 : index
    %swap3A_14 = tpu.vector_load %arg6[%swap3A_13] {strides = array<i32>} : memref<128xf32, #tpu.memory_space<vmem>>, vector<16xf32>,
    %swap3A_15 = vector.shape_cast %swap3A_14 : vector<16xf32> to vector<16xf32>
    %swap3A_16 = vector.shape_cast %broadcast_in_dim3A_12 : vector<16xf32> to vector<16xf32>
    tpu.vector_store %arg6[%swap3A_13], %swap3A_16 {strides = array<i32>} : memref<128xf32, #tpu.memory_space<vmem>>, vector<16xf32>,
    %broadcast_in_dim3A_17 = arith.constant 1.000000e+00 : f32
    %broadcast_in_dim3A_18 = vector.broadcast %broadcast_in_dim3A_17 : f32 to vector<16xf32>
    %swap3A_19 = arith.constant 48 : index
    %swap3A_20 = tpu.vector_load %arg6[%swap3A_19] {strides = array<i32>} : memref<128xf32, #tpu.memory_space<vmem>>, vector<16xf32>,
    %swap3A_21 = vector.shape_cast %swap3A_20 : vector<16xf32> to vector<16xf32>
    %swap3A_22 = vector.shape_cast %broadcast_in_dim3A_18 : vector<16xf32> to vector<16xf32>
    tpu.vector_store %arg6[%swap3A_19], %swap3A_22 {strides = array<i32>} : memref<128xf32, #tpu.memory_space<vmem>>, vector<16xf32>,
    %broadcast_in_dim3A_23 = arith.constant 1.000000e+00 : f32
    %broadcast_in_dim3A_24 = vector.broadcast %broadcast_in_dim3A_23 : f32 to vector<16xf32>
    %swap3A_25 = arith.constant 64 : index
    %swap3A_26 = tpu.vector_load %arg6[%swap3A_25] {strides = array<i32>} : memref<128xf32, #tpu.memory_space<vmem>>, vector<16xf32>,
    %swap3A_27 = vector.shape_cast %swap3A_26 : vector<16xf32> to vector<16xf32>
    %swap3A_28 = vector.shape_cast %broadcast_in_dim3A_24 : vector<16xf32> to vector<16xf32>
    tpu.vector_store %arg6[%swap3A_25], %swap3A_28 {strides = array<i32>} : memref<128xf32, #tpu.memory_space<vmem>>, vector<16xf32>,
    %broadcast_in_dim3A_29 = arith.constant 1.000000e+00 : f32
    %broadcast_in_dim3A_30 = vector.broadcast %broadcast_in_dim3A_29 : f32 to vector<16xf32>
    %swap3A_31 = arith.constant 80 : index
    %swap3A_32 = tpu.vector_load %arg6[%swap3A_31] {strides = array<i32>} : memref<128xf32, #tpu.memory_space<vmem>>, vector<16xf32>,
    %swap3A_33 = vector.shape_cast %swap3A_32 : vector<16xf32> to vector<16xf32>
    %swap3A_34 = vector.shape_cast %broadcast_in_dim3A_30 : vector<16xf32> to vector<16xf32>
    tpu.vector_store %arg6[%swap3A_31], %swap3A_34 {strides = array<i32>} : memref<128xf32, #tpu.memory_space<vmem>>, vector<16xf32>,
    %broadcast_in_dim3A_35 = arith.constant 1.000000e+00 : f32
    %broadcast_in_dim3A_36 = vector.broadcast %broadcast_in_dim3A_35 : f32 to vector<16xf32>
    %swap3A_37 = arith.constant 96 : index
    %swap3A_38 = tpu.vector_load %arg6[%swap3A_37] {strides = array<i32>} : memref<128xf32, #tpu.memory_space<vmem>>, vector<16xf32>,
    %swap3A_39 = vector.shape_cast %swap3A_38 : vector<16xf32> to vector<16xf32>
    %swap3A_40 = vector.shape_cast %broadcast_in_dim3A_36 : vector<16xf32> to vector<16xf32>
    tpu.vector_store %arg6[%swap3A_37], %swap3A_40 {strides = array<i32>} : memref<128xf32, #tpu.memory_space<vmem>>, vector<16xf32>,
    %broadcast_in_dim3A_41 = arith.constant 1.000000e+00 : f32
    %broadcast_in_dim3A_42 = vector.broadcast %broadcast_in_dim3A_41 : f32 to vector<16xf32>
    %swap3A_43 = arith.constant 112 : index
    %swap3A_44 = tpu.vector_load %arg6[%swap3A_43] {strides = array<i32>} : memref<128xf32, #tpu.memory_space<vmem>>, vector<16xf32>,
    %swap3A_45 = vector.shape_cast %swap3A_44 : vector<16xf32> to vector<16xf32>
    %swap3A_46 = vector.shape_cast %broadcast_in_dim3A_42 : vector<16xf32> to vector<16xf32>
    tpu.vector_store %arg6[%swap3A_43], %swap3A_46 {strides = array<i32>} : memref<128xf32, #tpu.memory_space<vmem>>, vector<16xf32>,
    %mul3A_47 = arith.constant 640 : i32
    %mul3A_48 = arith.muli %arg1, %mul3A_47 : i32
    "tpu.region"() ({
      %run_scoped3A = tpu.sem_alloc : memref<!tpu.dma_semaphore, #tpu.memory_space<semaphore_mem>>
      %dma_start3A = tpu.memref_slice %arg7[%mul3A_48] : memref<10240xf32, #tpu.memory_space<vmem_shared>> -> memref<640xf32, #tpu.memory_space<vmem_shared>>
      %dma_start3A_55 = tpu.memref_slice %arg3[%mul3A_48] : memref<10240xf32, #tpu.memory_space<hbm>> -> memref<640xf32, #tpu.memory_space<hbm>>
      tpu.enqueue_dma source(%dma_start3A_55 : memref<640xf32, #tpu.memory_space<hbm>>) target(%dma_start3A : memref<640xf32, #tpu.memory_space<vmem_shared>>) target_semaphore(%run_scoped3A : memref<!tpu.dma_semaphore, #tpu.memory_space<semaphore_mem>>)
      %dma_wait3A = tpu.memref_slice %arg7[%mul3A_48] : memref<10240xf32, #tpu.memory_space<vmem_shared>> -> memref<640xf32, #tpu.memory_space<vmem_shared>>
      %dma_wait3A_56 = tpu.memref_slice %arg3[%mul3A_48] : memref<10240xf32, #tpu.memory_space<hbm>> -> memref<640xf32, #tpu.memory_space<hbm>>
      tpu.wait_dma2 semaphore(%run_scoped3A : memref<!tpu.dma_semaphore, #tpu.memory_space<semaphore_mem>>) src(%dma_wait3A_56 : memref<640xf32, #tpu.memory_space<hbm>>) dst(%dma_wait3A : memref<640xf32, #tpu.memory_space<vmem_shared>>)
      tpu.yield
    }) : () -> ()
    "tpu.region"() ({
      %run_scoped3A = tpu.sem_alloc : memref<!tpu.dma_semaphore, #tpu.memory_space<semaphore_mem>>
      %dma_start3A = arith.constant 0 : i32
      %dma_start3A_55 = arith.constant 0 : i32
      %dma_start3A_56 = tpu.memref_slice %arg2[%add3A, %dma_start3A, %dma_start3A_55] : memref<32x80x128xi32, #tpu.memory_space<hbm>> -> memref<1x80x128xi32, #tpu.memory_space<hbm>>
      %dma_start3A_57 = tpu.memref_squeeze %dma_start3A_56 : memref<1x80x128xi32, #tpu.memory_space<hbm>> -> memref<80x128xi32, #tpu.memory_space<hbm>>
      %dma_start3A_58 = arith.constant 0 : i32
      %dma_start3A_59 = arith.constant 0 : i32
      %dma_start3A_60 = tpu.memref_slice %arg2[%add3A, %dma_start3A_58, %dma_start3A_59] : memref<32x80x128xi32, #tpu.memory_space<hbm>> -> memref<1x80x128xi32, #tpu.memory_space<hbm>>
      %dma_start3A_61 = tpu.memref_squeeze %dma_start3A_60 : memref<1x80x128xi32, #tpu.memory_space<hbm>> -> memref<80x128xi32, #tpu.memory_space<hbm>>
      tpu.enqueue_dma source(%dma_start3A_61 : memref<80x128xi32, #tpu.memory_space<hbm>>) target(%arg5 : memref<80x128xi32, #tpu.memory_space<vmem>>) target_semaphore(%run_scoped3A : memref<!tpu.dma_semaphore, #tpu.memory_space<semaphore_mem>>)
      %dma_wait3A = arith.constant 0 : i32
      %dma_wait3A_62 = arith.constant 0 : i32
      %dma_wait3A_63 = tpu.memref_slice %arg2[%add3A, %dma_wait3A, %dma_wait3A_62] : memref<32x80x128xi32, #tpu.memory_space<hbm>> -> memref<1x80x128xi32, #tpu.memory_space<hbm>>
      %dma_wait3A_64 = tpu.memref_squeeze %dma_wait3A_63 : memref<1x80x128xi32, #tpu.memory_space<hbm>> -> memref<80x128xi32, #tpu.memory_space<hbm>>
      %dma_wait3A_65 = arith.constant 0 : i32
      %dma_wait3A_66 = arith.constant 0 : i32
      %dma_wait3A_67 = tpu.memref_slice %arg2[%add3A, %dma_wait3A_65, %dma_wait3A_66] : memref<32x80x128xi32, #tpu.memory_space<hbm>> -> memref<1x80x128xi32, #tpu.memory_space<hbm>>
      %dma_wait3A_68 = tpu.memref_squeeze %dma_wait3A_67 : memref<1x80x128xi32, #tpu.memory_space<hbm>> -> memref<80x128xi32, #tpu.memory_space<hbm>>
      tpu.wait_dma2 semaphore(%run_scoped3A : memref<!tpu.dma_semaphore, #tpu.memory_space<semaphore_mem>>) src(%dma_wait3A_68 : memref<80x128xi32, #tpu.memory_space<hbm>>) dst(%arg5 : memref<80x128xi32, #tpu.memory_space<vmem>>)
      tpu.yield
    }) : () -> ()
    %barrier3A = arith.constant 0 : index
    tpu.barrier barrier_id(%barrier3A)
    %scan3A = arith.constant 0 : i32
    %scan3A_49 = arith.constant 0 : i32
    %scan3A_50 = arith.constant 80 : i32
    %scan3A_51 = arith.addi %scan3A_49, %scan3A_50 : i32
    %scan3A_52 = arith.constant 1 : i32
    scf.for %scan3A_55 = %scan3A_49 to %scan3A_51 step %scan3A_52  : i32 {
      "tpu.region"() ({
        %run_scoped3A = tpu.sem_alloc : memref<!tpu.dma_semaphore, #tpu.memory_space<semaphore_mem>>
        %dma_start3A = arith.constant 0 : i32
        %dma_start3A_56 = tpu.memref_slice %arg5[%scan3A_55, %dma_start3A] : memref<80x128xi32, #tpu.memory_space<vmem>> -> memref<1x128xi32, #tpu.memory_space<vmem>>
        %dma_start3A_57 = tpu.memref_squeeze %dma_start3A_56 : memref<1x128xi32, #tpu.memory_space<vmem>> -> memref<128xi32, #tpu.memory_space<vmem>>
        %dma_start3A_58 = arith.constant 0 : i32
        %dma_start3A_59 = tpu.memref_slice %arg7[%dma_start3A_58] : memref<10240xf32, #tpu.memory_space<vmem_shared>> -> memref<10240xf32, #tpu.memory_space<vmem_shared>>
        tpu.enqueue_indirect_dma source(%arg6 : memref<128xf32, #tpu.memory_space<vmem>>) target(%dma_start3A_59 : memref<10240xf32, #tpu.memory_space<vmem_shared>>) offsets(%dma_start3A_57 : memref<128xi32, #tpu.memory_space<vmem>>) semaphore(%run_scoped3A : memref<!tpu.dma_semaphore, #tpu.memory_space<semaphore_mem>>) {add = true}
        %dma_wait3A = arith.constant 0 : i32
        %dma_wait3A_60 = tpu.memref_slice %arg5[%scan3A_55, %dma_wait3A] : memref<80x128xi32, #tpu.memory_space<vmem>> -> memref<1x128xi32, #tpu.memory_space<vmem>>
        %dma_wait3A_61 = tpu.memref_squeeze %dma_wait3A_60 : memref<1x128xi32, #tpu.memory_space<vmem>> -> memref<128xi32, #tpu.memory_space<vmem>>
        %dma_wait3A_62 = arith.constant 0 : i32
        %dma_wait3A_63 = tpu.memref_slice %arg7[%dma_wait3A_62] : memref<10240xf32, #tpu.memory_space<vmem_shared>> -> memref<10240xf32, #tpu.memory_space<vmem_shared>>
        tpu.wait_indirect_dma semaphore(%run_scoped3A : memref<!tpu.dma_semaphore, #tpu.memory_space<semaphore_mem>>) src(%arg6 : memref<128xf32, #tpu.memory_space<vmem>>) dst(%dma_wait3A_63 : memref<10240xf32, #tpu.memory_space<vmem_shared>>)
        tpu.yield
      }) : () -> ()
    }
    %scan3A_53 = arith.constant 80 : i32
    %barrier3A_54 = arith.constant 0 : index
    tpu.barrier barrier_id(%barrier3A_54)
    "tpu.region"() ({
      %run_scoped3A = tpu.sem_alloc : memref<!tpu.dma_semaphore, #tpu.memory_space<semaphore_mem>>
      %dma_start3A = arith.constant 0 : i32
      %dma_start3A_55 = tpu.memref_slice %arg4[%arg0, %dma_start3A] : memref<2x10240xf32, #tpu.memory_space<hbm>> -> memref<1x10240xf32, #tpu.memory_space<hbm>>
      %dma_start3A_56 = tpu.memref_squeeze %dma_start3A_55 : memref<1x10240xf32, #tpu.memory_space<hbm>> -> memref<10240xf32, #tpu.memory_space<hbm>>
      %dma_start3A_57 = tpu.memref_slice %dma_start3A_56[%mul3A_48] : memref<10240xf32, #tpu.memory_space<hbm>> -> memref<640xf32, #tpu.memory_space<hbm>>
      %dma_start3A_58 = tpu.memref_slice %arg7[%mul3A_48] : memref<10240xf32, #tpu.memory_space<vmem_shared>> -> memref<640xf32, #tpu.memory_space<vmem_shared>>
      tpu.enqueue_dma source(%dma_start3A_58 : memref<640xf32, #tpu.memory_space<vmem_shared>>) target(%dma_start3A_57 : memref<640xf32, #tpu.memory_space<hbm>>) target_semaphore(%run_scoped3A : memref<!tpu.dma_semaphore, #tpu.memory_space<semaphore_mem>>)
      %dma_wait3A = arith.constant 0 : i32
      %dma_wait3A_59 = tpu.memref_slice %arg4[%arg0, %dma_wait3A] : memref<2x10240xf32, #tpu.memory_space<hbm>> -> memref<1x10240xf32, #tpu.memory_space<hbm>>
      %dma_wait3A_60 = tpu.memref_squeeze %dma_wait3A_59 : memref<1x10240xf32, #tpu.memory_space<hbm>> -> memref<10240xf32, #tpu.memory_space<hbm>>
      %dma_wait3A_61 = tpu.memref_slice %dma_wait3A_60[%mul3A_48] : memref<10240xf32, #tpu.memory_space<hbm>> -> memref<640xf32, #tpu.memory_space<hbm>>
      %dma_wait3A_62 = tpu.memref_slice %arg7[%mul3A_48] : memref<10240xf32, #tpu.memory_space<vmem_shared>> -> memref<640xf32, #tpu.memory_space<vmem_shared>>
      tpu.wait_dma2 semaphore(%run_scoped3A : memref<!tpu.dma_semaphore, #tpu.memory_space<semaphore_mem>>) src(%dma_wait3A_62 : memref<640xf32, #tpu.memory_space<vmem_shared>>) dst(%dma_wait3A_61 : memref<640xf32, #tpu.memory_space<hbm>>)
      tpu.yield
    }) : () -> ()
    return
  }
}

#map = affine_map<(d0, d1) -> (0, 0)>
#map1 = affine_map<(d0, d1) -> (0, 0, 0)>
module attributes {stable_mosaic.version = 14 : i64} {
  func.func @_sc_scatter(%arg0: i32, %arg1: i32, %arg2: memref<10000x128xf32, #tpu.memory_space<hbm>>, %arg3: memref<32x80x128xi32, #tpu.memory_space<hbm>>, %arg4: memref<32x80x128xi32, #tpu.memory_space<hbm>>, %arg5: memref<10240x128xf32, #tpu.memory_space<hbm>>, %arg6: memref<2x10240x128xf32, #tpu.memory_space<hbm>>, %arg7: memref<40x128xi32, #tpu.memory_space<vmem>>, %arg8: memref<40x128xi32, #tpu.memory_space<vmem>>, %arg9: memref<128x128xf32, #tpu.memory_space<vmem>>, %arg10: memref<128x128xf32, #tpu.memory_space<vmem>>, %arg11: memref<10240x128xf32, #tpu.memory_space<vmem_shared>>, %arg12: memref<!tpu.dma_semaphore, #tpu.memory_space<semaphore_mem>>, %arg13: memref<!tpu.dma_semaphore, #tpu.memory_space<semaphore_mem>>, %arg14: memref<!tpu.dma_semaphore, #tpu.memory_space<semaphore_mem>>) attributes {dimension_semantics = [#tpu.dimension_semantics<core_parallel>, #tpu.dimension_semantics<subcore_parallel>], iteration_bounds = array<i64: 2, 16>, scalar_prefetch = 0 : i64, scratch_operands = 8 : i64, tpu.core_type = #tpu.core_type<sc_vector_subcore>, window_params = [{transform_indices = #map}, {transform_indices = #map1}, {transform_indices = #map1}, {transform_indices = #map}, {transform_indices = #map1}]} {
    %mul3A = arith.constant 16 : i32
    %mul3A_0 = arith.muli %arg0, %mul3A : i32
    %add3A = arith.addi %mul3A_0, %arg1 : i32
    %mul3A_1 = arith.constant 640 : i32
    %mul3A_2 = arith.muli %arg1, %mul3A_1 : i32
    %dma_start3A = arith.constant 0 : i32
    %dma_start3A_3 = tpu.memref_slice %arg11[%mul3A_2, %dma_start3A] : memref<10240x128xf32, #tpu.memory_space<vmem_shared>> -> memref<640x128xf32, #tpu.memory_space<vmem_shared>>
    %dma_start3A_4 = arith.constant 0 : i32
    %dma_start3A_5 = tpu.memref_slice %arg5[%mul3A_2, %dma_start3A_4] : memref<10240x128xf32, #tpu.memory_space<hbm>> -> memref<640x128xf32, #tpu.memory_space<hbm>>
    tpu.enqueue_dma source(%dma_start3A_5 : memref<640x128xf32, #tpu.memory_space<hbm>>) target(%dma_start3A_3 : memref<640x128xf32, #tpu.memory_space<vmem_shared>>) target_semaphore(%arg14 : memref<!tpu.dma_semaphore, #tpu.memory_space<semaphore_mem>>)
    "tpu.region"() ({
      %run_scoped3A = tpu.sem_alloc : memref<!tpu.dma_semaphore, #tpu.memory_space<semaphore_mem>>
      %dma_start3A_35 = arith.constant 0 : i32
      %dma_start3A_36 = arith.constant 0 : i32
      %dma_start3A_37 = tpu.memref_slice %arg3[%add3A, %dma_start3A_35, %dma_start3A_36] : memref<32x80x128xi32, #tpu.memory_space<hbm>> -> memref<1x80x128xi32, #tpu.memory_space<hbm>>
      %dma_start3A_38 = tpu.memref_squeeze %dma_start3A_37 : memref<1x80x128xi32, #tpu.memory_space<hbm>> -> memref<80x128xi32, #tpu.memory_space<hbm>>
      %dma_start3A_39 = arith.constant 0 : i32
      %dma_start3A_40 = arith.constant 0 : i32
      %dma_start3A_41 = tpu.memref_slice %dma_start3A_38[%dma_start3A_39, %dma_start3A_40] : memref<80x128xi32, #tpu.memory_space<hbm>> -> memref<40x128xi32, #tpu.memory_space<hbm>>
      %dma_start3A_42 = arith.constant 0 : i32
      %dma_start3A_43 = arith.constant 0 : i32
      %dma_start3A_44 = tpu.memref_slice %arg3[%add3A, %dma_start3A_42, %dma_start3A_43] : memref<32x80x128xi32, #tpu.memory_space<hbm>> -> memref<1x80x128xi32, #tpu.memory_space<hbm>>
      %dma_start3A_45 = tpu.memref_squeeze %dma_start3A_44 : memref<1x80x128xi32, #tpu.memory_space<hbm>> -> memref<80x128xi32, #tpu.memory_space<hbm>>
      %dma_start3A_46 = arith.constant 0 : i32
      %dma_start3A_47 = arith.constant 0 : i32
      %dma_start3A_48 = tpu.memref_slice %dma_start3A_45[%dma_start3A_46, %dma_start3A_47] : memref<80x128xi32, #tpu.memory_space<hbm>> -> memref<40x128xi32, #tpu.memory_space<hbm>>
      tpu.enqueue_dma source(%dma_start3A_48 : memref<40x128xi32, #tpu.memory_space<hbm>>) target(%arg7 : memref<40x128xi32, #tpu.memory_space<vmem>>) target_semaphore(%run_scoped3A : memref<!tpu.dma_semaphore, #tpu.memory_space<semaphore_mem>>)
      %dma_wait3A_49 = arith.constant 0 : i32
      %dma_wait3A_50 = arith.constant 0 : i32
      %dma_wait3A_51 = tpu.memref_slice %arg3[%add3A, %dma_wait3A_49, %dma_wait3A_50] : memref<32x80x128xi32, #tpu.memory_space<hbm>> -> memref<1x80x128xi32, #tpu.memory_space<hbm>>
      %dma_wait3A_52 = tpu.memref_squeeze %dma_wait3A_51 : memref<1x80x128xi32, #tpu.memory_space<hbm>> -> memref<80x128xi32, #tpu.memory_space<hbm>>
      %dma_wait3A_53 = arith.constant 0 : i32
      %dma_wait3A_54 = arith.constant 0 : i32
      %dma_wait3A_55 = tpu.memref_slice %dma_wait3A_52[%dma_wait3A_53, %dma_wait3A_54] : memref<80x128xi32, #tpu.memory_space<hbm>> -> memref<40x128xi32, #tpu.memory_space<hbm>>
      %dma_wait3A_56 = arith.constant 0 : i32
      %dma_wait3A_57 = arith.constant 0 : i32
      %dma_wait3A_58 = tpu.memref_slice %arg3[%add3A, %dma_wait3A_56, %dma_wait3A_57] : memref<32x80x128xi32, #tpu.memory_space<hbm>> -> memref<1x80x128xi32, #tpu.memory_space<hbm>>
      %dma_wait3A_59 = tpu.memref_squeeze %dma_wait3A_58 : memref<1x80x128xi32, #tpu.memory_space<hbm>> -> memref<80x128xi32, #tpu.memory_space<hbm>>
      %dma_wait3A_60 = arith.constant 0 : i32
      %dma_wait3A_61 = arith.constant 0 : i32
      %dma_wait3A_62 = tpu.memref_slice %dma_wait3A_59[%dma_wait3A_60, %dma_wait3A_61] : memref<80x128xi32, #tpu.memory_space<hbm>> -> memref<40x128xi32, #tpu.memory_space<hbm>>
      tpu.wait_dma2 semaphore(%run_scoped3A : memref<!tpu.dma_semaphore, #tpu.memory_space<semaphore_mem>>) src(%dma_wait3A_62 : memref<40x128xi32, #tpu.memory_space<hbm>>) dst(%arg7 : memref<40x128xi32, #tpu.memory_space<vmem>>)
      tpu.yield
    }) : () -> ()
    "tpu.region"() ({
      %run_scoped3A = tpu.sem_alloc : memref<!tpu.dma_semaphore, #tpu.memory_space<semaphore_mem>>
      %dma_start3A_35 = arith.constant 0 : i32
      %dma_start3A_36 = arith.constant 0 : i32
      %dma_start3A_37 = tpu.memref_slice %arg4[%add3A, %dma_start3A_35, %dma_start3A_36] : memref<32x80x128xi32, #tpu.memory_space<hbm>> -> memref<1x80x128xi32, #tpu.memory_space<hbm>>
      %dma_start3A_38 = tpu.memref_squeeze %dma_start3A_37 : memref<1x80x128xi32, #tpu.memory_space<hbm>> -> memref<80x128xi32, #tpu.memory_space<hbm>>
      %dma_start3A_39 = arith.constant 0 : i32
      %dma_start3A_40 = arith.constant 0 : i32
      %dma_start3A_41 = tpu.memref_slice %dma_start3A_38[%dma_start3A_39, %dma_start3A_40] : memref<80x128xi32, #tpu.memory_space<hbm>> -> memref<40x128xi32, #tpu.memory_space<hbm>>
      %dma_start3A_42 = arith.constant 0 : i32
      %dma_start3A_43 = arith.constant 0 : i32
      %dma_start3A_44 = tpu.memref_slice %arg4[%add3A, %dma_start3A_42, %dma_start3A_43] : memref<32x80x128xi32, #tpu.memory_space<hbm>> -> memref<1x80x128xi32, #tpu.memory_space<hbm>>
      %dma_start3A_45 = tpu.memref_squeeze %dma_start3A_44 : memref<1x80x128xi32, #tpu.memory_space<hbm>> -> memref<80x128xi32, #tpu.memory_space<hbm>>
      %dma_start3A_46 = arith.constant 0 : i32
      %dma_start3A_47 = arith.constant 0 : i32
      %dma_start3A_48 = tpu.memref_slice %dma_start3A_45[%dma_start3A_46, %dma_start3A_47] : memref<80x128xi32, #tpu.memory_space<hbm>> -> memref<40x128xi32, #tpu.memory_space<hbm>>
      tpu.enqueue_dma source(%dma_start3A_48 : memref<40x128xi32, #tpu.memory_space<hbm>>) target(%arg8 : memref<40x128xi32, #tpu.memory_space<vmem>>) target_semaphore(%run_scoped3A : memref<!tpu.dma_semaphore, #tpu.memory_space<semaphore_mem>>)
      %dma_wait3A_49 = arith.constant 0 : i32
      %dma_wait3A_50 = arith.constant 0 : i32
      %dma_wait3A_51 = tpu.memref_slice %arg4[%add3A, %dma_wait3A_49, %dma_wait3A_50] : memref<32x80x128xi32, #tpu.memory_space<hbm>> -> memref<1x80x128xi32, #tpu.memory_space<hbm>>
      %dma_wait3A_52 = tpu.memref_squeeze %dma_wait3A_51 : memref<1x80x128xi32, #tpu.memory_space<hbm>> -> memref<80x128xi32, #tpu.memory_space<hbm>>
      %dma_wait3A_53 = arith.constant 0 : i32
      %dma_wait3A_54 = arith.constant 0 : i32
      %dma_wait3A_55 = tpu.memref_slice %dma_wait3A_52[%dma_wait3A_53, %dma_wait3A_54] : memref<80x128xi32, #tpu.memory_space<hbm>> -> memref<40x128xi32, #tpu.memory_space<hbm>>
      %dma_wait3A_56 = arith.constant 0 : i32
      %dma_wait3A_57 = arith.constant 0 : i32
      %dma_wait3A_58 = tpu.memref_slice %arg4[%add3A, %dma_wait3A_56, %dma_wait3A_57] : memref<32x80x128xi32, #tpu.memory_space<hbm>> -> memref<1x80x128xi32, #tpu.memory_space<hbm>>
      %dma_wait3A_59 = tpu.memref_squeeze %dma_wait3A_58 : memref<1x80x128xi32, #tpu.memory_space<hbm>> -> memref<80x128xi32, #tpu.memory_space<hbm>>
      %dma_wait3A_60 = arith.constant 0 : i32
      %dma_wait3A_61 = arith.constant 0 : i32
      %dma_wait3A_62 = tpu.memref_slice %dma_wait3A_59[%dma_wait3A_60, %dma_wait3A_61] : memref<80x128xi32, #tpu.memory_space<hbm>> -> memref<40x128xi32, #tpu.memory_space<hbm>>
      tpu.wait_dma2 semaphore(%run_scoped3A : memref<!tpu.dma_semaphore, #tpu.memory_space<semaphore_mem>>) src(%dma_wait3A_62 : memref<40x128xi32, #tpu.memory_space<hbm>>) dst(%arg8 : memref<40x128xi32, #tpu.memory_space<vmem>>)
      tpu.yield
    }) : () -> ()
    %dma_wait3A = arith.constant 0 : i32
    %dma_wait3A_6 = tpu.memref_slice %arg11[%mul3A_2, %dma_wait3A] : memref<10240x128xf32, #tpu.memory_space<vmem_shared>> -> memref<640x128xf32, #tpu.memory_space<vmem_shared>>
    %dma_wait3A_7 = arith.constant 0 : i32
    %dma_wait3A_8 = tpu.memref_slice %arg5[%mul3A_2, %dma_wait3A_7] : memref<10240x128xf32, #tpu.memory_space<hbm>> -> memref<640x128xf32, #tpu.memory_space<hbm>>
    tpu.wait_dma2 semaphore(%arg14 : memref<!tpu.dma_semaphore, #tpu.memory_space<semaphore_mem>>) src(%dma_wait3A_8 : memref<640x128xf32, #tpu.memory_space<hbm>>) dst(%dma_wait3A_6 : memref<640x128xf32, #tpu.memory_space<vmem_shared>>)
    %barrier3A = arith.constant 0 : index
    tpu.barrier barrier_id(%barrier3A)
    %dma_start3A_9 = arith.constant 0 : i32
    %dma_start3A_10 = arith.constant 0 : i32
    %dma_start3A_11 = tpu.memref_slice %arg7[%dma_start3A_9, %dma_start3A_10] : memref<40x128xi32, #tpu.memory_space<vmem>> -> memref<1x128xi32, #tpu.memory_space<vmem>>
    %dma_start3A_12 = tpu.memref_squeeze %dma_start3A_11 : memref<1x128xi32, #tpu.memory_space<vmem>> -> memref<128xi32, #tpu.memory_space<vmem>>
    %dma_start3A_13 = arith.constant 0 : i32
    %dma_start3A_14 = arith.constant 0 : i32
    %dma_start3A_15 = tpu.memref_slice %arg2[%dma_start3A_13, %dma_start3A_14] : memref<10000x128xf32, #tpu.memory_space<hbm>> -> memref<10000x128xf32, #tpu.memory_space<hbm>>
    tpu.enqueue_indirect_dma source(%dma_start3A_15 : memref<10000x128xf32, #tpu.memory_space<hbm>>) target(%arg9 : memref<128x128xf32, #tpu.memory_space<vmem>>) offsets(%dma_start3A_12 : memref<128xi32, #tpu.memory_space<vmem>>) semaphore(%arg12 : memref<!tpu.dma_semaphore, #tpu.memory_space<semaphore_mem>>)
    %scan3A = arith.constant 0 : i32
    %scan3A_16 = arith.constant 0 : i32
    %scan3A_17 = arith.constant 20 : i32
    %scan3A_18 = arith.addi %scan3A_16, %scan3A_17 : i32
    %scan3A_19 = arith.constant 1 : i32
    scf.for %scan3A_35 = %scan3A_16 to %scan3A_18 step %scan3A_19  : i32 {
      %mul3A_36 = arith.constant 2 : i32
      %mul3A_37 = arith.muli %mul3A_36, %scan3A_35 : i32
      %add3A_38 = arith.constant 1 : i32
      %add3A_39 = arith.addi %mul3A_37, %add3A_38 : i32
      %dma_start3A_40 = arith.constant 0 : i32
      %dma_start3A_41 = tpu.memref_slice %arg7[%add3A_39, %dma_start3A_40] : memref<40x128xi32, #tpu.memory_space<vmem>> -> memref<1x128xi32, #tpu.memory_space<vmem>>
      %dma_start3A_42 = tpu.memref_squeeze %dma_start3A_41 : memref<1x128xi32, #tpu.memory_space<vmem>> -> memref<128xi32, #tpu.memory_space<vmem>>
      %dma_start3A_43 = arith.constant 0 : i32
      %dma_start3A_44 = arith.constant 0 : i32
      %dma_start3A_45 = tpu.memref_slice %arg2[%dma_start3A_43, %dma_start3A_44] : memref<10000x128xf32, #tpu.memory_space<hbm>> -> memref<10000x128xf32, #tpu.memory_space<hbm>>
      tpu.enqueue_indirect_dma source(%dma_start3A_45 : memref<10000x128xf32, #tpu.memory_space<hbm>>) target(%arg10 : memref<128x128xf32, #tpu.memory_space<vmem>>) offsets(%dma_start3A_42 : memref<128xi32, #tpu.memory_space<vmem>>) semaphore(%arg13 : memref<!tpu.dma_semaphore, #tpu.memory_space<semaphore_mem>>)
      %dma_wait3A_46 = arith.constant 0 : i32
      %dma_wait3A_47 = tpu.memref_slice %arg7[%mul3A_37, %dma_wait3A_46] : memref<40x128xi32, #tpu.memory_space<vmem>> -> memref<1x128xi32, #tpu.memory_space<vmem>>
      %dma_wait3A_48 = tpu.memref_squeeze %dma_wait3A_47 : memref<1x128xi32, #tpu.memory_space<vmem>> -> memref<128xi32, #tpu.memory_space<vmem>>
      %dma_wait3A_49 = arith.constant 0 : i32
      %dma_wait3A_50 = arith.constant 0 : i32
      %dma_wait3A_51 = tpu.memref_slice %arg2[%dma_wait3A_49, %dma_wait3A_50] : memref<10000x128xf32, #tpu.memory_space<hbm>> -> memref<10000x128xf32, #tpu.memory_space<hbm>>
      tpu.wait_indirect_dma semaphore(%arg12 : memref<!tpu.dma_semaphore, #tpu.memory_space<semaphore_mem>>) src(%dma_wait3A_51 : memref<10000x128xf32, #tpu.memory_space<hbm>>) dst(%arg9 : memref<128x128xf32, #tpu.memory_space<vmem>>)
      "tpu.region"() ({
        %run_scoped3A = tpu.sem_alloc : memref<!tpu.dma_semaphore, #tpu.memory_space<semaphore_mem>>
        %dma_start3A_66 = arith.constant 0 : i32
        %dma_start3A_67 = tpu.memref_slice %arg8[%mul3A_37, %dma_start3A_66] : memref<40x128xi32, #tpu.memory_space<vmem>> -> memref<1x128xi32, #tpu.memory_space<vmem>>
        %dma_start3A_68 = tpu.memref_squeeze %dma_start3A_67 : memref<1x128xi32, #tpu.memory_space<vmem>> -> memref<128xi32, #tpu.memory_space<vmem>>
        %dma_start3A_69 = arith.constant 0 : i32
        %dma_start3A_70 = arith.constant 0 : i32
        %dma_start3A_71 = tpu.memref_slice %arg11[%dma_start3A_69, %dma_start3A_70] : memref<10240x128xf32, #tpu.memory_space<vmem_shared>> -> memref<10240x128xf32, #tpu.memory_space<vmem_shared>>
        tpu.enqueue_indirect_dma source(%arg9 : memref<128x128xf32, #tpu.memory_space<vmem>>) target(%dma_start3A_71 : memref<10240x128xf32, #tpu.memory_space<vmem_shared>>) offsets(%dma_start3A_68 : memref<128xi32, #tpu.memory_space<vmem>>) semaphore(%run_scoped3A : memref<!tpu.dma_semaphore, #tpu.memory_space<semaphore_mem>>) {add = true}
        %dma_wait3A_72 = arith.constant 0 : i32
        %dma_wait3A_73 = tpu.memref_slice %arg8[%mul3A_37, %dma_wait3A_72] : memref<40x128xi32, #tpu.memory_space<vmem>> -> memref<1x128xi32, #tpu.memory_space<vmem>>
        %dma_wait3A_74 = tpu.memref_squeeze %dma_wait3A_73 : memref<1x128xi32, #tpu.memory_space<vmem>> -> memref<128xi32, #tpu.memory_space<vmem>>
        %dma_wait3A_75 = arith.constant 0 : i32
        %dma_wait3A_76 = arith.constant 0 : i32
        %dma_wait3A_77 = tpu.memref_slice %arg11[%dma_wait3A_75, %dma_wait3A_76] : memref<10240x128xf32, #tpu.memory_space<vmem_shared>> -> memref<10240x128xf32, #tpu.memory_space<vmem_shared>>
        tpu.wait_indirect_dma semaphore(%run_scoped3A : memref<!tpu.dma_semaphore, #tpu.memory_space<semaphore_mem>>) src(%arg9 : memref<128x128xf32, #tpu.memory_space<vmem>>) dst(%dma_wait3A_77 : memref<10240x128xf32, #tpu.memory_space<vmem_shared>>)
        tpu.yield
      }) : () -> ()
      %add3A_52 = arith.constant 1 : i32
      %add3A_53 = arith.addi %scan3A_35, %add3A_52 : i32
      %lt3A = arith.constant 20 : i32
      %lt3A_54 = arith.cmpi slt, %add3A_53, %lt3A : i32
      %convert_element_type3A = arith.extui %lt3A_54 : i1 to i32
      %cond3A = arith.constant 0 : i32
      %cond3A_55 = arith.cmpi ne, %convert_element_type3A, %cond3A : i32
      scf.if %cond3A_55 {
        %add3A_66 = arith.constant 2 : i32
        %add3A_67 = arith.addi %mul3A_37, %add3A_66 : i32
        %dma_start3A_68 = arith.constant 0 : i32
        %dma_start3A_69 = tpu.memref_slice %arg7[%add3A_67, %dma_start3A_68] : memref<40x128xi32, #tpu.memory_space<vmem>> -> memref<1x128xi32, #tpu.memory_space<vmem>>
        %dma_start3A_70 = tpu.memref_squeeze %dma_start3A_69 : memref<1x128xi32, #tpu.memory_space<vmem>> -> memref<128xi32, #tpu.memory_space<vmem>>
        %dma_start3A_71 = arith.constant 0 : i32
        %dma_start3A_72 = arith.constant 0 : i32
        %dma_start3A_73 = tpu.memref_slice %arg2[%dma_start3A_71, %dma_start3A_72] : memref<10000x128xf32, #tpu.memory_space<hbm>> -> memref<10000x128xf32, #tpu.memory_space<hbm>>
        tpu.enqueue_indirect_dma source(%dma_start3A_73 : memref<10000x128xf32, #tpu.memory_space<hbm>>) target(%arg9 : memref<128x128xf32, #tpu.memory_space<vmem>>) offsets(%dma_start3A_70 : memref<128xi32, #tpu.memory_space<vmem>>) semaphore(%arg12 : memref<!tpu.dma_semaphore, #tpu.memory_space<semaphore_mem>>)
      } else {
      }
      %add3A_56 = arith.constant 1 : i32
      %add3A_57 = arith.addi %mul3A_37, %add3A_56 : i32
      %dma_wait3A_58 = arith.constant 0 : i32
      %dma_wait3A_59 = tpu.memref_slice %arg7[%add3A_57, %dma_wait3A_58] : memref<40x128xi32, #tpu.memory_space<vmem>> -> memref<1x128xi32, #tpu.memory_space<vmem>>
      %dma_wait3A_60 = tpu.memref_squeeze %dma_wait3A_59 : memref<1x128xi32, #tpu.memory_space<vmem>> -> memref<128xi32, #tpu.memory_space<vmem>>
      %dma_wait3A_61 = arith.constant 0 : i32
      %dma_wait3A_62 = arith.constant 0 : i32
      %dma_wait3A_63 = tpu.memref_slice %arg2[%dma_wait3A_61, %dma_wait3A_62] : memref<10000x128xf32, #tpu.memory_space<hbm>> -> memref<10000x128xf32, #tpu.memory_space<hbm>>
      tpu.wait_indirect_dma semaphore(%arg13 : memref<!tpu.dma_semaphore, #tpu.memory_space<semaphore_mem>>) src(%dma_wait3A_63 : memref<10000x128xf32, #tpu.memory_space<hbm>>) dst(%arg10 : memref<128x128xf32, #tpu.memory_space<vmem>>)
      %add3A_64 = arith.constant 1 : i32
      %add3A_65 = arith.addi %mul3A_37, %add3A_64 : i32
      "tpu.region"() ({
        %run_scoped3A = tpu.sem_alloc : memref<!tpu.dma_semaphore, #tpu.memory_space<semaphore_mem>>
        %dma_start3A_66 = arith.constant 0 : i32
        %dma_start3A_67 = tpu.memref_slice %arg8[%add3A_65, %dma_start3A_66] : memref<40x128xi32, #tpu.memory_space<vmem>> -> memref<1x128xi32, #tpu.memory_space<vmem>>
        %dma_start3A_68 = tpu.memref_squeeze %dma_start3A_67 : memref<1x128xi32, #tpu.memory_space<vmem>> -> memref<128xi32, #tpu.memory_space<vmem>>
        %dma_start3A_69 = arith.constant 0 : i32
        %dma_start3A_70 = arith.constant 0 : i32
        %dma_start3A_71 = tpu.memref_slice %arg11[%dma_start3A_69, %dma_start3A_70] : memref<10240x128xf32, #tpu.memory_space<vmem_shared>> -> memref<10240x128xf32, #tpu.memory_space<vmem_shared>>
        tpu.enqueue_indirect_dma source(%arg10 : memref<128x128xf32, #tpu.memory_space<vmem>>) target(%dma_start3A_71 : memref<10240x128xf32, #tpu.memory_space<vmem_shared>>) offsets(%dma_start3A_68 : memref<128xi32, #tpu.memory_space<vmem>>) semaphore(%run_scoped3A : memref<!tpu.dma_semaphore, #tpu.memory_space<semaphore_mem>>) {add = true}
        %dma_wait3A_72 = arith.constant 0 : i32
        %dma_wait3A_73 = tpu.memref_slice %arg8[%add3A_65, %dma_wait3A_72] : memref<40x128xi32, #tpu.memory_space<vmem>> -> memref<1x128xi32, #tpu.memory_space<vmem>>
        %dma_wait3A_74 = tpu.memref_squeeze %dma_wait3A_73 : memref<1x128xi32, #tpu.memory_space<vmem>> -> memref<128xi32, #tpu.memory_space<vmem>>
        %dma_wait3A_75 = arith.constant 0 : i32
        %dma_wait3A_76 = arith.constant 0 : i32
        %dma_wait3A_77 = tpu.memref_slice %arg11[%dma_wait3A_75, %dma_wait3A_76] : memref<10240x128xf32, #tpu.memory_space<vmem_shared>> -> memref<10240x128xf32, #tpu.memory_space<vmem_shared>>
        tpu.wait_indirect_dma semaphore(%run_scoped3A : memref<!tpu.dma_semaphore, #tpu.memory_space<semaphore_mem>>) src(%arg10 : memref<128x128xf32, #tpu.memory_space<vmem>>) dst(%dma_wait3A_77 : memref<10240x128xf32, #tpu.memory_space<vmem_shared>>)
        tpu.yield
      }) : () -> ()
    }
    %scan3A_20 = arith.constant 20 : i32
    "tpu.region"() ({
      %run_scoped3A = tpu.sem_alloc : memref<!tpu.dma_semaphore, #tpu.memory_space<semaphore_mem>>
      %dma_start3A_35 = arith.constant 0 : i32
      %dma_start3A_36 = arith.constant 0 : i32
      %dma_start3A_37 = tpu.memref_slice %arg3[%add3A, %dma_start3A_35, %dma_start3A_36] : memref<32x80x128xi32, #tpu.memory_space<hbm>> -> memref<1x80x128xi32, #tpu.memory_space<hbm>>
      %dma_start3A_38 = tpu.memref_squeeze %dma_start3A_37 : memref<1x80x128xi32, #tpu.memory_space<hbm>> -> memref<80x128xi32, #tpu.memory_space<hbm>>
      %dma_start3A_39 = arith.constant 40 : i32
      %dma_start3A_40 = arith.constant 0 : i32
      %dma_start3A_41 = tpu.memref_slice %dma_start3A_38[%dma_start3A_39, %dma_start3A_40] : memref<80x128xi32, #tpu.memory_space<hbm>> -> memref<40x128xi32, #tpu.memory_space<hbm>>
      %dma_start3A_42 = arith.constant 0 : i32
      %dma_start3A_43 = arith.constant 0 : i32
      %dma_start3A_44 = tpu.memref_slice %arg3[%add3A, %dma_start3A_42, %dma_start3A_43] : memref<32x80x128xi32, #tpu.memory_space<hbm>> -> memref<1x80x128xi32, #tpu.memory_space<hbm>>
      %dma_start3A_45 = tpu.memref_squeeze %dma_start3A_44 : memref<1x80x128xi32, #tpu.memory_space<hbm>> -> memref<80x128xi32, #tpu.memory_space<hbm>>
      %dma_start3A_46 = arith.constant 40 : i32
      %dma_start3A_47 = arith.constant 0 : i32
      %dma_start3A_48 = tpu.memref_slice %dma_start3A_45[%dma_start3A_46, %dma_start3A_47] : memref<80x128xi32, #tpu.memory_space<hbm>> -> memref<40x128xi32, #tpu.memory_space<hbm>>
      tpu.enqueue_dma source(%dma_start3A_48 : memref<40x128xi32, #tpu.memory_space<hbm>>) target(%arg7 : memref<40x128xi32, #tpu.memory_space<vmem>>) target_semaphore(%run_scoped3A : memref<!tpu.dma_semaphore, #tpu.memory_space<semaphore_mem>>)
      %dma_wait3A_49 = arith.constant 0 : i32
      %dma_wait3A_50 = arith.constant 0 : i32
      %dma_wait3A_51 = tpu.memref_slice %arg3[%add3A, %dma_wait3A_49, %dma_wait3A_50] : memref<32x80x128xi32, #tpu.memory_space<hbm>> -> memref<1x80x128xi32, #tpu.memory_space<hbm>>
      %dma_wait3A_52 = tpu.memref_squeeze %dma_wait3A_51 : memref<1x80x128xi32, #tpu.memory_space<hbm>> -> memref<80x128xi32, #tpu.memory_space<hbm>>
      %dma_wait3A_53 = arith.constant 40 : i32
      %dma_wait3A_54 = arith.constant 0 : i32
      %dma_wait3A_55 = tpu.memref_slice %dma_wait3A_52[%dma_wait3A_53, %dma_wait3A_54] : memref<80x128xi32, #tpu.memory_space<hbm>> -> memref<40x128xi32, #tpu.memory_space<hbm>>
      %dma_wait3A_56 = arith.constant 0 : i32
      %dma_wait3A_57 = arith.constant 0 : i32
      %dma_wait3A_58 = tpu.memref_slice %arg3[%add3A, %dma_wait3A_56, %dma_wait3A_57] : memref<32x80x128xi32, #tpu.memory_space<hbm>> -> memref<1x80x128xi32, #tpu.memory_space<hbm>>
      %dma_wait3A_59 = tpu.memref_squeeze %dma_wait3A_58 : memref<1x80x128xi32, #tpu.memory_space<hbm>> -> memref<80x128xi32, #tpu.memory_space<hbm>>
      %dma_wait3A_60 = arith.constant 40 : i32
      %dma_wait3A_61 = arith.constant 0 : i32
      %dma_wait3A_62 = tpu.memref_slice %dma_wait3A_59[%dma_wait3A_60, %dma_wait3A_61] : memref<80x128xi32, #tpu.memory_space<hbm>> -> memref<40x128xi32, #tpu.memory_space<hbm>>
      tpu.wait_dma2 semaphore(%run_scoped3A : memref<!tpu.dma_semaphore, #tpu.memory_space<semaphore_mem>>) src(%dma_wait3A_62 : memref<40x128xi32, #tpu.memory_space<hbm>>) dst(%arg7 : memref<40x128xi32, #tpu.memory_space<vmem>>)
      tpu.yield
    }) : () -> ()
    "tpu.region"() ({
      %run_scoped3A = tpu.sem_alloc : memref<!tpu.dma_semaphore, #tpu.memory_space<semaphore_mem>>
      %dma_start3A_35 = arith.constant 0 : i32
      %dma_start3A_36 = arith.constant 0 : i32
      %dma_start3A_37 = tpu.memref_slice %arg4[%add3A, %dma_start3A_35, %dma_start3A_36] : memref<32x80x128xi32, #tpu.memory_space<hbm>> -> memref<1x80x128xi32, #tpu.memory_space<hbm>>
      %dma_start3A_38 = tpu.memref_squeeze %dma_start3A_37 : memref<1x80x128xi32, #tpu.memory_space<hbm>> -> memref<80x128xi32, #tpu.memory_space<hbm>>
      %dma_start3A_39 = arith.constant 40 : i32
      %dma_start3A_40 = arith.constant 0 : i32
      %dma_start3A_41 = tpu.memref_slice %dma_start3A_38[%dma_start3A_39, %dma_start3A_40] : memref<80x128xi32, #tpu.memory_space<hbm>> -> memref<40x128xi32, #tpu.memory_space<hbm>>
      %dma_start3A_42 = arith.constant 0 : i32
      %dma_start3A_43 = arith.constant 0 : i32
      %dma_start3A_44 = tpu.memref_slice %arg4[%add3A, %dma_start3A_42, %dma_start3A_43] : memref<32x80x128xi32, #tpu.memory_space<hbm>> -> memref<1x80x128xi32, #tpu.memory_space<hbm>>
      %dma_start3A_45 = tpu.memref_squeeze %dma_start3A_44 : memref<1x80x128xi32, #tpu.memory_space<hbm>> -> memref<80x128xi32, #tpu.memory_space<hbm>>
      %dma_start3A_46 = arith.constant 40 : i32
      %dma_start3A_47 = arith.constant 0 : i32
      %dma_start3A_48 = tpu.memref_slice %dma_start3A_45[%dma_start3A_46, %dma_start3A_47] : memref<80x128xi32, #tpu.memory_space<hbm>> -> memref<40x128xi32, #tpu.memory_space<hbm>>
      tpu.enqueue_dma source(%dma_start3A_48 : memref<40x128xi32, #tpu.memory_space<hbm>>) target(%arg8 : memref<40x128xi32, #tpu.memory_space<vmem>>) target_semaphore(%run_scoped3A : memref<!tpu.dma_semaphore, #tpu.memory_space<semaphore_mem>>)
      %dma_wait3A_49 = arith.constant 0 : i32
      %dma_wait3A_50 = arith.constant 0 : i32
      %dma_wait3A_51 = tpu.memref_slice %arg4[%add3A, %dma_wait3A_49, %dma_wait3A_50] : memref<32x80x128xi32, #tpu.memory_space<hbm>> -> memref<1x80x128xi32, #tpu.memory_space<hbm>>
      %dma_wait3A_52 = tpu.memref_squeeze %dma_wait3A_51 : memref<1x80x128xi32, #tpu.memory_space<hbm>> -> memref<80x128xi32, #tpu.memory_space<hbm>>
      %dma_wait3A_53 = arith.constant 40 : i32
      %dma_wait3A_54 = arith.constant 0 : i32
      %dma_wait3A_55 = tpu.memref_slice %dma_wait3A_52[%dma_wait3A_53, %dma_wait3A_54] : memref<80x128xi32, #tpu.memory_space<hbm>> -> memref<40x128xi32, #tpu.memory_space<hbm>>
      %dma_wait3A_56 = arith.constant 0 : i32
      %dma_wait3A_57 = arith.constant 0 : i32
      %dma_wait3A_58 = tpu.memref_slice %arg4[%add3A, %dma_wait3A_56, %dma_wait3A_57] : memref<32x80x128xi32, #tpu.memory_space<hbm>> -> memref<1x80x128xi32, #tpu.memory_space<hbm>>
      %dma_wait3A_59 = tpu.memref_squeeze %dma_wait3A_58 : memref<1x80x128xi32, #tpu.memory_space<hbm>> -> memref<80x128xi32, #tpu.memory_space<hbm>>
      %dma_wait3A_60 = arith.constant 40 : i32
      %dma_wait3A_61 = arith.constant 0 : i32
      %dma_wait3A_62 = tpu.memref_slice %dma_wait3A_59[%dma_wait3A_60, %dma_wait3A_61] : memref<80x128xi32, #tpu.memory_space<hbm>> -> memref<40x128xi32, #tpu.memory_space<hbm>>
      tpu.wait_dma2 semaphore(%run_scoped3A : memref<!tpu.dma_semaphore, #tpu.memory_space<semaphore_mem>>) src(%dma_wait3A_62 : memref<40x128xi32, #tpu.memory_space<hbm>>) dst(%arg8 : memref<40x128xi32, #tpu.memory_space<vmem>>)
      tpu.yield
    }) : () -> ()
    %dma_start3A_21 = arith.constant 0 : i32
    %dma_start3A_22 = arith.constant 0 : i32
    %dma_start3A_23 = tpu.memref_slice %arg7[%dma_start3A_21, %dma_start3A_22] : memref<40x128xi32, #tpu.memory_space<vmem>> -> memref<1x128xi32, #tpu.memory_space<vmem>>
    %dma_start3A_24 = tpu.memref_squeeze %dma_start3A_23 : memref<1x128xi32, #tpu.memory_space<vmem>> -> memref<128xi32, #tpu.memory_space<vmem>>
    %dma_start3A_25 = arith.constant 0 : i32
    %dma_start3A_26 = arith.constant 0 : i32
    %dma_start3A_27 = tpu.memref_slice %arg2[%dma_start3A_25, %dma_start3A_26] : memref<10000x128xf32, #tpu.memory_space<hbm>> -> memref<10000x128xf32, #tpu.memory_space<hbm>>
    tpu.enqueue_indirect_dma source(%dma_start3A_27 : memref<10000x128xf32, #tpu.memory_space<hbm>>) target(%arg9 : memref<128x128xf32, #tpu.memory_space<vmem>>) offsets(%dma_start3A_24 : memref<128xi32, #tpu.memory_space<vmem>>) semaphore(%arg12 : memref<!tpu.dma_semaphore, #tpu.memory_space<semaphore_mem>>)
    %scan3A_28 = arith.constant 0 : i32
    %scan3A_29 = arith.constant 0 : i32
    %scan3A_30 = arith.constant 20 : i32
    %scan3A_31 = arith.addi %scan3A_29, %scan3A_30 : i32
    %scan3A_32 = arith.constant 1 : i32
    scf.for %scan3A_35 = %scan3A_29 to %scan3A_31 step %scan3A_32  : i32 {
      %mul3A_36 = arith.constant 2 : i32
      %mul3A_37 = arith.muli %mul3A_36, %scan3A_35 : i32
      %add3A_38 = arith.constant 1 : i32
      %add3A_39 = arith.addi %mul3A_37, %add3A_38 : i32
      %dma_start3A_40 = arith.constant 0 : i32
      %dma_start3A_41 = tpu.memref_slice %arg7[%add3A_39, %dma_start3A_40] : memref<40x128xi32, #tpu.memory_space<vmem>> -> memref<1x128xi32, #tpu.memory_space<vmem>>
      %dma_start3A_42 = tpu.memref_squeeze %dma_start3A_41 : memref<1x128xi32, #tpu.memory_space<vmem>> -> memref<128xi32, #tpu.memory_space<vmem>>
      %dma_start3A_43 = arith.constant 0 : i32
      %dma_start3A_44 = arith.constant 0 : i32
      %dma_start3A_45 = tpu.memref_slice %arg2[%dma_start3A_43, %dma_start3A_44] : memref<10000x128xf32, #tpu.memory_space<hbm>> -> memref<10000x128xf32, #tpu.memory_space<hbm>>
      tpu.enqueue_indirect_dma source(%dma_start3A_45 : memref<10000x128xf32, #tpu.memory_space<hbm>>) target(%arg10 : memref<128x128xf32, #tpu.memory_space<vmem>>) offsets(%dma_start3A_42 : memref<128xi32, #tpu.memory_space<vmem>>) semaphore(%arg13 : memref<!tpu.dma_semaphore, #tpu.memory_space<semaphore_mem>>)
      %dma_wait3A_46 = arith.constant 0 : i32
      %dma_wait3A_47 = tpu.memref_slice %arg7[%mul3A_37, %dma_wait3A_46] : memref<40x128xi32, #tpu.memory_space<vmem>> -> memref<1x128xi32, #tpu.memory_space<vmem>>
      %dma_wait3A_48 = tpu.memref_squeeze %dma_wait3A_47 : memref<1x128xi32, #tpu.memory_space<vmem>> -> memref<128xi32, #tpu.memory_space<vmem>>
      %dma_wait3A_49 = arith.constant 0 : i32
      %dma_wait3A_50 = arith.constant 0 : i32
      %dma_wait3A_51 = tpu.memref_slice %arg2[%dma_wait3A_49, %dma_wait3A_50] : memref<10000x128xf32, #tpu.memory_space<hbm>> -> memref<10000x128xf32, #tpu.memory_space<hbm>>
      tpu.wait_indirect_dma semaphore(%arg12 : memref<!tpu.dma_semaphore, #tpu.memory_space<semaphore_mem>>) src(%dma_wait3A_51 : memref<10000x128xf32, #tpu.memory_space<hbm>>) dst(%arg9 : memref<128x128xf32, #tpu.memory_space<vmem>>)
      "tpu.region"() ({
        %run_scoped3A = tpu.sem_alloc : memref<!tpu.dma_semaphore, #tpu.memory_space<semaphore_mem>>
        %dma_start3A_66 = arith.constant 0 : i32
        %dma_start3A_67 = tpu.memref_slice %arg8[%mul3A_37, %dma_start3A_66] : memref<40x128xi32, #tpu.memory_space<vmem>> -> memref<1x128xi32, #tpu.memory_space<vmem>>
        %dma_start3A_68 = tpu.memref_squeeze %dma_start3A_67 : memref<1x128xi32, #tpu.memory_space<vmem>> -> memref<128xi32, #tpu.memory_space<vmem>>
        %dma_start3A_69 = arith.constant 0 : i32
        %dma_start3A_70 = arith.constant 0 : i32
        %dma_start3A_71 = tpu.memref_slice %arg11[%dma_start3A_69, %dma_start3A_70] : memref<10240x128xf32, #tpu.memory_space<vmem_shared>> -> memref<10240x128xf32, #tpu.memory_space<vmem_shared>>
        tpu.enqueue_indirect_dma source(%arg9 : memref<128x128xf32, #tpu.memory_space<vmem>>) target(%dma_start3A_71 : memref<10240x128xf32, #tpu.memory_space<vmem_shared>>) offsets(%dma_start3A_68 : memref<128xi32, #tpu.memory_space<vmem>>) semaphore(%run_scoped3A : memref<!tpu.dma_semaphore, #tpu.memory_space<semaphore_mem>>) {add = true}
        %dma_wait3A_72 = arith.constant 0 : i32
        %dma_wait3A_73 = tpu.memref_slice %arg8[%mul3A_37, %dma_wait3A_72] : memref<40x128xi32, #tpu.memory_space<vmem>> -> memref<1x128xi32, #tpu.memory_space<vmem>>
        %dma_wait3A_74 = tpu.memref_squeeze %dma_wait3A_73 : memref<1x128xi32, #tpu.memory_space<vmem>> -> memref<128xi32, #tpu.memory_space<vmem>>
        %dma_wait3A_75 = arith.constant 0 : i32
        %dma_wait3A_76 = arith.constant 0 : i32
        %dma_wait3A_77 = tpu.memref_slice %arg11[%dma_wait3A_75, %dma_wait3A_76] : memref<10240x128xf32, #tpu.memory_space<vmem_shared>> -> memref<10240x128xf32, #tpu.memory_space<vmem_shared>>
        tpu.wait_indirect_dma semaphore(%run_scoped3A : memref<!tpu.dma_semaphore, #tpu.memory_space<semaphore_mem>>) src(%arg9 : memref<128x128xf32, #tpu.memory_space<vmem>>) dst(%dma_wait3A_77 : memref<10240x128xf32, #tpu.memory_space<vmem_shared>>)
        tpu.yield
      }) : () -> ()
      %add3A_52 = arith.constant 1 : i32
      %add3A_53 = arith.addi %scan3A_35, %add3A_52 : i32
      %lt3A = arith.constant 20 : i32
      %lt3A_54 = arith.cmpi slt, %add3A_53, %lt3A : i32
      %convert_element_type3A = arith.extui %lt3A_54 : i1 to i32
      %cond3A = arith.constant 0 : i32
      %cond3A_55 = arith.cmpi ne, %convert_element_type3A, %cond3A : i32
      scf.if %cond3A_55 {
        %add3A_66 = arith.constant 2 : i32
        %add3A_67 = arith.addi %mul3A_37, %add3A_66 : i32
        %dma_start3A_68 = arith.constant 0 : i32
        %dma_start3A_69 = tpu.memref_slice %arg7[%add3A_67, %dma_start3A_68] : memref<40x128xi32, #tpu.memory_space<vmem>> -> memref<1x128xi32, #tpu.memory_space<vmem>>
        %dma_start3A_70 = tpu.memref_squeeze %dma_start3A_69 : memref<1x128xi32, #tpu.memory_space<vmem>> -> memref<128xi32, #tpu.memory_space<vmem>>
        %dma_start3A_71 = arith.constant 0 : i32
        %dma_start3A_72 = arith.constant 0 : i32
        %dma_start3A_73 = tpu.memref_slice %arg2[%dma_start3A_71, %dma_start3A_72] : memref<10000x128xf32, #tpu.memory_space<hbm>> -> memref<10000x128xf32, #tpu.memory_space<hbm>>
        tpu.enqueue_indirect_dma source(%dma_start3A_73 : memref<10000x128xf32, #tpu.memory_space<hbm>>) target(%arg9 : memref<128x128xf32, #tpu.memory_space<vmem>>) offsets(%dma_start3A_70 : memref<128xi32, #tpu.memory_space<vmem>>) semaphore(%arg12 : memref<!tpu.dma_semaphore, #tpu.memory_space<semaphore_mem>>)
      } else {
      }
      %add3A_56 = arith.constant 1 : i32
      %add3A_57 = arith.addi %mul3A_37, %add3A_56 : i32
      %dma_wait3A_58 = arith.constant 0 : i32
      %dma_wait3A_59 = tpu.memref_slice %arg7[%add3A_57, %dma_wait3A_58] : memref<40x128xi32, #tpu.memory_space<vmem>> -> memref<1x128xi32, #tpu.memory_space<vmem>>
      %dma_wait3A_60 = tpu.memref_squeeze %dma_wait3A_59 : memref<1x128xi32, #tpu.memory_space<vmem>> -> memref<128xi32, #tpu.memory_space<vmem>>
      %dma_wait3A_61 = arith.constant 0 : i32
      %dma_wait3A_62 = arith.constant 0 : i32
      %dma_wait3A_63 = tpu.memref_slice %arg2[%dma_wait3A_61, %dma_wait3A_62] : memref<10000x128xf32, #tpu.memory_space<hbm>> -> memref<10000x128xf32, #tpu.memory_space<hbm>>
      tpu.wait_indirect_dma semaphore(%arg13 : memref<!tpu.dma_semaphore, #tpu.memory_space<semaphore_mem>>) src(%dma_wait3A_63 : memref<10000x128xf32, #tpu.memory_space<hbm>>) dst(%arg10 : memref<128x128xf32, #tpu.memory_space<vmem>>)
      %add3A_64 = arith.constant 1 : i32
      %add3A_65 = arith.addi %mul3A_37, %add3A_64 : i32
      "tpu.region"() ({
        %run_scoped3A = tpu.sem_alloc : memref<!tpu.dma_semaphore, #tpu.memory_space<semaphore_mem>>
        %dma_start3A_66 = arith.constant 0 : i32
        %dma_start3A_67 = tpu.memref_slice %arg8[%add3A_65, %dma_start3A_66] : memref<40x128xi32, #tpu.memory_space<vmem>> -> memref<1x128xi32, #tpu.memory_space<vmem>>
        %dma_start3A_68 = tpu.memref_squeeze %dma_start3A_67 : memref<1x128xi32, #tpu.memory_space<vmem>> -> memref<128xi32, #tpu.memory_space<vmem>>
        %dma_start3A_69 = arith.constant 0 : i32
        %dma_start3A_70 = arith.constant 0 : i32
        %dma_start3A_71 = tpu.memref_slice %arg11[%dma_start3A_69, %dma_start3A_70] : memref<10240x128xf32, #tpu.memory_space<vmem_shared>> -> memref<10240x128xf32, #tpu.memory_space<vmem_shared>>
        tpu.enqueue_indirect_dma source(%arg10 : memref<128x128xf32, #tpu.memory_space<vmem>>) target(%dma_start3A_71 : memref<10240x128xf32, #tpu.memory_space<vmem_shared>>) offsets(%dma_start3A_68 : memref<128xi32, #tpu.memory_space<vmem>>) semaphore(%run_scoped3A : memref<!tpu.dma_semaphore, #tpu.memory_space<semaphore_mem>>) {add = true}
        %dma_wait3A_72 = arith.constant 0 : i32
        %dma_wait3A_73 = tpu.memref_slice %arg8[%add3A_65, %dma_wait3A_72] : memref<40x128xi32, #tpu.memory_space<vmem>> -> memref<1x128xi32, #tpu.memory_space<vmem>>
        %dma_wait3A_74 = tpu.memref_squeeze %dma_wait3A_73 : memref<1x128xi32, #tpu.memory_space<vmem>> -> memref<128xi32, #tpu.memory_space<vmem>>
        %dma_wait3A_75 = arith.constant 0 : i32
        %dma_wait3A_76 = arith.constant 0 : i32
        %dma_wait3A_77 = tpu.memref_slice %arg11[%dma_wait3A_75, %dma_wait3A_76] : memref<10240x128xf32, #tpu.memory_space<vmem_shared>> -> memref<10240x128xf32, #tpu.memory_space<vmem_shared>>
        tpu.wait_indirect_dma semaphore(%run_scoped3A : memref<!tpu.dma_semaphore, #tpu.memory_space<semaphore_mem>>) src(%arg10 : memref<128x128xf32, #tpu.memory_space<vmem>>) dst(%dma_wait3A_77 : memref<10240x128xf32, #tpu.memory_space<vmem_shared>>)
        tpu.yield
      }) : () -> ()
    }
    %scan3A_33 = arith.constant 20 : i32
    %barrier3A_34 = arith.constant 0 : index
    tpu.barrier barrier_id(%barrier3A_34)
    "tpu.region"() ({
      %run_scoped3A = tpu.sem_alloc : memref<!tpu.dma_semaphore, #tpu.memory_space<semaphore_mem>>
      %dma_start3A_35 = arith.constant 0 : i32
      %dma_start3A_36 = arith.constant 0 : i32
      %dma_start3A_37 = tpu.memref_slice %arg6[%arg0, %dma_start3A_35, %dma_start3A_36] : memref<2x10240x128xf32, #tpu.memory_space<hbm>> -> memref<1x10240x128xf32, #tpu.memory_space<hbm>>
      %dma_start3A_38 = tpu.memref_squeeze %dma_start3A_37 : memref<1x10240x128xf32, #tpu.memory_space<hbm>> -> memref<10240x128xf32, #tpu.memory_space<hbm>>
      %dma_start3A_39 = arith.constant 0 : i32
      %dma_start3A_40 = tpu.memref_slice %dma_start3A_38[%mul3A_2, %dma_start3A_39] : memref<10240x128xf32, #tpu.memory_space<hbm>> -> memref<640x128xf32, #tpu.memory_space<hbm>>
      %dma_start3A_41 = arith.constant 0 : i32
      %dma_start3A_42 = tpu.memref_slice %arg11[%mul3A_2, %dma_start3A_41] : memref<10240x128xf32, #tpu.memory_space<vmem_shared>> -> memref<640x128xf32, #tpu.memory_space<vmem_shared>>
      tpu.enqueue_dma source(%dma_start3A_42 : memref<640x128xf32, #tpu.memory_space<vmem_shared>>) target(%dma_start3A_40 : memref<640x128xf32, #tpu.memory_space<hbm>>) target_semaphore(%run_scoped3A : memref<!tpu.dma_semaphore, #tpu.memory_space<semaphore_mem>>)
      %dma_wait3A_43 = arith.constant 0 : i32
      %dma_wait3A_44 = arith.constant 0 : i32
      %dma_wait3A_45 = tpu.memref_slice %arg6[%arg0, %dma_wait3A_43, %dma_wait3A_44] : memref<2x10240x128xf32, #tpu.memory_space<hbm>> -> memref<1x10240x128xf32, #tpu.memory_space<hbm>>
      %dma_wait3A_46 = tpu.memref_squeeze %dma_wait3A_45 : memref<1x10240x128xf32, #tpu.memory_space<hbm>> -> memref<10240x128xf32, #tpu.memory_space<hbm>>
      %dma_wait3A_47 = arith.constant 0 : i32
      %dma_wait3A_48 = tpu.memref_slice %dma_wait3A_46[%mul3A_2, %dma_wait3A_47] : memref<10240x128xf32, #tpu.memory_space<hbm>> -> memref<640x128xf32, #tpu.memory_space<hbm>>
      %dma_wait3A_49 = arith.constant 0 : i32
      %dma_wait3A_50 = tpu.memref_slice %arg11[%mul3A_2, %dma_wait3A_49] : memref<10240x128xf32, #tpu.memory_space<vmem_shared>> -> memref<640x128xf32, #tpu.memory_space<vmem_shared>>
      tpu.wait_dma2 semaphore(%run_scoped3A : memref<!tpu.dma_semaphore, #tpu.memory_space<semaphore_mem>>) src(%dma_wait3A_50 : memref<640x128xf32, #tpu.memory_space<vmem_shared>>) dst(%dma_wait3A_48 : memref<640x128xf32, #tpu.memory_space<hbm>>)
      tpu.yield
    }) : () -> ()
    return
  }
}

#map = affine_map<(d0, d1) -> (0, 0)>
#map1 = affine_map<(d0, d1) -> (0, 0, 0)>
module attributes {stable_mosaic.version = 14 : i64} {
  func.func @_sc_scatter(%arg0: i32, %arg1: i32, %arg2: memref<10000x128xf32, #tpu.memory_space<hbm>>, %arg3: memref<32x80x128xi32, #tpu.memory_space<hbm>>, %arg4: memref<32x80x128xi32, #tpu.memory_space<hbm>>, %arg5: memref<10240x128xf32, #tpu.memory_space<hbm>>, %arg6: memref<2x10240x128xf32, #tpu.memory_space<hbm>>, %arg7: memref<40x128xi32, #tpu.memory_space<vmem>>, %arg8: memref<40x128xi32, #tpu.memory_space<vmem>>, %arg9: memref<128x128xf32, #tpu.memory_space<vmem>>, %arg10: memref<128x128xf32, #tpu.memory_space<vmem>>, %arg11: memref<10240x128xf32, #tpu.memory_space<vmem_shared>>, %arg12: memref<!tpu.dma_semaphore, #tpu.memory_space<semaphore_mem>>, %arg13: memref<!tpu.dma_semaphore, #tpu.memory_space<semaphore_mem>>, %arg14: memref<!tpu.dma_semaphore, #tpu.memory_space<semaphore_mem>>) attributes {dimension_semantics = [#tpu.dimension_semantics<core_parallel>, #tpu.dimension_semantics<subcore_parallel>], iteration_bounds = array<i64: 2, 16>, scalar_prefetch = 0 : i64, scratch_operands = 8 : i64, tpu.core_type = #tpu.core_type<sc_vector_subcore>, window_params = [{transform_indices = #map}, {transform_indices = #map1}, {transform_indices = #map1}, {transform_indices = #map}, {transform_indices = #map1}]} {
    %mul3A = arith.constant 16 : i32
    %mul3A_0 = arith.muli %arg0, %mul3A : i32
    %add3A = arith.addi %mul3A_0, %arg1 : i32
    %mul3A_1 = arith.constant 640 : i32
    %mul3A_2 = arith.muli %arg1, %mul3A_1 : i32
    %dma_start3A = arith.constant 0 : i32
    %dma_start3A_3 = tpu.memref_slice %arg11[%mul3A_2, %dma_start3A] : memref<10240x128xf32, #tpu.memory_space<vmem_shared>> -> memref<640x128xf32, #tpu.memory_space<vmem_shared>>
    %dma_start3A_4 = arith.constant 0 : i32
    %dma_start3A_5 = tpu.memref_slice %arg5[%mul3A_2, %dma_start3A_4] : memref<10240x128xf32, #tpu.memory_space<hbm>> -> memref<640x128xf32, #tpu.memory_space<hbm>>
    tpu.enqueue_dma source(%dma_start3A_5 : memref<640x128xf32, #tpu.memory_space<hbm>>) target(%dma_start3A_3 : memref<640x128xf32, #tpu.memory_space<vmem_shared>>) target_semaphore(%arg14 : memref<!tpu.dma_semaphore, #tpu.memory_space<semaphore_mem>>)
    "tpu.region"() ({
      %run_scoped3A = tpu.sem_alloc : memref<!tpu.dma_semaphore, #tpu.memory_space<semaphore_mem>>
      %dma_start3A_35 = arith.constant 0 : i32
      %dma_start3A_36 = arith.constant 0 : i32
      %dma_start3A_37 = tpu.memref_slice %arg3[%add3A, %dma_start3A_35, %dma_start3A_36] : memref<32x80x128xi32, #tpu.memory_space<hbm>> -> memref<1x80x128xi32, #tpu.memory_space<hbm>>
      %dma_start3A_38 = tpu.memref_squeeze %dma_start3A_37 : memref<1x80x128xi32, #tpu.memory_space<hbm>> -> memref<80x128xi32, #tpu.memory_space<hbm>>
      %dma_start3A_39 = arith.constant 0 : i32
      %dma_start3A_40 = arith.constant 0 : i32
      %dma_start3A_41 = tpu.memref_slice %dma_start3A_38[%dma_start3A_39, %dma_start3A_40] : memref<80x128xi32, #tpu.memory_space<hbm>> -> memref<40x128xi32, #tpu.memory_space<hbm>>
      %dma_start3A_42 = arith.constant 0 : i32
      %dma_start3A_43 = arith.constant 0 : i32
      %dma_start3A_44 = tpu.memref_slice %arg3[%add3A, %dma_start3A_42, %dma_start3A_43] : memref<32x80x128xi32, #tpu.memory_space<hbm>> -> memref<1x80x128xi32, #tpu.memory_space<hbm>>
      %dma_start3A_45 = tpu.memref_squeeze %dma_start3A_44 : memref<1x80x128xi32, #tpu.memory_space<hbm>> -> memref<80x128xi32, #tpu.memory_space<hbm>>
      %dma_start3A_46 = arith.constant 0 : i32
      %dma_start3A_47 = arith.constant 0 : i32
      %dma_start3A_48 = tpu.memref_slice %dma_start3A_45[%dma_start3A_46, %dma_start3A_47] : memref<80x128xi32, #tpu.memory_space<hbm>> -> memref<40x128xi32, #tpu.memory_space<hbm>>
      tpu.enqueue_dma source(%dma_start3A_48 : memref<40x128xi32, #tpu.memory_space<hbm>>) target(%arg7 : memref<40x128xi32, #tpu.memory_space<vmem>>) target_semaphore(%run_scoped3A : memref<!tpu.dma_semaphore, #tpu.memory_space<semaphore_mem>>)
      %dma_wait3A_49 = arith.constant 0 : i32
      %dma_wait3A_50 = arith.constant 0 : i32
      %dma_wait3A_51 = tpu.memref_slice %arg3[%add3A, %dma_wait3A_49, %dma_wait3A_50] : memref<32x80x128xi32, #tpu.memory_space<hbm>> -> memref<1x80x128xi32, #tpu.memory_space<hbm>>
      %dma_wait3A_52 = tpu.memref_squeeze %dma_wait3A_51 : memref<1x80x128xi32, #tpu.memory_space<hbm>> -> memref<80x128xi32, #tpu.memory_space<hbm>>
      %dma_wait3A_53 = arith.constant 0 : i32
      %dma_wait3A_54 = arith.constant 0 : i32
      %dma_wait3A_55 = tpu.memref_slice %dma_wait3A_52[%dma_wait3A_53, %dma_wait3A_54] : memref<80x128xi32, #tpu.memory_space<hbm>> -> memref<40x128xi32, #tpu.memory_space<hbm>>
      %dma_wait3A_56 = arith.constant 0 : i32
      %dma_wait3A_57 = arith.constant 0 : i32
      %dma_wait3A_58 = tpu.memref_slice %arg3[%add3A, %dma_wait3A_56, %dma_wait3A_57] : memref<32x80x128xi32, #tpu.memory_space<hbm>> -> memref<1x80x128xi32, #tpu.memory_space<hbm>>
      %dma_wait3A_59 = tpu.memref_squeeze %dma_wait3A_58 : memref<1x80x128xi32, #tpu.memory_space<hbm>> -> memref<80x128xi32, #tpu.memory_space<hbm>>
      %dma_wait3A_60 = arith.constant 0 : i32
      %dma_wait3A_61 = arith.constant 0 : i32
      %dma_wait3A_62 = tpu.memref_slice %dma_wait3A_59[%dma_wait3A_60, %dma_wait3A_61] : memref<80x128xi32, #tpu.memory_space<hbm>> -> memref<40x128xi32, #tpu.memory_space<hbm>>
      tpu.wait_dma2 semaphore(%run_scoped3A : memref<!tpu.dma_semaphore, #tpu.memory_space<semaphore_mem>>) src(%dma_wait3A_62 : memref<40x128xi32, #tpu.memory_space<hbm>>) dst(%arg7 : memref<40x128xi32, #tpu.memory_space<vmem>>)
      tpu.yield
    }) : () -> ()
    "tpu.region"() ({
      %run_scoped3A = tpu.sem_alloc : memref<!tpu.dma_semaphore, #tpu.memory_space<semaphore_mem>>
      %dma_start3A_35 = arith.constant 0 : i32
      %dma_start3A_36 = arith.constant 0 : i32
      %dma_start3A_37 = tpu.memref_slice %arg4[%add3A, %dma_start3A_35, %dma_start3A_36] : memref<32x80x128xi32, #tpu.memory_space<hbm>> -> memref<1x80x128xi32, #tpu.memory_space<hbm>>
      %dma_start3A_38 = tpu.memref_squeeze %dma_start3A_37 : memref<1x80x128xi32, #tpu.memory_space<hbm>> -> memref<80x128xi32, #tpu.memory_space<hbm>>
      %dma_start3A_39 = arith.constant 0 : i32
      %dma_start3A_40 = arith.constant 0 : i32
      %dma_start3A_41 = tpu.memref_slice %dma_start3A_38[%dma_start3A_39, %dma_start3A_40] : memref<80x128xi32, #tpu.memory_space<hbm>> -> memref<40x128xi32, #tpu.memory_space<hbm>>
      %dma_start3A_42 = arith.constant 0 : i32
      %dma_start3A_43 = arith.constant 0 : i32
      %dma_start3A_44 = tpu.memref_slice %arg4[%add3A, %dma_start3A_42, %dma_start3A_43] : memref<32x80x128xi32, #tpu.memory_space<hbm>> -> memref<1x80x128xi32, #tpu.memory_space<hbm>>
      %dma_start3A_45 = tpu.memref_squeeze %dma_start3A_44 : memref<1x80x128xi32, #tpu.memory_space<hbm>> -> memref<80x128xi32, #tpu.memory_space<hbm>>
      %dma_start3A_46 = arith.constant 0 : i32
      %dma_start3A_47 = arith.constant 0 : i32
      %dma_start3A_48 = tpu.memref_slice %dma_start3A_45[%dma_start3A_46, %dma_start3A_47] : memref<80x128xi32, #tpu.memory_space<hbm>> -> memref<40x128xi32, #tpu.memory_space<hbm>>
      tpu.enqueue_dma source(%dma_start3A_48 : memref<40x128xi32, #tpu.memory_space<hbm>>) target(%arg8 : memref<40x128xi32, #tpu.memory_space<vmem>>) target_semaphore(%run_scoped3A : memref<!tpu.dma_semaphore, #tpu.memory_space<semaphore_mem>>)
      %dma_wait3A_49 = arith.constant 0 : i32
      %dma_wait3A_50 = arith.constant 0 : i32
      %dma_wait3A_51 = tpu.memref_slice %arg4[%add3A, %dma_wait3A_49, %dma_wait3A_50] : memref<32x80x128xi32, #tpu.memory_space<hbm>> -> memref<1x80x128xi32, #tpu.memory_space<hbm>>
      %dma_wait3A_52 = tpu.memref_squeeze %dma_wait3A_51 : memref<1x80x128xi32, #tpu.memory_space<hbm>> -> memref<80x128xi32, #tpu.memory_space<hbm>>
      %dma_wait3A_53 = arith.constant 0 : i32
      %dma_wait3A_54 = arith.constant 0 : i32
      %dma_wait3A_55 = tpu.memref_slice %dma_wait3A_52[%dma_wait3A_53, %dma_wait3A_54] : memref<80x128xi32, #tpu.memory_space<hbm>> -> memref<40x128xi32, #tpu.memory_space<hbm>>
      %dma_wait3A_56 = arith.constant 0 : i32
      %dma_wait3A_57 = arith.constant 0 : i32
      %dma_wait3A_58 = tpu.memref_slice %arg4[%add3A, %dma_wait3A_56, %dma_wait3A_57] : memref<32x80x128xi32, #tpu.memory_space<hbm>> -> memref<1x80x128xi32, #tpu.memory_space<hbm>>
      %dma_wait3A_59 = tpu.memref_squeeze %dma_wait3A_58 : memref<1x80x128xi32, #tpu.memory_space<hbm>> -> memref<80x128xi32, #tpu.memory_space<hbm>>
      %dma_wait3A_60 = arith.constant 0 : i32
      %dma_wait3A_61 = arith.constant 0 : i32
      %dma_wait3A_62 = tpu.memref_slice %dma_wait3A_59[%dma_wait3A_60, %dma_wait3A_61] : memref<80x128xi32, #tpu.memory_space<hbm>> -> memref<40x128xi32, #tpu.memory_space<hbm>>
      tpu.wait_dma2 semaphore(%run_scoped3A : memref<!tpu.dma_semaphore, #tpu.memory_space<semaphore_mem>>) src(%dma_wait3A_62 : memref<40x128xi32, #tpu.memory_space<hbm>>) dst(%arg8 : memref<40x128xi32, #tpu.memory_space<vmem>>)
      tpu.yield
    }) : () -> ()
    %dma_wait3A = arith.constant 0 : i32
    %dma_wait3A_6 = tpu.memref_slice %arg11[%mul3A_2, %dma_wait3A] : memref<10240x128xf32, #tpu.memory_space<vmem_shared>> -> memref<640x128xf32, #tpu.memory_space<vmem_shared>>
    %dma_wait3A_7 = arith.constant 0 : i32
    %dma_wait3A_8 = tpu.memref_slice %arg5[%mul3A_2, %dma_wait3A_7] : memref<10240x128xf32, #tpu.memory_space<hbm>> -> memref<640x128xf32, #tpu.memory_space<hbm>>
    tpu.wait_dma2 semaphore(%arg14 : memref<!tpu.dma_semaphore, #tpu.memory_space<semaphore_mem>>) src(%dma_wait3A_8 : memref<640x128xf32, #tpu.memory_space<hbm>>) dst(%dma_wait3A_6 : memref<640x128xf32, #tpu.memory_space<vmem_shared>>)
    %barrier3A = arith.constant 0 : index
    tpu.barrier barrier_id(%barrier3A)
    %dma_start3A_9 = arith.constant 0 : i32
    %dma_start3A_10 = arith.constant 0 : i32
    %dma_start3A_11 = tpu.memref_slice %arg7[%dma_start3A_9, %dma_start3A_10] : memref<40x128xi32, #tpu.memory_space<vmem>> -> memref<1x128xi32, #tpu.memory_space<vmem>>
    %dma_start3A_12 = tpu.memref_squeeze %dma_start3A_11 : memref<1x128xi32, #tpu.memory_space<vmem>> -> memref<128xi32, #tpu.memory_space<vmem>>
    %dma_start3A_13 = arith.constant 0 : i32
    %dma_start3A_14 = arith.constant 0 : i32
    %dma_start3A_15 = tpu.memref_slice %arg2[%dma_start3A_13, %dma_start3A_14] : memref<10000x128xf32, #tpu.memory_space<hbm>> -> memref<10000x128xf32, #tpu.memory_space<hbm>>
    tpu.enqueue_indirect_dma source(%dma_start3A_15 : memref<10000x128xf32, #tpu.memory_space<hbm>>) target(%arg9 : memref<128x128xf32, #tpu.memory_space<vmem>>) offsets(%dma_start3A_12 : memref<128xi32, #tpu.memory_space<vmem>>) semaphore(%arg12 : memref<!tpu.dma_semaphore, #tpu.memory_space<semaphore_mem>>)
    %scan3A = arith.constant 0 : i32
    %scan3A_16 = arith.constant 0 : i32
    %scan3A_17 = arith.constant 20 : i32
    %scan3A_18 = arith.addi %scan3A_16, %scan3A_17 : i32
    %scan3A_19 = arith.constant 1 : i32
    scf.for %scan3A_35 = %scan3A_16 to %scan3A_18 step %scan3A_19  : i32 {
      %mul3A_36 = arith.constant 2 : i32
      %mul3A_37 = arith.muli %mul3A_36, %scan3A_35 : i32
      %add3A_38 = arith.constant 1 : i32
      %add3A_39 = arith.addi %mul3A_37, %add3A_38 : i32
      %dma_start3A_40 = arith.constant 0 : i32
      %dma_start3A_41 = tpu.memref_slice %arg7[%add3A_39, %dma_start3A_40] : memref<40x128xi32, #tpu.memory_space<vmem>> -> memref<1x128xi32, #tpu.memory_space<vmem>>
      %dma_start3A_42 = tpu.memref_squeeze %dma_start3A_41 : memref<1x128xi32, #tpu.memory_space<vmem>> -> memref<128xi32, #tpu.memory_space<vmem>>
      %dma_start3A_43 = arith.constant 0 : i32
      %dma_start3A_44 = arith.constant 0 : i32
      %dma_start3A_45 = tpu.memref_slice %arg2[%dma_start3A_43, %dma_start3A_44] : memref<10000x128xf32, #tpu.memory_space<hbm>> -> memref<10000x128xf32, #tpu.memory_space<hbm>>
      tpu.enqueue_indirect_dma source(%dma_start3A_45 : memref<10000x128xf32, #tpu.memory_space<hbm>>) target(%arg10 : memref<128x128xf32, #tpu.memory_space<vmem>>) offsets(%dma_start3A_42 : memref<128xi32, #tpu.memory_space<vmem>>) semaphore(%arg13 : memref<!tpu.dma_semaphore, #tpu.memory_space<semaphore_mem>>)
      %dma_wait3A_46 = arith.constant 0 : i32
      %dma_wait3A_47 = tpu.memref_slice %arg7[%mul3A_37, %dma_wait3A_46] : memref<40x128xi32, #tpu.memory_space<vmem>> -> memref<1x128xi32, #tpu.memory_space<vmem>>
      %dma_wait3A_48 = tpu.memref_squeeze %dma_wait3A_47 : memref<1x128xi32, #tpu.memory_space<vmem>> -> memref<128xi32, #tpu.memory_space<vmem>>
      %dma_wait3A_49 = arith.constant 0 : i32
      %dma_wait3A_50 = arith.constant 0 : i32
      %dma_wait3A_51 = tpu.memref_slice %arg2[%dma_wait3A_49, %dma_wait3A_50] : memref<10000x128xf32, #tpu.memory_space<hbm>> -> memref<10000x128xf32, #tpu.memory_space<hbm>>
      tpu.wait_indirect_dma semaphore(%arg12 : memref<!tpu.dma_semaphore, #tpu.memory_space<semaphore_mem>>) src(%dma_wait3A_51 : memref<10000x128xf32, #tpu.memory_space<hbm>>) dst(%arg9 : memref<128x128xf32, #tpu.memory_space<vmem>>)
      "tpu.region"() ({
        %run_scoped3A = tpu.sem_alloc : memref<!tpu.dma_semaphore, #tpu.memory_space<semaphore_mem>>
        %dma_start3A_66 = arith.constant 0 : i32
        %dma_start3A_67 = tpu.memref_slice %arg8[%mul3A_37, %dma_start3A_66] : memref<40x128xi32, #tpu.memory_space<vmem>> -> memref<1x128xi32, #tpu.memory_space<vmem>>
        %dma_start3A_68 = tpu.memref_squeeze %dma_start3A_67 : memref<1x128xi32, #tpu.memory_space<vmem>> -> memref<128xi32, #tpu.memory_space<vmem>>
        %dma_start3A_69 = arith.constant 0 : i32
        %dma_start3A_70 = arith.constant 0 : i32
        %dma_start3A_71 = tpu.memref_slice %arg11[%dma_start3A_69, %dma_start3A_70] : memref<10240x128xf32, #tpu.memory_space<vmem_shared>> -> memref<10240x128xf32, #tpu.memory_space<vmem_shared>>
        tpu.enqueue_indirect_dma source(%arg9 : memref<128x128xf32, #tpu.memory_space<vmem>>) target(%dma_start3A_71 : memref<10240x128xf32, #tpu.memory_space<vmem_shared>>) offsets(%dma_start3A_68 : memref<128xi32, #tpu.memory_space<vmem>>) semaphore(%run_scoped3A : memref<!tpu.dma_semaphore, #tpu.memory_space<semaphore_mem>>) {add = true}
        %dma_wait3A_72 = arith.constant 0 : i32
        %dma_wait3A_73 = tpu.memref_slice %arg8[%mul3A_37, %dma_wait3A_72] : memref<40x128xi32, #tpu.memory_space<vmem>> -> memref<1x128xi32, #tpu.memory_space<vmem>>
        %dma_wait3A_74 = tpu.memref_squeeze %dma_wait3A_73 : memref<1x128xi32, #tpu.memory_space<vmem>> -> memref<128xi32, #tpu.memory_space<vmem>>
        %dma_wait3A_75 = arith.constant 0 : i32
        %dma_wait3A_76 = arith.constant 0 : i32
        %dma_wait3A_77 = tpu.memref_slice %arg11[%dma_wait3A_75, %dma_wait3A_76] : memref<10240x128xf32, #tpu.memory_space<vmem_shared>> -> memref<10240x128xf32, #tpu.memory_space<vmem_shared>>
        tpu.wait_indirect_dma semaphore(%run_scoped3A : memref<!tpu.dma_semaphore, #tpu.memory_space<semaphore_mem>>) src(%arg9 : memref<128x128xf32, #tpu.memory_space<vmem>>) dst(%dma_wait3A_77 : memref<10240x128xf32, #tpu.memory_space<vmem_shared>>)
        tpu.yield
      }) : () -> ()
      %add3A_52 = arith.constant 1 : i32
      %add3A_53 = arith.addi %scan3A_35, %add3A_52 : i32
      %lt3A = arith.constant 20 : i32
      %lt3A_54 = arith.cmpi slt, %add3A_53, %lt3A : i32
      %convert_element_type3A = arith.extui %lt3A_54 : i1 to i32
      %cond3A = arith.constant 0 : i32
      %cond3A_55 = arith.cmpi ne, %convert_element_type3A, %cond3A : i32
      scf.if %cond3A_55 {
        %add3A_66 = arith.constant 2 : i32
        %add3A_67 = arith.addi %mul3A_37, %add3A_66 : i32
        %dma_start3A_68 = arith.constant 0 : i32
        %dma_start3A_69 = tpu.memref_slice %arg7[%add3A_67, %dma_start3A_68] : memref<40x128xi32, #tpu.memory_space<vmem>> -> memref<1x128xi32, #tpu.memory_space<vmem>>
        %dma_start3A_70 = tpu.memref_squeeze %dma_start3A_69 : memref<1x128xi32, #tpu.memory_space<vmem>> -> memref<128xi32, #tpu.memory_space<vmem>>
        %dma_start3A_71 = arith.constant 0 : i32
        %dma_start3A_72 = arith.constant 0 : i32
        %dma_start3A_73 = tpu.memref_slice %arg2[%dma_start3A_71, %dma_start3A_72] : memref<10000x128xf32, #tpu.memory_space<hbm>> -> memref<10000x128xf32, #tpu.memory_space<hbm>>
        tpu.enqueue_indirect_dma source(%dma_start3A_73 : memref<10000x128xf32, #tpu.memory_space<hbm>>) target(%arg9 : memref<128x128xf32, #tpu.memory_space<vmem>>) offsets(%dma_start3A_70 : memref<128xi32, #tpu.memory_space<vmem>>) semaphore(%arg12 : memref<!tpu.dma_semaphore, #tpu.memory_space<semaphore_mem>>)
      } else {
      }
      %add3A_56 = arith.constant 1 : i32
      %add3A_57 = arith.addi %mul3A_37, %add3A_56 : i32
      %dma_wait3A_58 = arith.constant 0 : i32
      %dma_wait3A_59 = tpu.memref_slice %arg7[%add3A_57, %dma_wait3A_58] : memref<40x128xi32, #tpu.memory_space<vmem>> -> memref<1x128xi32, #tpu.memory_space<vmem>>
      %dma_wait3A_60 = tpu.memref_squeeze %dma_wait3A_59 : memref<1x128xi32, #tpu.memory_space<vmem>> -> memref<128xi32, #tpu.memory_space<vmem>>
      %dma_wait3A_61 = arith.constant 0 : i32
      %dma_wait3A_62 = arith.constant 0 : i32
      %dma_wait3A_63 = tpu.memref_slice %arg2[%dma_wait3A_61, %dma_wait3A_62] : memref<10000x128xf32, #tpu.memory_space<hbm>> -> memref<10000x128xf32, #tpu.memory_space<hbm>>
      tpu.wait_indirect_dma semaphore(%arg13 : memref<!tpu.dma_semaphore, #tpu.memory_space<semaphore_mem>>) src(%dma_wait3A_63 : memref<10000x128xf32, #tpu.memory_space<hbm>>) dst(%arg10 : memref<128x128xf32, #tpu.memory_space<vmem>>)
      %add3A_64 = arith.constant 1 : i32
      %add3A_65 = arith.addi %mul3A_37, %add3A_64 : i32
      "tpu.region"() ({
        %run_scoped3A = tpu.sem_alloc : memref<!tpu.dma_semaphore, #tpu.memory_space<semaphore_mem>>
        %dma_start3A_66 = arith.constant 0 : i32
        %dma_start3A_67 = tpu.memref_slice %arg8[%add3A_65, %dma_start3A_66] : memref<40x128xi32, #tpu.memory_space<vmem>> -> memref<1x128xi32, #tpu.memory_space<vmem>>
        %dma_start3A_68 = tpu.memref_squeeze %dma_start3A_67 : memref<1x128xi32, #tpu.memory_space<vmem>> -> memref<128xi32, #tpu.memory_space<vmem>>
        %dma_start3A_69 = arith.constant 0 : i32
        %dma_start3A_70 = arith.constant 0 : i32
        %dma_start3A_71 = tpu.memref_slice %arg11[%dma_start3A_69, %dma_start3A_70] : memref<10240x128xf32, #tpu.memory_space<vmem_shared>> -> memref<10240x128xf32, #tpu.memory_space<vmem_shared>>
        tpu.enqueue_indirect_dma source(%arg10 : memref<128x128xf32, #tpu.memory_space<vmem>>) target(%dma_start3A_71 : memref<10240x128xf32, #tpu.memory_space<vmem_shared>>) offsets(%dma_start3A_68 : memref<128xi32, #tpu.memory_space<vmem>>) semaphore(%run_scoped3A : memref<!tpu.dma_semaphore, #tpu.memory_space<semaphore_mem>>) {add = true}
        %dma_wait3A_72 = arith.constant 0 : i32
        %dma_wait3A_73 = tpu.memref_slice %arg8[%add3A_65, %dma_wait3A_72] : memref<40x128xi32, #tpu.memory_space<vmem>> -> memref<1x128xi32, #tpu.memory_space<vmem>>
        %dma_wait3A_74 = tpu.memref_squeeze %dma_wait3A_73 : memref<1x128xi32, #tpu.memory_space<vmem>> -> memref<128xi32, #tpu.memory_space<vmem>>
        %dma_wait3A_75 = arith.constant 0 : i32
        %dma_wait3A_76 = arith.constant 0 : i32
        %dma_wait3A_77 = tpu.memref_slice %arg11[%dma_wait3A_75, %dma_wait3A_76] : memref<10240x128xf32, #tpu.memory_space<vmem_shared>> -> memref<10240x128xf32, #tpu.memory_space<vmem_shared>>
        tpu.wait_indirect_dma semaphore(%run_scoped3A : memref<!tpu.dma_semaphore, #tpu.memory_space<semaphore_mem>>) src(%arg10 : memref<128x128xf32, #tpu.memory_space<vmem>>) dst(%dma_wait3A_77 : memref<10240x128xf32, #tpu.memory_space<vmem_shared>>)
        tpu.yield
      }) : () -> ()
    }
    %scan3A_20 = arith.constant 20 : i32
    "tpu.region"() ({
      %run_scoped3A = tpu.sem_alloc : memref<!tpu.dma_semaphore, #tpu.memory_space<semaphore_mem>>
      %dma_start3A_35 = arith.constant 0 : i32
      %dma_start3A_36 = arith.constant 0 : i32
      %dma_start3A_37 = tpu.memref_slice %arg3[%add3A, %dma_start3A_35, %dma_start3A_36] : memref<32x80x128xi32, #tpu.memory_space<hbm>> -> memref<1x80x128xi32, #tpu.memory_space<hbm>>
      %dma_start3A_38 = tpu.memref_squeeze %dma_start3A_37 : memref<1x80x128xi32, #tpu.memory_space<hbm>> -> memref<80x128xi32, #tpu.memory_space<hbm>>
      %dma_start3A_39 = arith.constant 40 : i32
      %dma_start3A_40 = arith.constant 0 : i32
      %dma_start3A_41 = tpu.memref_slice %dma_start3A_38[%dma_start3A_39, %dma_start3A_40] : memref<80x128xi32, #tpu.memory_space<hbm>> -> memref<40x128xi32, #tpu.memory_space<hbm>>
      %dma_start3A_42 = arith.constant 0 : i32
      %dma_start3A_43 = arith.constant 0 : i32
      %dma_start3A_44 = tpu.memref_slice %arg3[%add3A, %dma_start3A_42, %dma_start3A_43] : memref<32x80x128xi32, #tpu.memory_space<hbm>> -> memref<1x80x128xi32, #tpu.memory_space<hbm>>
      %dma_start3A_45 = tpu.memref_squeeze %dma_start3A_44 : memref<1x80x128xi32, #tpu.memory_space<hbm>> -> memref<80x128xi32, #tpu.memory_space<hbm>>
      %dma_start3A_46 = arith.constant 40 : i32
      %dma_start3A_47 = arith.constant 0 : i32
      %dma_start3A_48 = tpu.memref_slice %dma_start3A_45[%dma_start3A_46, %dma_start3A_47] : memref<80x128xi32, #tpu.memory_space<hbm>> -> memref<40x128xi32, #tpu.memory_space<hbm>>
      tpu.enqueue_dma source(%dma_start3A_48 : memref<40x128xi32, #tpu.memory_space<hbm>>) target(%arg7 : memref<40x128xi32, #tpu.memory_space<vmem>>) target_semaphore(%run_scoped3A : memref<!tpu.dma_semaphore, #tpu.memory_space<semaphore_mem>>)
      %dma_wait3A_49 = arith.constant 0 : i32
      %dma_wait3A_50 = arith.constant 0 : i32
      %dma_wait3A_51 = tpu.memref_slice %arg3[%add3A, %dma_wait3A_49, %dma_wait3A_50] : memref<32x80x128xi32, #tpu.memory_space<hbm>> -> memref<1x80x128xi32, #tpu.memory_space<hbm>>
      %dma_wait3A_52 = tpu.memref_squeeze %dma_wait3A_51 : memref<1x80x128xi32, #tpu.memory_space<hbm>> -> memref<80x128xi32, #tpu.memory_space<hbm>>
      %dma_wait3A_53 = arith.constant 40 : i32
      %dma_wait3A_54 = arith.constant 0 : i32
      %dma_wait3A_55 = tpu.memref_slice %dma_wait3A_52[%dma_wait3A_53, %dma_wait3A_54] : memref<80x128xi32, #tpu.memory_space<hbm>> -> memref<40x128xi32, #tpu.memory_space<hbm>>
      %dma_wait3A_56 = arith.constant 0 : i32
      %dma_wait3A_57 = arith.constant 0 : i32
      %dma_wait3A_58 = tpu.memref_slice %arg3[%add3A, %dma_wait3A_56, %dma_wait3A_57] : memref<32x80x128xi32, #tpu.memory_space<hbm>> -> memref<1x80x128xi32, #tpu.memory_space<hbm>>
      %dma_wait3A_59 = tpu.memref_squeeze %dma_wait3A_58 : memref<1x80x128xi32, #tpu.memory_space<hbm>> -> memref<80x128xi32, #tpu.memory_space<hbm>>
      %dma_wait3A_60 = arith.constant 40 : i32
      %dma_wait3A_61 = arith.constant 0 : i32
      %dma_wait3A_62 = tpu.memref_slice %dma_wait3A_59[%dma_wait3A_60, %dma_wait3A_61] : memref<80x128xi32, #tpu.memory_space<hbm>> -> memref<40x128xi32, #tpu.memory_space<hbm>>
      tpu.wait_dma2 semaphore(%run_scoped3A : memref<!tpu.dma_semaphore, #tpu.memory_space<semaphore_mem>>) src(%dma_wait3A_62 : memref<40x128xi32, #tpu.memory_space<hbm>>) dst(%arg7 : memref<40x128xi32, #tpu.memory_space<vmem>>)
      tpu.yield
    }) : () -> ()
    "tpu.region"() ({
      %run_scoped3A = tpu.sem_alloc : memref<!tpu.dma_semaphore, #tpu.memory_space<semaphore_mem>>
      %dma_start3A_35 = arith.constant 0 : i32
      %dma_start3A_36 = arith.constant 0 : i32
      %dma_start3A_37 = tpu.memref_slice %arg4[%add3A, %dma_start3A_35, %dma_start3A_36] : memref<32x80x128xi32, #tpu.memory_space<hbm>> -> memref<1x80x128xi32, #tpu.memory_space<hbm>>
      %dma_start3A_38 = tpu.memref_squeeze %dma_start3A_37 : memref<1x80x128xi32, #tpu.memory_space<hbm>> -> memref<80x128xi32, #tpu.memory_space<hbm>>
      %dma_start3A_39 = arith.constant 40 : i32
      %dma_start3A_40 = arith.constant 0 : i32
      %dma_start3A_41 = tpu.memref_slice %dma_start3A_38[%dma_start3A_39, %dma_start3A_40] : memref<80x128xi32, #tpu.memory_space<hbm>> -> memref<40x128xi32, #tpu.memory_space<hbm>>
      %dma_start3A_42 = arith.constant 0 : i32
      %dma_start3A_43 = arith.constant 0 : i32
      %dma_start3A_44 = tpu.memref_slice %arg4[%add3A, %dma_start3A_42, %dma_start3A_43] : memref<32x80x128xi32, #tpu.memory_space<hbm>> -> memref<1x80x128xi32, #tpu.memory_space<hbm>>
      %dma_start3A_45 = tpu.memref_squeeze %dma_start3A_44 : memref<1x80x128xi32, #tpu.memory_space<hbm>> -> memref<80x128xi32, #tpu.memory_space<hbm>>
      %dma_start3A_46 = arith.constant 40 : i32
      %dma_start3A_47 = arith.constant 0 : i32
      %dma_start3A_48 = tpu.memref_slice %dma_start3A_45[%dma_start3A_46, %dma_start3A_47] : memref<80x128xi32, #tpu.memory_space<hbm>> -> memref<40x128xi32, #tpu.memory_space<hbm>>
      tpu.enqueue_dma source(%dma_start3A_48 : memref<40x128xi32, #tpu.memory_space<hbm>>) target(%arg8 : memref<40x128xi32, #tpu.memory_space<vmem>>) target_semaphore(%run_scoped3A : memref<!tpu.dma_semaphore, #tpu.memory_space<semaphore_mem>>)
      %dma_wait3A_49 = arith.constant 0 : i32
      %dma_wait3A_50 = arith.constant 0 : i32
      %dma_wait3A_51 = tpu.memref_slice %arg4[%add3A, %dma_wait3A_49, %dma_wait3A_50] : memref<32x80x128xi32, #tpu.memory_space<hbm>> -> memref<1x80x128xi32, #tpu.memory_space<hbm>>
      %dma_wait3A_52 = tpu.memref_squeeze %dma_wait3A_51 : memref<1x80x128xi32, #tpu.memory_space<hbm>> -> memref<80x128xi32, #tpu.memory_space<hbm>>
      %dma_wait3A_53 = arith.constant 40 : i32
      %dma_wait3A_54 = arith.constant 0 : i32
      %dma_wait3A_55 = tpu.memref_slice %dma_wait3A_52[%dma_wait3A_53, %dma_wait3A_54] : memref<80x128xi32, #tpu.memory_space<hbm>> -> memref<40x128xi32, #tpu.memory_space<hbm>>
      %dma_wait3A_56 = arith.constant 0 : i32
      %dma_wait3A_57 = arith.constant 0 : i32
      %dma_wait3A_58 = tpu.memref_slice %arg4[%add3A, %dma_wait3A_56, %dma_wait3A_57] : memref<32x80x128xi32, #tpu.memory_space<hbm>> -> memref<1x80x128xi32, #tpu.memory_space<hbm>>
      %dma_wait3A_59 = tpu.memref_squeeze %dma_wait3A_58 : memref<1x80x128xi32, #tpu.memory_space<hbm>> -> memref<80x128xi32, #tpu.memory_space<hbm>>
      %dma_wait3A_60 = arith.constant 40 : i32
      %dma_wait3A_61 = arith.constant 0 : i32
      %dma_wait3A_62 = tpu.memref_slice %dma_wait3A_59[%dma_wait3A_60, %dma_wait3A_61] : memref<80x128xi32, #tpu.memory_space<hbm>> -> memref<40x128xi32, #tpu.memory_space<hbm>>
      tpu.wait_dma2 semaphore(%run_scoped3A : memref<!tpu.dma_semaphore, #tpu.memory_space<semaphore_mem>>) src(%dma_wait3A_62 : memref<40x128xi32, #tpu.memory_space<hbm>>) dst(%arg8 : memref<40x128xi32, #tpu.memory_space<vmem>>)
      tpu.yield
    }) : () -> ()
    %dma_start3A_21 = arith.constant 0 : i32
    %dma_start3A_22 = arith.constant 0 : i32
    %dma_start3A_23 = tpu.memref_slice %arg7[%dma_start3A_21, %dma_start3A_22] : memref<40x128xi32, #tpu.memory_space<vmem>> -> memref<1x128xi32, #tpu.memory_space<vmem>>
    %dma_start3A_24 = tpu.memref_squeeze %dma_start3A_23 : memref<1x128xi32, #tpu.memory_space<vmem>> -> memref<128xi32, #tpu.memory_space<vmem>>
    %dma_start3A_25 = arith.constant 0 : i32
    %dma_start3A_26 = arith.constant 0 : i32
    %dma_start3A_27 = tpu.memref_slice %arg2[%dma_start3A_25, %dma_start3A_26] : memref<10000x128xf32, #tpu.memory_space<hbm>> -> memref<10000x128xf32, #tpu.memory_space<hbm>>
    tpu.enqueue_indirect_dma source(%dma_start3A_27 : memref<10000x128xf32, #tpu.memory_space<hbm>>) target(%arg9 : memref<128x128xf32, #tpu.memory_space<vmem>>) offsets(%dma_start3A_24 : memref<128xi32, #tpu.memory_space<vmem>>) semaphore(%arg12 : memref<!tpu.dma_semaphore, #tpu.memory_space<semaphore_mem>>)
    %scan3A_28 = arith.constant 0 : i32
    %scan3A_29 = arith.constant 0 : i32
    %scan3A_30 = arith.constant 20 : i32
    %scan3A_31 = arith.addi %scan3A_29, %scan3A_30 : i32
    %scan3A_32 = arith.constant 1 : i32
    scf.for %scan3A_35 = %scan3A_29 to %scan3A_31 step %scan3A_32  : i32 {
      %mul3A_36 = arith.constant 2 : i32
      %mul3A_37 = arith.muli %mul3A_36, %scan3A_35 : i32
      %add3A_38 = arith.constant 1 : i32
      %add3A_39 = arith.addi %mul3A_37, %add3A_38 : i32
      %dma_start3A_40 = arith.constant 0 : i32
      %dma_start3A_41 = tpu.memref_slice %arg7[%add3A_39, %dma_start3A_40] : memref<40x128xi32, #tpu.memory_space<vmem>> -> memref<1x128xi32, #tpu.memory_space<vmem>>
      %dma_start3A_42 = tpu.memref_squeeze %dma_start3A_41 : memref<1x128xi32, #tpu.memory_space<vmem>> -> memref<128xi32, #tpu.memory_space<vmem>>
      %dma_start3A_43 = arith.constant 0 : i32
      %dma_start3A_44 = arith.constant 0 : i32
      %dma_start3A_45 = tpu.memref_slice %arg2[%dma_start3A_43, %dma_start3A_44] : memref<10000x128xf32, #tpu.memory_space<hbm>> -> memref<10000x128xf32, #tpu.memory_space<hbm>>
      tpu.enqueue_indirect_dma source(%dma_start3A_45 : memref<10000x128xf32, #tpu.memory_space<hbm>>) target(%arg10 : memref<128x128xf32, #tpu.memory_space<vmem>>) offsets(%dma_start3A_42 : memref<128xi32, #tpu.memory_space<vmem>>) semaphore(%arg13 : memref<!tpu.dma_semaphore, #tpu.memory_space<semaphore_mem>>)
      %dma_wait3A_46 = arith.constant 0 : i32
      %dma_wait3A_47 = tpu.memref_slice %arg7[%mul3A_37, %dma_wait3A_46] : memref<40x128xi32, #tpu.memory_space<vmem>> -> memref<1x128xi32, #tpu.memory_space<vmem>>
      %dma_wait3A_48 = tpu.memref_squeeze %dma_wait3A_47 : memref<1x128xi32, #tpu.memory_space<vmem>> -> memref<128xi32, #tpu.memory_space<vmem>>
      %dma_wait3A_49 = arith.constant 0 : i32
      %dma_wait3A_50 = arith.constant 0 : i32
      %dma_wait3A_51 = tpu.memref_slice %arg2[%dma_wait3A_49, %dma_wait3A_50] : memref<10000x128xf32, #tpu.memory_space<hbm>> -> memref<10000x128xf32, #tpu.memory_space<hbm>>
      tpu.wait_indirect_dma semaphore(%arg12 : memref<!tpu.dma_semaphore, #tpu.memory_space<semaphore_mem>>) src(%dma_wait3A_51 : memref<10000x128xf32, #tpu.memory_space<hbm>>) dst(%arg9 : memref<128x128xf32, #tpu.memory_space<vmem>>)
      "tpu.region"() ({
        %run_scoped3A = tpu.sem_alloc : memref<!tpu.dma_semaphore, #tpu.memory_space<semaphore_mem>>
        %dma_start3A_66 = arith.constant 0 : i32
        %dma_start3A_67 = tpu.memref_slice %arg8[%mul3A_37, %dma_start3A_66] : memref<40x128xi32, #tpu.memory_space<vmem>> -> memref<1x128xi32, #tpu.memory_space<vmem>>
        %dma_start3A_68 = tpu.memref_squeeze %dma_start3A_67 : memref<1x128xi32, #tpu.memory_space<vmem>> -> memref<128xi32, #tpu.memory_space<vmem>>
        %dma_start3A_69 = arith.constant 0 : i32
        %dma_start3A_70 = arith.constant 0 : i32
        %dma_start3A_71 = tpu.memref_slice %arg11[%dma_start3A_69, %dma_start3A_70] : memref<10240x128xf32, #tpu.memory_space<vmem_shared>> -> memref<10240x128xf32, #tpu.memory_space<vmem_shared>>
        tpu.enqueue_indirect_dma source(%arg9 : memref<128x128xf32, #tpu.memory_space<vmem>>) target(%dma_start3A_71 : memref<10240x128xf32, #tpu.memory_space<vmem_shared>>) offsets(%dma_start3A_68 : memref<128xi32, #tpu.memory_space<vmem>>) semaphore(%run_scoped3A : memref<!tpu.dma_semaphore, #tpu.memory_space<semaphore_mem>>) {add = true}
        %dma_wait3A_72 = arith.constant 0 : i32
        %dma_wait3A_73 = tpu.memref_slice %arg8[%mul3A_37, %dma_wait3A_72] : memref<40x128xi32, #tpu.memory_space<vmem>> -> memref<1x128xi32, #tpu.memory_space<vmem>>
        %dma_wait3A_74 = tpu.memref_squeeze %dma_wait3A_73 : memref<1x128xi32, #tpu.memory_space<vmem>> -> memref<128xi32, #tpu.memory_space<vmem>>
        %dma_wait3A_75 = arith.constant 0 : i32
        %dma_wait3A_76 = arith.constant 0 : i32
        %dma_wait3A_77 = tpu.memref_slice %arg11[%dma_wait3A_75, %dma_wait3A_76] : memref<10240x128xf32, #tpu.memory_space<vmem_shared>> -> memref<10240x128xf32, #tpu.memory_space<vmem_shared>>
        tpu.wait_indirect_dma semaphore(%run_scoped3A : memref<!tpu.dma_semaphore, #tpu.memory_space<semaphore_mem>>) src(%arg9 : memref<128x128xf32, #tpu.memory_space<vmem>>) dst(%dma_wait3A_77 : memref<10240x128xf32, #tpu.memory_space<vmem_shared>>)
        tpu.yield
      }) : () -> ()
      %add3A_52 = arith.constant 1 : i32
      %add3A_53 = arith.addi %scan3A_35, %add3A_52 : i32
      %lt3A = arith.constant 20 : i32
      %lt3A_54 = arith.cmpi slt, %add3A_53, %lt3A : i32
      %convert_element_type3A = arith.extui %lt3A_54 : i1 to i32
      %cond3A = arith.constant 0 : i32
      %cond3A_55 = arith.cmpi ne, %convert_element_type3A, %cond3A : i32
      scf.if %cond3A_55 {
        %add3A_66 = arith.constant 2 : i32
        %add3A_67 = arith.addi %mul3A_37, %add3A_66 : i32
        %dma_start3A_68 = arith.constant 0 : i32
        %dma_start3A_69 = tpu.memref_slice %arg7[%add3A_67, %dma_start3A_68] : memref<40x128xi32, #tpu.memory_space<vmem>> -> memref<1x128xi32, #tpu.memory_space<vmem>>
        %dma_start3A_70 = tpu.memref_squeeze %dma_start3A_69 : memref<1x128xi32, #tpu.memory_space<vmem>> -> memref<128xi32, #tpu.memory_space<vmem>>
        %dma_start3A_71 = arith.constant 0 : i32
        %dma_start3A_72 = arith.constant 0 : i32
        %dma_start3A_73 = tpu.memref_slice %arg2[%dma_start3A_71, %dma_start3A_72] : memref<10000x128xf32, #tpu.memory_space<hbm>> -> memref<10000x128xf32, #tpu.memory_space<hbm>>
        tpu.enqueue_indirect_dma source(%dma_start3A_73 : memref<10000x128xf32, #tpu.memory_space<hbm>>) target(%arg9 : memref<128x128xf32, #tpu.memory_space<vmem>>) offsets(%dma_start3A_70 : memref<128xi32, #tpu.memory_space<vmem>>) semaphore(%arg12 : memref<!tpu.dma_semaphore, #tpu.memory_space<semaphore_mem>>)
      } else {
      }
      %add3A_56 = arith.constant 1 : i32
      %add3A_57 = arith.addi %mul3A_37, %add3A_56 : i32
      %dma_wait3A_58 = arith.constant 0 : i32
      %dma_wait3A_59 = tpu.memref_slice %arg7[%add3A_57, %dma_wait3A_58] : memref<40x128xi32, #tpu.memory_space<vmem>> -> memref<1x128xi32, #tpu.memory_space<vmem>>
      %dma_wait3A_60 = tpu.memref_squeeze %dma_wait3A_59 : memref<1x128xi32, #tpu.memory_space<vmem>> -> memref<128xi32, #tpu.memory_space<vmem>>
      %dma_wait3A_61 = arith.constant 0 : i32
      %dma_wait3A_62 = arith.constant 0 : i32
      %dma_wait3A_63 = tpu.memref_slice %arg2[%dma_wait3A_61, %dma_wait3A_62] : memref<10000x128xf32, #tpu.memory_space<hbm>> -> memref<10000x128xf32, #tpu.memory_space<hbm>>
      tpu.wait_indirect_dma semaphore(%arg13 : memref<!tpu.dma_semaphore, #tpu.memory_space<semaphore_mem>>) src(%dma_wait3A_63 : memref<10000x128xf32, #tpu.memory_space<hbm>>) dst(%arg10 : memref<128x128xf32, #tpu.memory_space<vmem>>)
      %add3A_64 = arith.constant 1 : i32
      %add3A_65 = arith.addi %mul3A_37, %add3A_64 : i32
      "tpu.region"() ({
        %run_scoped3A = tpu.sem_alloc : memref<!tpu.dma_semaphore, #tpu.memory_space<semaphore_mem>>
        %dma_start3A_66 = arith.constant 0 : i32
        %dma_start3A_67 = tpu.memref_slice %arg8[%add3A_65, %dma_start3A_66] : memref<40x128xi32, #tpu.memory_space<vmem>> -> memref<1x128xi32, #tpu.memory_space<vmem>>
        %dma_start3A_68 = tpu.memref_squeeze %dma_start3A_67 : memref<1x128xi32, #tpu.memory_space<vmem>> -> memref<128xi32, #tpu.memory_space<vmem>>
        %dma_start3A_69 = arith.constant 0 : i32
        %dma_start3A_70 = arith.constant 0 : i32
        %dma_start3A_71 = tpu.memref_slice %arg11[%dma_start3A_69, %dma_start3A_70] : memref<10240x128xf32, #tpu.memory_space<vmem_shared>> -> memref<10240x128xf32, #tpu.memory_space<vmem_shared>>
        tpu.enqueue_indirect_dma source(%arg10 : memref<128x128xf32, #tpu.memory_space<vmem>>) target(%dma_start3A_71 : memref<10240x128xf32, #tpu.memory_space<vmem_shared>>) offsets(%dma_start3A_68 : memref<128xi32, #tpu.memory_space<vmem>>) semaphore(%run_scoped3A : memref<!tpu.dma_semaphore, #tpu.memory_space<semaphore_mem>>) {add = true}
        %dma_wait3A_72 = arith.constant 0 : i32
        %dma_wait3A_73 = tpu.memref_slice %arg8[%add3A_65, %dma_wait3A_72] : memref<40x128xi32, #tpu.memory_space<vmem>> -> memref<1x128xi32, #tpu.memory_space<vmem>>
        %dma_wait3A_74 = tpu.memref_squeeze %dma_wait3A_73 : memref<1x128xi32, #tpu.memory_space<vmem>> -> memref<128xi32, #tpu.memory_space<vmem>>
        %dma_wait3A_75 = arith.constant 0 : i32
        %dma_wait3A_76 = arith.constant 0 : i32
        %dma_wait3A_77 = tpu.memref_slice %arg11[%dma_wait3A_75, %dma_wait3A_76] : memref<10240x128xf32, #tpu.memory_space<vmem_shared>> -> memref<10240x128xf32, #tpu.memory_space<vmem_shared>>
        tpu.wait_indirect_dma semaphore(%run_scoped3A : memref<!tpu.dma_semaphore, #tpu.memory_space<semaphore_mem>>) src(%arg10 : memref<128x128xf32, #tpu.memory_space<vmem>>) dst(%dma_wait3A_77 : memref<10240x128xf32, #tpu.memory_space<vmem_shared>>)
        tpu.yield
      }) : () -> ()
    }
    %scan3A_33 = arith.constant 20 : i32
    %barrier3A_34 = arith.constant 0 : index
    tpu.barrier barrier_id(%barrier3A_34)
    "tpu.region"() ({
      %run_scoped3A = tpu.sem_alloc : memref<!tpu.dma_semaphore, #tpu.memory_space<semaphore_mem>>
      %dma_start3A_35 = arith.constant 0 : i32
      %dma_start3A_36 = arith.constant 0 : i32
      %dma_start3A_37 = tpu.memref_slice %arg6[%arg0, %dma_start3A_35, %dma_start3A_36] : memref<2x10240x128xf32, #tpu.memory_space<hbm>> -> memref<1x10240x128xf32, #tpu.memory_space<hbm>>
      %dma_start3A_38 = tpu.memref_squeeze %dma_start3A_37 : memref<1x10240x128xf32, #tpu.memory_space<hbm>> -> memref<10240x128xf32, #tpu.memory_space<hbm>>
      %dma_start3A_39 = arith.constant 0 : i32
      %dma_start3A_40 = tpu.memref_slice %dma_start3A_38[%mul3A_2, %dma_start3A_39] : memref<10240x128xf32, #tpu.memory_space<hbm>> -> memref<640x128xf32, #tpu.memory_space<hbm>>
      %dma_start3A_41 = arith.constant 0 : i32
      %dma_start3A_42 = tpu.memref_slice %arg11[%mul3A_2, %dma_start3A_41] : memref<10240x128xf32, #tpu.memory_space<vmem_shared>> -> memref<640x128xf32, #tpu.memory_space<vmem_shared>>
      tpu.enqueue_dma source(%dma_start3A_42 : memref<640x128xf32, #tpu.memory_space<vmem_shared>>) target(%dma_start3A_40 : memref<640x128xf32, #tpu.memory_space<hbm>>) target_semaphore(%run_scoped3A : memref<!tpu.dma_semaphore, #tpu.memory_space<semaphore_mem>>)
      %dma_wait3A_43 = arith.constant 0 : i32
      %dma_wait3A_44 = arith.constant 0 : i32
      %dma_wait3A_45 = tpu.memref_slice %arg6[%arg0, %dma_wait3A_43, %dma_wait3A_44] : memref<2x10240x128xf32, #tpu.memory_space<hbm>> -> memref<1x10240x128xf32, #tpu.memory_space<hbm>>
      %dma_wait3A_46 = tpu.memref_squeeze %dma_wait3A_45 : memref<1x10240x128xf32, #tpu.memory_space<hbm>> -> memref<10240x128xf32, #tpu.memory_space<hbm>>
      %dma_wait3A_47 = arith.constant 0 : i32
      %dma_wait3A_48 = tpu.memref_slice %dma_wait3A_46[%mul3A_2, %dma_wait3A_47] : memref<10240x128xf32, #tpu.memory_space<hbm>> -> memref<640x128xf32, #tpu.memory_space<hbm>>
      %dma_wait3A_49 = arith.constant 0 : i32
      %dma_wait3A_50 = tpu.memref_slice %arg11[%mul3A_2, %dma_wait3A_49] : memref<10240x128xf32, #tpu.memory_space<vmem_shared>> -> memref<640x128xf32, #tpu.memory_space<vmem_shared>>
      tpu.wait_dma2 semaphore(%run_scoped3A : memref<!tpu.dma_semaphore, #tpu.memory_space<semaphore_mem>>) src(%dma_wait3A_50 : memref<640x128xf32, #tpu.memory_space<vmem_shared>>) dst(%dma_wait3A_48 : memref<640x128xf32, #tpu.memory_space<hbm>>)
      tpu.yield
    }) : () -> ()
    return
  }
}

#map = affine_map<(d0, d1) -> (0, 0)>
#map1 = affine_map<(d0, d1) -> (0, 0, 0)>
module attributes {stable_mosaic.version = 14 : i64} {
  func.func @_sc_scatter(%arg0: i32, %arg1: i32, %arg2: memref<10000x128xf32, #tpu.memory_space<hbm>>, %arg3: memref<32x80x128xi32, #tpu.memory_space<hbm>>, %arg4: memref<32x80x128xi32, #tpu.memory_space<hbm>>, %arg5: memref<10240x128xf32, #tpu.memory_space<hbm>>, %arg6: memref<2x10240x128xf32, #tpu.memory_space<hbm>>, %arg7: memref<40x128xi32, #tpu.memory_space<vmem>>, %arg8: memref<40x128xi32, #tpu.memory_space<vmem>>, %arg9: memref<128x128xf32, #tpu.memory_space<vmem>>, %arg10: memref<128x128xf32, #tpu.memory_space<vmem>>, %arg11: memref<10240x128xf32, #tpu.memory_space<vmem_shared>>, %arg12: memref<!tpu.dma_semaphore, #tpu.memory_space<semaphore_mem>>, %arg13: memref<!tpu.dma_semaphore, #tpu.memory_space<semaphore_mem>>, %arg14: memref<!tpu.dma_semaphore, #tpu.memory_space<semaphore_mem>>) attributes {dimension_semantics = [#tpu.dimension_semantics<core_parallel>, #tpu.dimension_semantics<subcore_parallel>], iteration_bounds = array<i64: 2, 16>, scalar_prefetch = 0 : i64, scratch_operands = 8 : i64, tpu.core_type = #tpu.core_type<sc_vector_subcore>, window_params = [{transform_indices = #map}, {transform_indices = #map1}, {transform_indices = #map1}, {transform_indices = #map}, {transform_indices = #map1}]} {
    %mul3A = arith.constant 16 : i32
    %mul3A_0 = arith.muli %arg0, %mul3A : i32
    %add3A = arith.addi %mul3A_0, %arg1 : i32
    %mul3A_1 = arith.constant 640 : i32
    %mul3A_2 = arith.muli %arg1, %mul3A_1 : i32
    %dma_start3A = arith.constant 0 : i32
    %dma_start3A_3 = tpu.memref_slice %arg11[%mul3A_2, %dma_start3A] : memref<10240x128xf32, #tpu.memory_space<vmem_shared>> -> memref<640x128xf32, #tpu.memory_space<vmem_shared>>
    %dma_start3A_4 = arith.constant 0 : i32
    %dma_start3A_5 = tpu.memref_slice %arg5[%mul3A_2, %dma_start3A_4] : memref<10240x128xf32, #tpu.memory_space<hbm>> -> memref<640x128xf32, #tpu.memory_space<hbm>>
    tpu.enqueue_dma source(%dma_start3A_5 : memref<640x128xf32, #tpu.memory_space<hbm>>) target(%dma_start3A_3 : memref<640x128xf32, #tpu.memory_space<vmem_shared>>) target_semaphore(%arg14 : memref<!tpu.dma_semaphore, #tpu.memory_space<semaphore_mem>>)
    "tpu.region"() ({
      %run_scoped3A = tpu.sem_alloc : memref<!tpu.dma_semaphore, #tpu.memory_space<semaphore_mem>>
      %dma_start3A_35 = arith.constant 0 : i32
      %dma_start3A_36 = arith.constant 0 : i32
      %dma_start3A_37 = tpu.memref_slice %arg3[%add3A, %dma_start3A_35, %dma_start3A_36] : memref<32x80x128xi32, #tpu.memory_space<hbm>> -> memref<1x80x128xi32, #tpu.memory_space<hbm>>
      %dma_start3A_38 = tpu.memref_squeeze %dma_start3A_37 : memref<1x80x128xi32, #tpu.memory_space<hbm>> -> memref<80x128xi32, #tpu.memory_space<hbm>>
      %dma_start3A_39 = arith.constant 0 : i32
      %dma_start3A_40 = arith.constant 0 : i32
      %dma_start3A_41 = tpu.memref_slice %dma_start3A_38[%dma_start3A_39, %dma_start3A_40] : memref<80x128xi32, #tpu.memory_space<hbm>> -> memref<40x128xi32, #tpu.memory_space<hbm>>
      %dma_start3A_42 = arith.constant 0 : i32
      %dma_start3A_43 = arith.constant 0 : i32
      %dma_start3A_44 = tpu.memref_slice %arg3[%add3A, %dma_start3A_42, %dma_start3A_43] : memref<32x80x128xi32, #tpu.memory_space<hbm>> -> memref<1x80x128xi32, #tpu.memory_space<hbm>>
      %dma_start3A_45 = tpu.memref_squeeze %dma_start3A_44 : memref<1x80x128xi32, #tpu.memory_space<hbm>> -> memref<80x128xi32, #tpu.memory_space<hbm>>
      %dma_start3A_46 = arith.constant 0 : i32
      %dma_start3A_47 = arith.constant 0 : i32
      %dma_start3A_48 = tpu.memref_slice %dma_start3A_45[%dma_start3A_46, %dma_start3A_47] : memref<80x128xi32, #tpu.memory_space<hbm>> -> memref<40x128xi32, #tpu.memory_space<hbm>>
      tpu.enqueue_dma source(%dma_start3A_48 : memref<40x128xi32, #tpu.memory_space<hbm>>) target(%arg7 : memref<40x128xi32, #tpu.memory_space<vmem>>) target_semaphore(%run_scoped3A : memref<!tpu.dma_semaphore, #tpu.memory_space<semaphore_mem>>)
      %dma_wait3A_49 = arith.constant 0 : i32
      %dma_wait3A_50 = arith.constant 0 : i32
      %dma_wait3A_51 = tpu.memref_slice %arg3[%add3A, %dma_wait3A_49, %dma_wait3A_50] : memref<32x80x128xi32, #tpu.memory_space<hbm>> -> memref<1x80x128xi32, #tpu.memory_space<hbm>>
      %dma_wait3A_52 = tpu.memref_squeeze %dma_wait3A_51 : memref<1x80x128xi32, #tpu.memory_space<hbm>> -> memref<80x128xi32, #tpu.memory_space<hbm>>
      %dma_wait3A_53 = arith.constant 0 : i32
      %dma_wait3A_54 = arith.constant 0 : i32
      %dma_wait3A_55 = tpu.memref_slice %dma_wait3A_52[%dma_wait3A_53, %dma_wait3A_54] : memref<80x128xi32, #tpu.memory_space<hbm>> -> memref<40x128xi32, #tpu.memory_space<hbm>>
      %dma_wait3A_56 = arith.constant 0 : i32
      %dma_wait3A_57 = arith.constant 0 : i32
      %dma_wait3A_58 = tpu.memref_slice %arg3[%add3A, %dma_wait3A_56, %dma_wait3A_57] : memref<32x80x128xi32, #tpu.memory_space<hbm>> -> memref<1x80x128xi32, #tpu.memory_space<hbm>>
      %dma_wait3A_59 = tpu.memref_squeeze %dma_wait3A_58 : memref<1x80x128xi32, #tpu.memory_space<hbm>> -> memref<80x128xi32, #tpu.memory_space<hbm>>
      %dma_wait3A_60 = arith.constant 0 : i32
      %dma_wait3A_61 = arith.constant 0 : i32
      %dma_wait3A_62 = tpu.memref_slice %dma_wait3A_59[%dma_wait3A_60, %dma_wait3A_61] : memref<80x128xi32, #tpu.memory_space<hbm>> -> memref<40x128xi32, #tpu.memory_space<hbm>>
      tpu.wait_dma2 semaphore(%run_scoped3A : memref<!tpu.dma_semaphore, #tpu.memory_space<semaphore_mem>>) src(%dma_wait3A_62 : memref<40x128xi32, #tpu.memory_space<hbm>>) dst(%arg7 : memref<40x128xi32, #tpu.memory_space<vmem>>)
      tpu.yield
    }) : () -> ()
    "tpu.region"() ({
      %run_scoped3A = tpu.sem_alloc : memref<!tpu.dma_semaphore, #tpu.memory_space<semaphore_mem>>
      %dma_start3A_35 = arith.constant 0 : i32
      %dma_start3A_36 = arith.constant 0 : i32
      %dma_start3A_37 = tpu.memref_slice %arg4[%add3A, %dma_start3A_35, %dma_start3A_36] : memref<32x80x128xi32, #tpu.memory_space<hbm>> -> memref<1x80x128xi32, #tpu.memory_space<hbm>>
      %dma_start3A_38 = tpu.memref_squeeze %dma_start3A_37 : memref<1x80x128xi32, #tpu.memory_space<hbm>> -> memref<80x128xi32, #tpu.memory_space<hbm>>
      %dma_start3A_39 = arith.constant 0 : i32
      %dma_start3A_40 = arith.constant 0 : i32
      %dma_start3A_41 = tpu.memref_slice %dma_start3A_38[%dma_start3A_39, %dma_start3A_40] : memref<80x128xi32, #tpu.memory_space<hbm>> -> memref<40x128xi32, #tpu.memory_space<hbm>>
      %dma_start3A_42 = arith.constant 0 : i32
      %dma_start3A_43 = arith.constant 0 : i32
      %dma_start3A_44 = tpu.memref_slice %arg4[%add3A, %dma_start3A_42, %dma_start3A_43] : memref<32x80x128xi32, #tpu.memory_space<hbm>> -> memref<1x80x128xi32, #tpu.memory_space<hbm>>
      %dma_start3A_45 = tpu.memref_squeeze %dma_start3A_44 : memref<1x80x128xi32, #tpu.memory_space<hbm>> -> memref<80x128xi32, #tpu.memory_space<hbm>>
      %dma_start3A_46 = arith.constant 0 : i32
      %dma_start3A_47 = arith.constant 0 : i32
      %dma_start3A_48 = tpu.memref_slice %dma_start3A_45[%dma_start3A_46, %dma_start3A_47] : memref<80x128xi32, #tpu.memory_space<hbm>> -> memref<40x128xi32, #tpu.memory_space<hbm>>
      tpu.enqueue_dma source(%dma_start3A_48 : memref<40x128xi32, #tpu.memory_space<hbm>>) target(%arg8 : memref<40x128xi32, #tpu.memory_space<vmem>>) target_semaphore(%run_scoped3A : memref<!tpu.dma_semaphore, #tpu.memory_space<semaphore_mem>>)
      %dma_wait3A_49 = arith.constant 0 : i32
      %dma_wait3A_50 = arith.constant 0 : i32
      %dma_wait3A_51 = tpu.memref_slice %arg4[%add3A, %dma_wait3A_49, %dma_wait3A_50] : memref<32x80x128xi32, #tpu.memory_space<hbm>> -> memref<1x80x128xi32, #tpu.memory_space<hbm>>
      %dma_wait3A_52 = tpu.memref_squeeze %dma_wait3A_51 : memref<1x80x128xi32, #tpu.memory_space<hbm>> -> memref<80x128xi32, #tpu.memory_space<hbm>>
      %dma_wait3A_53 = arith.constant 0 : i32
      %dma_wait3A_54 = arith.constant 0 : i32
      %dma_wait3A_55 = tpu.memref_slice %dma_wait3A_52[%dma_wait3A_53, %dma_wait3A_54] : memref<80x128xi32, #tpu.memory_space<hbm>> -> memref<40x128xi32, #tpu.memory_space<hbm>>
      %dma_wait3A_56 = arith.constant 0 : i32
      %dma_wait3A_57 = arith.constant 0 : i32
      %dma_wait3A_58 = tpu.memref_slice %arg4[%add3A, %dma_wait3A_56, %dma_wait3A_57] : memref<32x80x128xi32, #tpu.memory_space<hbm>> -> memref<1x80x128xi32, #tpu.memory_space<hbm>>
      %dma_wait3A_59 = tpu.memref_squeeze %dma_wait3A_58 : memref<1x80x128xi32, #tpu.memory_space<hbm>> -> memref<80x128xi32, #tpu.memory_space<hbm>>
      %dma_wait3A_60 = arith.constant 0 : i32
      %dma_wait3A_61 = arith.constant 0 : i32
      %dma_wait3A_62 = tpu.memref_slice %dma_wait3A_59[%dma_wait3A_60, %dma_wait3A_61] : memref<80x128xi32, #tpu.memory_space<hbm>> -> memref<40x128xi32, #tpu.memory_space<hbm>>
      tpu.wait_dma2 semaphore(%run_scoped3A : memref<!tpu.dma_semaphore, #tpu.memory_space<semaphore_mem>>) src(%dma_wait3A_62 : memref<40x128xi32, #tpu.memory_space<hbm>>) dst(%arg8 : memref<40x128xi32, #tpu.memory_space<vmem>>)
      tpu.yield
    }) : () -> ()
    %dma_wait3A = arith.constant 0 : i32
    %dma_wait3A_6 = tpu.memref_slice %arg11[%mul3A_2, %dma_wait3A] : memref<10240x128xf32, #tpu.memory_space<vmem_shared>> -> memref<640x128xf32, #tpu.memory_space<vmem_shared>>
    %dma_wait3A_7 = arith.constant 0 : i32
    %dma_wait3A_8 = tpu.memref_slice %arg5[%mul3A_2, %dma_wait3A_7] : memref<10240x128xf32, #tpu.memory_space<hbm>> -> memref<640x128xf32, #tpu.memory_space<hbm>>
    tpu.wait_dma2 semaphore(%arg14 : memref<!tpu.dma_semaphore, #tpu.memory_space<semaphore_mem>>) src(%dma_wait3A_8 : memref<640x128xf32, #tpu.memory_space<hbm>>) dst(%dma_wait3A_6 : memref<640x128xf32, #tpu.memory_space<vmem_shared>>)
    %barrier3A = arith.constant 0 : index
    tpu.barrier barrier_id(%barrier3A)
    %dma_start3A_9 = arith.constant 0 : i32
    %dma_start3A_10 = arith.constant 0 : i32
    %dma_start3A_11 = tpu.memref_slice %arg7[%dma_start3A_9, %dma_start3A_10] : memref<40x128xi32, #tpu.memory_space<vmem>> -> memref<1x128xi32, #tpu.memory_space<vmem>>
    %dma_start3A_12 = tpu.memref_squeeze %dma_start3A_11 : memref<1x128xi32, #tpu.memory_space<vmem>> -> memref<128xi32, #tpu.memory_space<vmem>>
    %dma_start3A_13 = arith.constant 0 : i32
    %dma_start3A_14 = arith.constant 0 : i32
    %dma_start3A_15 = tpu.memref_slice %arg2[%dma_start3A_13, %dma_start3A_14] : memref<10000x128xf32, #tpu.memory_space<hbm>> -> memref<10000x128xf32, #tpu.memory_space<hbm>>
    tpu.enqueue_indirect_dma source(%dma_start3A_15 : memref<10000x128xf32, #tpu.memory_space<hbm>>) target(%arg9 : memref<128x128xf32, #tpu.memory_space<vmem>>) offsets(%dma_start3A_12 : memref<128xi32, #tpu.memory_space<vmem>>) semaphore(%arg12 : memref<!tpu.dma_semaphore, #tpu.memory_space<semaphore_mem>>)
    %scan3A = arith.constant 0 : i32
    %scan3A_16 = arith.constant 0 : i32
    %scan3A_17 = arith.constant 20 : i32
    %scan3A_18 = arith.addi %scan3A_16, %scan3A_17 : i32
    %scan3A_19 = arith.constant 1 : i32
    scf.for %scan3A_35 = %scan3A_16 to %scan3A_18 step %scan3A_19  : i32 {
      %mul3A_36 = arith.constant 2 : i32
      %mul3A_37 = arith.muli %mul3A_36, %scan3A_35 : i32
      %add3A_38 = arith.constant 1 : i32
      %add3A_39 = arith.addi %mul3A_37, %add3A_38 : i32
      %dma_start3A_40 = arith.constant 0 : i32
      %dma_start3A_41 = tpu.memref_slice %arg7[%add3A_39, %dma_start3A_40] : memref<40x128xi32, #tpu.memory_space<vmem>> -> memref<1x128xi32, #tpu.memory_space<vmem>>
      %dma_start3A_42 = tpu.memref_squeeze %dma_start3A_41 : memref<1x128xi32, #tpu.memory_space<vmem>> -> memref<128xi32, #tpu.memory_space<vmem>>
      %dma_start3A_43 = arith.constant 0 : i32
      %dma_start3A_44 = arith.constant 0 : i32
      %dma_start3A_45 = tpu.memref_slice %arg2[%dma_start3A_43, %dma_start3A_44] : memref<10000x128xf32, #tpu.memory_space<hbm>> -> memref<10000x128xf32, #tpu.memory_space<hbm>>
      tpu.enqueue_indirect_dma source(%dma_start3A_45 : memref<10000x128xf32, #tpu.memory_space<hbm>>) target(%arg10 : memref<128x128xf32, #tpu.memory_space<vmem>>) offsets(%dma_start3A_42 : memref<128xi32, #tpu.memory_space<vmem>>) semaphore(%arg13 : memref<!tpu.dma_semaphore, #tpu.memory_space<semaphore_mem>>)
      %dma_wait3A_46 = arith.constant 0 : i32
      %dma_wait3A_47 = tpu.memref_slice %arg7[%mul3A_37, %dma_wait3A_46] : memref<40x128xi32, #tpu.memory_space<vmem>> -> memref<1x128xi32, #tpu.memory_space<vmem>>
      %dma_wait3A_48 = tpu.memref_squeeze %dma_wait3A_47 : memref<1x128xi32, #tpu.memory_space<vmem>> -> memref<128xi32, #tpu.memory_space<vmem>>
      %dma_wait3A_49 = arith.constant 0 : i32
      %dma_wait3A_50 = arith.constant 0 : i32
      %dma_wait3A_51 = tpu.memref_slice %arg2[%dma_wait3A_49, %dma_wait3A_50] : memref<10000x128xf32, #tpu.memory_space<hbm>> -> memref<10000x128xf32, #tpu.memory_space<hbm>>
      tpu.wait_indirect_dma semaphore(%arg12 : memref<!tpu.dma_semaphore, #tpu.memory_space<semaphore_mem>>) src(%dma_wait3A_51 : memref<10000x128xf32, #tpu.memory_space<hbm>>) dst(%arg9 : memref<128x128xf32, #tpu.memory_space<vmem>>)
      "tpu.region"() ({
        %run_scoped3A = tpu.sem_alloc : memref<!tpu.dma_semaphore, #tpu.memory_space<semaphore_mem>>
        %dma_start3A_66 = arith.constant 0 : i32
        %dma_start3A_67 = tpu.memref_slice %arg8[%mul3A_37, %dma_start3A_66] : memref<40x128xi32, #tpu.memory_space<vmem>> -> memref<1x128xi32, #tpu.memory_space<vmem>>
        %dma_start3A_68 = tpu.memref_squeeze %dma_start3A_67 : memref<1x128xi32, #tpu.memory_space<vmem>> -> memref<128xi32, #tpu.memory_space<vmem>>
        %dma_start3A_69 = arith.constant 0 : i32
        %dma_start3A_70 = arith.constant 0 : i32
        %dma_start3A_71 = tpu.memref_slice %arg11[%dma_start3A_69, %dma_start3A_70] : memref<10240x128xf32, #tpu.memory_space<vmem_shared>> -> memref<10240x128xf32, #tpu.memory_space<vmem_shared>>
        tpu.enqueue_indirect_dma source(%arg9 : memref<128x128xf32, #tpu.memory_space<vmem>>) target(%dma_start3A_71 : memref<10240x128xf32, #tpu.memory_space<vmem_shared>>) offsets(%dma_start3A_68 : memref<128xi32, #tpu.memory_space<vmem>>) semaphore(%run_scoped3A : memref<!tpu.dma_semaphore, #tpu.memory_space<semaphore_mem>>) {add = true}
        %dma_wait3A_72 = arith.constant 0 : i32
        %dma_wait3A_73 = tpu.memref_slice %arg8[%mul3A_37, %dma_wait3A_72] : memref<40x128xi32, #tpu.memory_space<vmem>> -> memref<1x128xi32, #tpu.memory_space<vmem>>
        %dma_wait3A_74 = tpu.memref_squeeze %dma_wait3A_73 : memref<1x128xi32, #tpu.memory_space<vmem>> -> memref<128xi32, #tpu.memory_space<vmem>>
        %dma_wait3A_75 = arith.constant 0 : i32
        %dma_wait3A_76 = arith.constant 0 : i32
        %dma_wait3A_77 = tpu.memref_slice %arg11[%dma_wait3A_75, %dma_wait3A_76] : memref<10240x128xf32, #tpu.memory_space<vmem_shared>> -> memref<10240x128xf32, #tpu.memory_space<vmem_shared>>
        tpu.wait_indirect_dma semaphore(%run_scoped3A : memref<!tpu.dma_semaphore, #tpu.memory_space<semaphore_mem>>) src(%arg9 : memref<128x128xf32, #tpu.memory_space<vmem>>) dst(%dma_wait3A_77 : memref<10240x128xf32, #tpu.memory_space<vmem_shared>>)
        tpu.yield
      }) : () -> ()
      %add3A_52 = arith.constant 1 : i32
      %add3A_53 = arith.addi %scan3A_35, %add3A_52 : i32
      %lt3A = arith.constant 20 : i32
      %lt3A_54 = arith.cmpi slt, %add3A_53, %lt3A : i32
      %convert_element_type3A = arith.extui %lt3A_54 : i1 to i32
      %cond3A = arith.constant 0 : i32
      %cond3A_55 = arith.cmpi ne, %convert_element_type3A, %cond3A : i32
      scf.if %cond3A_55 {
        %add3A_66 = arith.constant 2 : i32
        %add3A_67 = arith.addi %mul3A_37, %add3A_66 : i32
        %dma_start3A_68 = arith.constant 0 : i32
        %dma_start3A_69 = tpu.memref_slice %arg7[%add3A_67, %dma_start3A_68] : memref<40x128xi32, #tpu.memory_space<vmem>> -> memref<1x128xi32, #tpu.memory_space<vmem>>
        %dma_start3A_70 = tpu.memref_squeeze %dma_start3A_69 : memref<1x128xi32, #tpu.memory_space<vmem>> -> memref<128xi32, #tpu.memory_space<vmem>>
        %dma_start3A_71 = arith.constant 0 : i32
        %dma_start3A_72 = arith.constant 0 : i32
        %dma_start3A_73 = tpu.memref_slice %arg2[%dma_start3A_71, %dma_start3A_72] : memref<10000x128xf32, #tpu.memory_space<hbm>> -> memref<10000x128xf32, #tpu.memory_space<hbm>>
        tpu.enqueue_indirect_dma source(%dma_start3A_73 : memref<10000x128xf32, #tpu.memory_space<hbm>>) target(%arg9 : memref<128x128xf32, #tpu.memory_space<vmem>>) offsets(%dma_start3A_70 : memref<128xi32, #tpu.memory_space<vmem>>) semaphore(%arg12 : memref<!tpu.dma_semaphore, #tpu.memory_space<semaphore_mem>>)
      } else {
      }
      %add3A_56 = arith.constant 1 : i32
      %add3A_57 = arith.addi %mul3A_37, %add3A_56 : i32
      %dma_wait3A_58 = arith.constant 0 : i32
      %dma_wait3A_59 = tpu.memref_slice %arg7[%add3A_57, %dma_wait3A_58] : memref<40x128xi32, #tpu.memory_space<vmem>> -> memref<1x128xi32, #tpu.memory_space<vmem>>
      %dma_wait3A_60 = tpu.memref_squeeze %dma_wait3A_59 : memref<1x128xi32, #tpu.memory_space<vmem>> -> memref<128xi32, #tpu.memory_space<vmem>>
      %dma_wait3A_61 = arith.constant 0 : i32
      %dma_wait3A_62 = arith.constant 0 : i32
      %dma_wait3A_63 = tpu.memref_slice %arg2[%dma_wait3A_61, %dma_wait3A_62] : memref<10000x128xf32, #tpu.memory_space<hbm>> -> memref<10000x128xf32, #tpu.memory_space<hbm>>
      tpu.wait_indirect_dma semaphore(%arg13 : memref<!tpu.dma_semaphore, #tpu.memory_space<semaphore_mem>>) src(%dma_wait3A_63 : memref<10000x128xf32, #tpu.memory_space<hbm>>) dst(%arg10 : memref<128x128xf32, #tpu.memory_space<vmem>>)
      %add3A_64 = arith.constant 1 : i32
      %add3A_65 = arith.addi %mul3A_37, %add3A_64 : i32
      "tpu.region"() ({
        %run_scoped3A = tpu.sem_alloc : memref<!tpu.dma_semaphore, #tpu.memory_space<semaphore_mem>>
        %dma_start3A_66 = arith.constant 0 : i32
        %dma_start3A_67 = tpu.memref_slice %arg8[%add3A_65, %dma_start3A_66] : memref<40x128xi32, #tpu.memory_space<vmem>> -> memref<1x128xi32, #tpu.memory_space<vmem>>
        %dma_start3A_68 = tpu.memref_squeeze %dma_start3A_67 : memref<1x128xi32, #tpu.memory_space<vmem>> -> memref<128xi32, #tpu.memory_space<vmem>>
        %dma_start3A_69 = arith.constant 0 : i32
        %dma_start3A_70 = arith.constant 0 : i32
        %dma_start3A_71 = tpu.memref_slice %arg11[%dma_start3A_69, %dma_start3A_70] : memref<10240x128xf32, #tpu.memory_space<vmem_shared>> -> memref<10240x128xf32, #tpu.memory_space<vmem_shared>>
        tpu.enqueue_indirect_dma source(%arg10 : memref<128x128xf32, #tpu.memory_space<vmem>>) target(%dma_start3A_71 : memref<10240x128xf32, #tpu.memory_space<vmem_shared>>) offsets(%dma_start3A_68 : memref<128xi32, #tpu.memory_space<vmem>>) semaphore(%run_scoped3A : memref<!tpu.dma_semaphore, #tpu.memory_space<semaphore_mem>>) {add = true}
        %dma_wait3A_72 = arith.constant 0 : i32
        %dma_wait3A_73 = tpu.memref_slice %arg8[%add3A_65, %dma_wait3A_72] : memref<40x128xi32, #tpu.memory_space<vmem>> -> memref<1x128xi32, #tpu.memory_space<vmem>>
        %dma_wait3A_74 = tpu.memref_squeeze %dma_wait3A_73 : memref<1x128xi32, #tpu.memory_space<vmem>> -> memref<128xi32, #tpu.memory_space<vmem>>
        %dma_wait3A_75 = arith.constant 0 : i32
        %dma_wait3A_76 = arith.constant 0 : i32
        %dma_wait3A_77 = tpu.memref_slice %arg11[%dma_wait3A_75, %dma_wait3A_76] : memref<10240x128xf32, #tpu.memory_space<vmem_shared>> -> memref<10240x128xf32, #tpu.memory_space<vmem_shared>>
        tpu.wait_indirect_dma semaphore(%run_scoped3A : memref<!tpu.dma_semaphore, #tpu.memory_space<semaphore_mem>>) src(%arg10 : memref<128x128xf32, #tpu.memory_space<vmem>>) dst(%dma_wait3A_77 : memref<10240x128xf32, #tpu.memory_space<vmem_shared>>)
        tpu.yield
      }) : () -> ()
    }
    %scan3A_20 = arith.constant 20 : i32
    "tpu.region"() ({
      %run_scoped3A = tpu.sem_alloc : memref<!tpu.dma_semaphore, #tpu.memory_space<semaphore_mem>>
      %dma_start3A_35 = arith.constant 0 : i32
      %dma_start3A_36 = arith.constant 0 : i32
      %dma_start3A_37 = tpu.memref_slice %arg3[%add3A, %dma_start3A_35, %dma_start3A_36] : memref<32x80x128xi32, #tpu.memory_space<hbm>> -> memref<1x80x128xi32, #tpu.memory_space<hbm>>
      %dma_start3A_38 = tpu.memref_squeeze %dma_start3A_37 : memref<1x80x128xi32, #tpu.memory_space<hbm>> -> memref<80x128xi32, #tpu.memory_space<hbm>>
      %dma_start3A_39 = arith.constant 40 : i32
      %dma_start3A_40 = arith.constant 0 : i32
      %dma_start3A_41 = tpu.memref_slice %dma_start3A_38[%dma_start3A_39, %dma_start3A_40] : memref<80x128xi32, #tpu.memory_space<hbm>> -> memref<40x128xi32, #tpu.memory_space<hbm>>
      %dma_start3A_42 = arith.constant 0 : i32
      %dma_start3A_43 = arith.constant 0 : i32
      %dma_start3A_44 = tpu.memref_slice %arg3[%add3A, %dma_start3A_42, %dma_start3A_43] : memref<32x80x128xi32, #tpu.memory_space<hbm>> -> memref<1x80x128xi32, #tpu.memory_space<hbm>>
      %dma_start3A_45 = tpu.memref_squeeze %dma_start3A_44 : memref<1x80x128xi32, #tpu.memory_space<hbm>> -> memref<80x128xi32, #tpu.memory_space<hbm>>
      %dma_start3A_46 = arith.constant 40 : i32
      %dma_start3A_47 = arith.constant 0 : i32
      %dma_start3A_48 = tpu.memref_slice %dma_start3A_45[%dma_start3A_46, %dma_start3A_47] : memref<80x128xi32, #tpu.memory_space<hbm>> -> memref<40x128xi32, #tpu.memory_space<hbm>>
      tpu.enqueue_dma source(%dma_start3A_48 : memref<40x128xi32, #tpu.memory_space<hbm>>) target(%arg7 : memref<40x128xi32, #tpu.memory_space<vmem>>) target_semaphore(%run_scoped3A : memref<!tpu.dma_semaphore, #tpu.memory_space<semaphore_mem>>)
      %dma_wait3A_49 = arith.constant 0 : i32
      %dma_wait3A_50 = arith.constant 0 : i32
      %dma_wait3A_51 = tpu.memref_slice %arg3[%add3A, %dma_wait3A_49, %dma_wait3A_50] : memref<32x80x128xi32, #tpu.memory_space<hbm>> -> memref<1x80x128xi32, #tpu.memory_space<hbm>>
      %dma_wait3A_52 = tpu.memref_squeeze %dma_wait3A_51 : memref<1x80x128xi32, #tpu.memory_space<hbm>> -> memref<80x128xi32, #tpu.memory_space<hbm>>
      %dma_wait3A_53 = arith.constant 40 : i32
      %dma_wait3A_54 = arith.constant 0 : i32
      %dma_wait3A_55 = tpu.memref_slice %dma_wait3A_52[%dma_wait3A_53, %dma_wait3A_54] : memref<80x128xi32, #tpu.memory_space<hbm>> -> memref<40x128xi32, #tpu.memory_space<hbm>>
      %dma_wait3A_56 = arith.constant 0 : i32
      %dma_wait3A_57 = arith.constant 0 : i32
      %dma_wait3A_58 = tpu.memref_slice %arg3[%add3A, %dma_wait3A_56, %dma_wait3A_57] : memref<32x80x128xi32, #tpu.memory_space<hbm>> -> memref<1x80x128xi32, #tpu.memory_space<hbm>>
      %dma_wait3A_59 = tpu.memref_squeeze %dma_wait3A_58 : memref<1x80x128xi32, #tpu.memory_space<hbm>> -> memref<80x128xi32, #tpu.memory_space<hbm>>
      %dma_wait3A_60 = arith.constant 40 : i32
      %dma_wait3A_61 = arith.constant 0 : i32
      %dma_wait3A_62 = tpu.memref_slice %dma_wait3A_59[%dma_wait3A_60, %dma_wait3A_61] : memref<80x128xi32, #tpu.memory_space<hbm>> -> memref<40x128xi32, #tpu.memory_space<hbm>>
      tpu.wait_dma2 semaphore(%run_scoped3A : memref<!tpu.dma_semaphore, #tpu.memory_space<semaphore_mem>>) src(%dma_wait3A_62 : memref<40x128xi32, #tpu.memory_space<hbm>>) dst(%arg7 : memref<40x128xi32, #tpu.memory_space<vmem>>)
      tpu.yield
    }) : () -> ()
    "tpu.region"() ({
      %run_scoped3A = tpu.sem_alloc : memref<!tpu.dma_semaphore, #tpu.memory_space<semaphore_mem>>
      %dma_start3A_35 = arith.constant 0 : i32
      %dma_start3A_36 = arith.constant 0 : i32
      %dma_start3A_37 = tpu.memref_slice %arg4[%add3A, %dma_start3A_35, %dma_start3A_36] : memref<32x80x128xi32, #tpu.memory_space<hbm>> -> memref<1x80x128xi32, #tpu.memory_space<hbm>>
      %dma_start3A_38 = tpu.memref_squeeze %dma_start3A_37 : memref<1x80x128xi32, #tpu.memory_space<hbm>> -> memref<80x128xi32, #tpu.memory_space<hbm>>
      %dma_start3A_39 = arith.constant 40 : i32
      %dma_start3A_40 = arith.constant 0 : i32
      %dma_start3A_41 = tpu.memref_slice %dma_start3A_38[%dma_start3A_39, %dma_start3A_40] : memref<80x128xi32, #tpu.memory_space<hbm>> -> memref<40x128xi32, #tpu.memory_space<hbm>>
      %dma_start3A_42 = arith.constant 0 : i32
      %dma_start3A_43 = arith.constant 0 : i32
      %dma_start3A_44 = tpu.memref_slice %arg4[%add3A, %dma_start3A_42, %dma_start3A_43] : memref<32x80x128xi32, #tpu.memory_space<hbm>> -> memref<1x80x128xi32, #tpu.memory_space<hbm>>
      %dma_start3A_45 = tpu.memref_squeeze %dma_start3A_44 : memref<1x80x128xi32, #tpu.memory_space<hbm>> -> memref<80x128xi32, #tpu.memory_space<hbm>>
      %dma_start3A_46 = arith.constant 40 : i32
      %dma_start3A_47 = arith.constant 0 : i32
      %dma_start3A_48 = tpu.memref_slice %dma_start3A_45[%dma_start3A_46, %dma_start3A_47] : memref<80x128xi32, #tpu.memory_space<hbm>> -> memref<40x128xi32, #tpu.memory_space<hbm>>
      tpu.enqueue_dma source(%dma_start3A_48 : memref<40x128xi32, #tpu.memory_space<hbm>>) target(%arg8 : memref<40x128xi32, #tpu.memory_space<vmem>>) target_semaphore(%run_scoped3A : memref<!tpu.dma_semaphore, #tpu.memory_space<semaphore_mem>>)
      %dma_wait3A_49 = arith.constant 0 : i32
      %dma_wait3A_50 = arith.constant 0 : i32
      %dma_wait3A_51 = tpu.memref_slice %arg4[%add3A, %dma_wait3A_49, %dma_wait3A_50] : memref<32x80x128xi32, #tpu.memory_space<hbm>> -> memref<1x80x128xi32, #tpu.memory_space<hbm>>
      %dma_wait3A_52 = tpu.memref_squeeze %dma_wait3A_51 : memref<1x80x128xi32, #tpu.memory_space<hbm>> -> memref<80x128xi32, #tpu.memory_space<hbm>>
      %dma_wait3A_53 = arith.constant 40 : i32
      %dma_wait3A_54 = arith.constant 0 : i32
      %dma_wait3A_55 = tpu.memref_slice %dma_wait3A_52[%dma_wait3A_53, %dma_wait3A_54] : memref<80x128xi32, #tpu.memory_space<hbm>> -> memref<40x128xi32, #tpu.memory_space<hbm>>
      %dma_wait3A_56 = arith.constant 0 : i32
      %dma_wait3A_57 = arith.constant 0 : i32
      %dma_wait3A_58 = tpu.memref_slice %arg4[%add3A, %dma_wait3A_56, %dma_wait3A_57] : memref<32x80x128xi32, #tpu.memory_space<hbm>> -> memref<1x80x128xi32, #tpu.memory_space<hbm>>
      %dma_wait3A_59 = tpu.memref_squeeze %dma_wait3A_58 : memref<1x80x128xi32, #tpu.memory_space<hbm>> -> memref<80x128xi32, #tpu.memory_space<hbm>>
      %dma_wait3A_60 = arith.constant 40 : i32
      %dma_wait3A_61 = arith.constant 0 : i32
      %dma_wait3A_62 = tpu.memref_slice %dma_wait3A_59[%dma_wait3A_60, %dma_wait3A_61] : memref<80x128xi32, #tpu.memory_space<hbm>> -> memref<40x128xi32, #tpu.memory_space<hbm>>
      tpu.wait_dma2 semaphore(%run_scoped3A : memref<!tpu.dma_semaphore, #tpu.memory_space<semaphore_mem>>) src(%dma_wait3A_62 : memref<40x128xi32, #tpu.memory_space<hbm>>) dst(%arg8 : memref<40x128xi32, #tpu.memory_space<vmem>>)
      tpu.yield
    }) : () -> ()
    %dma_start3A_21 = arith.constant 0 : i32
    %dma_start3A_22 = arith.constant 0 : i32
    %dma_start3A_23 = tpu.memref_slice %arg7[%dma_start3A_21, %dma_start3A_22] : memref<40x128xi32, #tpu.memory_space<vmem>> -> memref<1x128xi32, #tpu.memory_space<vmem>>
    %dma_start3A_24 = tpu.memref_squeeze %dma_start3A_23 : memref<1x128xi32, #tpu.memory_space<vmem>> -> memref<128xi32, #tpu.memory_space<vmem>>
    %dma_start3A_25 = arith.constant 0 : i32
    %dma_start3A_26 = arith.constant 0 : i32
    %dma_start3A_27 = tpu.memref_slice %arg2[%dma_start3A_25, %dma_start3A_26] : memref<10000x128xf32, #tpu.memory_space<hbm>> -> memref<10000x128xf32, #tpu.memory_space<hbm>>
    tpu.enqueue_indirect_dma source(%dma_start3A_27 : memref<10000x128xf32, #tpu.memory_space<hbm>>) target(%arg9 : memref<128x128xf32, #tpu.memory_space<vmem>>) offsets(%dma_start3A_24 : memref<128xi32, #tpu.memory_space<vmem>>) semaphore(%arg12 : memref<!tpu.dma_semaphore, #tpu.memory_space<semaphore_mem>>)
    %scan3A_28 = arith.constant 0 : i32
    %scan3A_29 = arith.constant 0 : i32
    %scan3A_30 = arith.constant 20 : i32
    %scan3A_31 = arith.addi %scan3A_29, %scan3A_30 : i32
    %scan3A_32 = arith.constant 1 : i32
    scf.for %scan3A_35 = %scan3A_29 to %scan3A_31 step %scan3A_32  : i32 {
      %mul3A_36 = arith.constant 2 : i32
      %mul3A_37 = arith.muli %mul3A_36, %scan3A_35 : i32
      %add3A_38 = arith.constant 1 : i32
      %add3A_39 = arith.addi %mul3A_37, %add3A_38 : i32
      %dma_start3A_40 = arith.constant 0 : i32
      %dma_start3A_41 = tpu.memref_slice %arg7[%add3A_39, %dma_start3A_40] : memref<40x128xi32, #tpu.memory_space<vmem>> -> memref<1x128xi32, #tpu.memory_space<vmem>>
      %dma_start3A_42 = tpu.memref_squeeze %dma_start3A_41 : memref<1x128xi32, #tpu.memory_space<vmem>> -> memref<128xi32, #tpu.memory_space<vmem>>
      %dma_start3A_43 = arith.constant 0 : i32
      %dma_start3A_44 = arith.constant 0 : i32
      %dma_start3A_45 = tpu.memref_slice %arg2[%dma_start3A_43, %dma_start3A_44] : memref<10000x128xf32, #tpu.memory_space<hbm>> -> memref<10000x128xf32, #tpu.memory_space<hbm>>
      tpu.enqueue_indirect_dma source(%dma_start3A_45 : memref<10000x128xf32, #tpu.memory_space<hbm>>) target(%arg10 : memref<128x128xf32, #tpu.memory_space<vmem>>) offsets(%dma_start3A_42 : memref<128xi32, #tpu.memory_space<vmem>>) semaphore(%arg13 : memref<!tpu.dma_semaphore, #tpu.memory_space<semaphore_mem>>)
      %dma_wait3A_46 = arith.constant 0 : i32
      %dma_wait3A_47 = tpu.memref_slice %arg7[%mul3A_37, %dma_wait3A_46] : memref<40x128xi32, #tpu.memory_space<vmem>> -> memref<1x128xi32, #tpu.memory_space<vmem>>
      %dma_wait3A_48 = tpu.memref_squeeze %dma_wait3A_47 : memref<1x128xi32, #tpu.memory_space<vmem>> -> memref<128xi32, #tpu.memory_space<vmem>>
      %dma_wait3A_49 = arith.constant 0 : i32
      %dma_wait3A_50 = arith.constant 0 : i32
      %dma_wait3A_51 = tpu.memref_slice %arg2[%dma_wait3A_49, %dma_wait3A_50] : memref<10000x128xf32, #tpu.memory_space<hbm>> -> memref<10000x128xf32, #tpu.memory_space<hbm>>
      tpu.wait_indirect_dma semaphore(%arg12 : memref<!tpu.dma_semaphore, #tpu.memory_space<semaphore_mem>>) src(%dma_wait3A_51 : memref<10000x128xf32, #tpu.memory_space<hbm>>) dst(%arg9 : memref<128x128xf32, #tpu.memory_space<vmem>>)
      "tpu.region"() ({
        %run_scoped3A = tpu.sem_alloc : memref<!tpu.dma_semaphore, #tpu.memory_space<semaphore_mem>>
        %dma_start3A_66 = arith.constant 0 : i32
        %dma_start3A_67 = tpu.memref_slice %arg8[%mul3A_37, %dma_start3A_66] : memref<40x128xi32, #tpu.memory_space<vmem>> -> memref<1x128xi32, #tpu.memory_space<vmem>>
        %dma_start3A_68 = tpu.memref_squeeze %dma_start3A_67 : memref<1x128xi32, #tpu.memory_space<vmem>> -> memref<128xi32, #tpu.memory_space<vmem>>
        %dma_start3A_69 = arith.constant 0 : i32
        %dma_start3A_70 = arith.constant 0 : i32
        %dma_start3A_71 = tpu.memref_slice %arg11[%dma_start3A_69, %dma_start3A_70] : memref<10240x128xf32, #tpu.memory_space<vmem_shared>> -> memref<10240x128xf32, #tpu.memory_space<vmem_shared>>
        tpu.enqueue_indirect_dma source(%arg9 : memref<128x128xf32, #tpu.memory_space<vmem>>) target(%dma_start3A_71 : memref<10240x128xf32, #tpu.memory_space<vmem_shared>>) offsets(%dma_start3A_68 : memref<128xi32, #tpu.memory_space<vmem>>) semaphore(%run_scoped3A : memref<!tpu.dma_semaphore, #tpu.memory_space<semaphore_mem>>) {add = true}
        %dma_wait3A_72 = arith.constant 0 : i32
        %dma_wait3A_73 = tpu.memref_slice %arg8[%mul3A_37, %dma_wait3A_72] : memref<40x128xi32, #tpu.memory_space<vmem>> -> memref<1x128xi32, #tpu.memory_space<vmem>>
        %dma_wait3A_74 = tpu.memref_squeeze %dma_wait3A_73 : memref<1x128xi32, #tpu.memory_space<vmem>> -> memref<128xi32, #tpu.memory_space<vmem>>
        %dma_wait3A_75 = arith.constant 0 : i32
        %dma_wait3A_76 = arith.constant 0 : i32
        %dma_wait3A_77 = tpu.memref_slice %arg11[%dma_wait3A_75, %dma_wait3A_76] : memref<10240x128xf32, #tpu.memory_space<vmem_shared>> -> memref<10240x128xf32, #tpu.memory_space<vmem_shared>>
        tpu.wait_indirect_dma semaphore(%run_scoped3A : memref<!tpu.dma_semaphore, #tpu.memory_space<semaphore_mem>>) src(%arg9 : memref<128x128xf32, #tpu.memory_space<vmem>>) dst(%dma_wait3A_77 : memref<10240x128xf32, #tpu.memory_space<vmem_shared>>)
        tpu.yield
      }) : () -> ()
      %add3A_52 = arith.constant 1 : i32
      %add3A_53 = arith.addi %scan3A_35, %add3A_52 : i32
      %lt3A = arith.constant 20 : i32
      %lt3A_54 = arith.cmpi slt, %add3A_53, %lt3A : i32
      %convert_element_type3A = arith.extui %lt3A_54 : i1 to i32
      %cond3A = arith.constant 0 : i32
      %cond3A_55 = arith.cmpi ne, %convert_element_type3A, %cond3A : i32
      scf.if %cond3A_55 {
        %add3A_66 = arith.constant 2 : i32
        %add3A_67 = arith.addi %mul3A_37, %add3A_66 : i32
        %dma_start3A_68 = arith.constant 0 : i32
        %dma_start3A_69 = tpu.memref_slice %arg7[%add3A_67, %dma_start3A_68] : memref<40x128xi32, #tpu.memory_space<vmem>> -> memref<1x128xi32, #tpu.memory_space<vmem>>
        %dma_start3A_70 = tpu.memref_squeeze %dma_start3A_69 : memref<1x128xi32, #tpu.memory_space<vmem>> -> memref<128xi32, #tpu.memory_space<vmem>>
        %dma_start3A_71 = arith.constant 0 : i32
        %dma_start3A_72 = arith.constant 0 : i32
        %dma_start3A_73 = tpu.memref_slice %arg2[%dma_start3A_71, %dma_start3A_72] : memref<10000x128xf32, #tpu.memory_space<hbm>> -> memref<10000x128xf32, #tpu.memory_space<hbm>>
        tpu.enqueue_indirect_dma source(%dma_start3A_73 : memref<10000x128xf32, #tpu.memory_space<hbm>>) target(%arg9 : memref<128x128xf32, #tpu.memory_space<vmem>>) offsets(%dma_start3A_70 : memref<128xi32, #tpu.memory_space<vmem>>) semaphore(%arg12 : memref<!tpu.dma_semaphore, #tpu.memory_space<semaphore_mem>>)
      } else {
      }
      %add3A_56 = arith.constant 1 : i32
      %add3A_57 = arith.addi %mul3A_37, %add3A_56 : i32
      %dma_wait3A_58 = arith.constant 0 : i32
      %dma_wait3A_59 = tpu.memref_slice %arg7[%add3A_57, %dma_wait3A_58] : memref<40x128xi32, #tpu.memory_space<vmem>> -> memref<1x128xi32, #tpu.memory_space<vmem>>
      %dma_wait3A_60 = tpu.memref_squeeze %dma_wait3A_59 : memref<1x128xi32, #tpu.memory_space<vmem>> -> memref<128xi32, #tpu.memory_space<vmem>>
      %dma_wait3A_61 = arith.constant 0 : i32
      %dma_wait3A_62 = arith.constant 0 : i32
      %dma_wait3A_63 = tpu.memref_slice %arg2[%dma_wait3A_61, %dma_wait3A_62] : memref<10000x128xf32, #tpu.memory_space<hbm>> -> memref<10000x128xf32, #tpu.memory_space<hbm>>
      tpu.wait_indirect_dma semaphore(%arg13 : memref<!tpu.dma_semaphore, #tpu.memory_space<semaphore_mem>>) src(%dma_wait3A_63 : memref<10000x128xf32, #tpu.memory_space<hbm>>) dst(%arg10 : memref<128x128xf32, #tpu.memory_space<vmem>>)
      %add3A_64 = arith.constant 1 : i32
      %add3A_65 = arith.addi %mul3A_37, %add3A_64 : i32
      "tpu.region"() ({
        %run_scoped3A = tpu.sem_alloc : memref<!tpu.dma_semaphore, #tpu.memory_space<semaphore_mem>>
        %dma_start3A_66 = arith.constant 0 : i32
        %dma_start3A_67 = tpu.memref_slice %arg8[%add3A_65, %dma_start3A_66] : memref<40x128xi32, #tpu.memory_space<vmem>> -> memref<1x128xi32, #tpu.memory_space<vmem>>
        %dma_start3A_68 = tpu.memref_squeeze %dma_start3A_67 : memref<1x128xi32, #tpu.memory_space<vmem>> -> memref<128xi32, #tpu.memory_space<vmem>>
        %dma_start3A_69 = arith.constant 0 : i32
        %dma_start3A_70 = arith.constant 0 : i32
        %dma_start3A_71 = tpu.memref_slice %arg11[%dma_start3A_69, %dma_start3A_70] : memref<10240x128xf32, #tpu.memory_space<vmem_shared>> -> memref<10240x128xf32, #tpu.memory_space<vmem_shared>>
        tpu.enqueue_indirect_dma source(%arg10 : memref<128x128xf32, #tpu.memory_space<vmem>>) target(%dma_start3A_71 : memref<10240x128xf32, #tpu.memory_space<vmem_shared>>) offsets(%dma_start3A_68 : memref<128xi32, #tpu.memory_space<vmem>>) semaphore(%run_scoped3A : memref<!tpu.dma_semaphore, #tpu.memory_space<semaphore_mem>>) {add = true}
        %dma_wait3A_72 = arith.constant 0 : i32
        %dma_wait3A_73 = tpu.memref_slice %arg8[%add3A_65, %dma_wait3A_72] : memref<40x128xi32, #tpu.memory_space<vmem>> -> memref<1x128xi32, #tpu.memory_space<vmem>>
        %dma_wait3A_74 = tpu.memref_squeeze %dma_wait3A_73 : memref<1x128xi32, #tpu.memory_space<vmem>> -> memref<128xi32, #tpu.memory_space<vmem>>
        %dma_wait3A_75 = arith.constant 0 : i32
        %dma_wait3A_76 = arith.constant 0 : i32
        %dma_wait3A_77 = tpu.memref_slice %arg11[%dma_wait3A_75, %dma_wait3A_76] : memref<10240x128xf32, #tpu.memory_space<vmem_shared>> -> memref<10240x128xf32, #tpu.memory_space<vmem_shared>>
        tpu.wait_indirect_dma semaphore(%run_scoped3A : memref<!tpu.dma_semaphore, #tpu.memory_space<semaphore_mem>>) src(%arg10 : memref<128x128xf32, #tpu.memory_space<vmem>>) dst(%dma_wait3A_77 : memref<10240x128xf32, #tpu.memory_space<vmem_shared>>)
        tpu.yield
      }) : () -> ()
    }
    %scan3A_33 = arith.constant 20 : i32
    %barrier3A_34 = arith.constant 0 : index
    tpu.barrier barrier_id(%barrier3A_34)
    "tpu.region"() ({
      %run_scoped3A = tpu.sem_alloc : memref<!tpu.dma_semaphore, #tpu.memory_space<semaphore_mem>>
      %dma_start3A_35 = arith.constant 0 : i32
      %dma_start3A_36 = arith.constant 0 : i32
      %dma_start3A_37 = tpu.memref_slice %arg6[%arg0, %dma_start3A_35, %dma_start3A_36] : memref<2x10240x128xf32, #tpu.memory_space<hbm>> -> memref<1x10240x128xf32, #tpu.memory_space<hbm>>
      %dma_start3A_38 = tpu.memref_squeeze %dma_start3A_37 : memref<1x10240x128xf32, #tpu.memory_space<hbm>> -> memref<10240x128xf32, #tpu.memory_space<hbm>>
      %dma_start3A_39 = arith.constant 0 : i32
      %dma_start3A_40 = tpu.memref_slice %dma_start3A_38[%mul3A_2, %dma_start3A_39] : memref<10240x128xf32, #tpu.memory_space<hbm>> -> memref<640x128xf32, #tpu.memory_space<hbm>>
      %dma_start3A_41 = arith.constant 0 : i32
      %dma_start3A_42 = tpu.memref_slice %arg11[%mul3A_2, %dma_start3A_41] : memref<10240x128xf32, #tpu.memory_space<vmem_shared>> -> memref<640x128xf32, #tpu.memory_space<vmem_shared>>
      tpu.enqueue_dma source(%dma_start3A_42 : memref<640x128xf32, #tpu.memory_space<vmem_shared>>) target(%dma_start3A_40 : memref<640x128xf32, #tpu.memory_space<hbm>>) target_semaphore(%run_scoped3A : memref<!tpu.dma_semaphore, #tpu.memory_space<semaphore_mem>>)
      %dma_wait3A_43 = arith.constant 0 : i32
      %dma_wait3A_44 = arith.constant 0 : i32
      %dma_wait3A_45 = tpu.memref_slice %arg6[%arg0, %dma_wait3A_43, %dma_wait3A_44] : memref<2x10240x128xf32, #tpu.memory_space<hbm>> -> memref<1x10240x128xf32, #tpu.memory_space<hbm>>
      %dma_wait3A_46 = tpu.memref_squeeze %dma_wait3A_45 : memref<1x10240x128xf32, #tpu.memory_space<hbm>> -> memref<10240x128xf32, #tpu.memory_space<hbm>>
      %dma_wait3A_47 = arith.constant 0 : i32
      %dma_wait3A_48 = tpu.memref_slice %dma_wait3A_46[%mul3A_2, %dma_wait3A_47] : memref<10240x128xf32, #tpu.memory_space<hbm>> -> memref<640x128xf32, #tpu.memory_space<hbm>>
      %dma_wait3A_49 = arith.constant 0 : i32
      %dma_wait3A_50 = tpu.memref_slice %arg11[%mul3A_2, %dma_wait3A_49] : memref<10240x128xf32, #tpu.memory_space<vmem_shared>> -> memref<640x128xf32, #tpu.memory_space<vmem_shared>>
      tpu.wait_dma2 semaphore(%run_scoped3A : memref<!tpu.dma_semaphore, #tpu.memory_space<semaphore_mem>>) src(%dma_wait3A_50 : memref<640x128xf32, #tpu.memory_space<vmem_shared>>) dst(%dma_wait3A_48 : memref<640x128xf32, #tpu.memory_space<hbm>>)
      tpu.yield
    }) : () -> ()
    return
  }
}

module attributes {stable_mosaic.version = 14 : i64} {
  func.func @_tc_first_body(%arg0: i32, %arg1: memref<2000x128xf32, #tpu.memory_space<vmem>>, %arg2: memref<128x128xf32, #tpu.memory_space<vmem>>, %arg3: memref<1x2000x1xf32, #tpu.memory_space<vmem>>, %arg4: memref<1x2000x1xf32, #tpu.memory_space<vmem>>, %arg5: memref<2000x1xf32, #tpu.memory_space<vmem>>, %arg6: memref<2000x128xf32, #tpu.memory_space<vmem>>) attributes {dimension_semantics = [#tpu.dimension_semantics<arbitrary>], iteration_bounds = array<i64: 5>, scalar_prefetch = 0 : i64, scratch_operands = 0 : i64, tpu.core_type = #tpu.core_type<tc>, window_params = [{transform_indices = @transform_0, window_bounds = array<i64: 2000, 128>}, {pipeline_mode = #tpu.pipeline_mode<synchronous>, transform_indices = @transform_1, window_bounds = array<i64: 128, 128>}, {transform_indices = @transform_2, window_bounds = array<i64: 1, 2000, 1>}, {transform_indices = @transform_3, window_bounds = array<i64: 1, 2000, 1>}, {transform_indices = @transform_4, window_bounds = array<i64: 2000, 1>}, {transform_indices = @transform_5, window_bounds = array<i64: 2000, 128>}]} {
    %get3A = arith.constant 0 : index
    %get3A_0 = arith.constant 0 : index
    %get3A_1 = arith.constant 0 : index
    %get3A_2 = vector.load %arg3[%get3A, %get3A_0, %get3A_1] : memref<1x2000x1xf32, #tpu.memory_space<vmem>>, vector<1x2000x1xf32>
    %get3A_3 = vector.shape_cast %get3A_2 : vector<1x2000x1xf32> to vector<2000x1xf32>
    %get3A_4 = arith.constant 0 : index
    %get3A_5 = arith.constant 0 : index
    %get3A_6 = arith.constant 0 : index
    %get3A_7 = vector.load %arg4[%get3A_4, %get3A_5, %get3A_6] : memref<1x2000x1xf32, #tpu.memory_space<vmem>>, vector<1x2000x1xf32>
    %get3A_8 = vector.shape_cast %get3A_7 : vector<1x2000x1xf32> to vector<2000x1xf32>
    %add3A = arith.addf %get3A_3, %get3A_8 : vector<2000x1xf32>
    %add3A_9 = arith.constant 1.000000e+00 : f32
    %add3A_10 = vector.broadcast %add3A_9 : f32 to vector<2000x1xf32>
    %add3A_11 = arith.addf %add3A, %add3A_10 : vector<2000x1xf32>
    %rsqrt3A = math.rsqrt %add3A_11 : vector<2000x1xf32>
    %swap3A = arith.constant 0 : index
    %swap3A_12 = arith.constant 0 : index
    %swap3A_13 = vector.load %arg5[%swap3A, %swap3A_12] : memref<2000x1xf32, #tpu.memory_space<vmem>>, vector<2000x1xf32>
    tpu.vector_store %arg5[%swap3A, %swap3A_12], %rsqrt3A {strides = array<i32>} : memref<2000x1xf32, #tpu.memory_space<vmem>>, vector<2000x1xf32>,
    %get3A_14 = arith.constant 0 : index
    %get3A_15 = arith.constant 0 : index
    %get3A_16 = vector.load %arg1[%get3A_14, %get3A_15] : memref<2000x128xf32, #tpu.memory_space<vmem>>, vector<2000x128xf32>
    %get3A_17 = arith.constant 0 : index
    %get3A_18 = arith.constant 0 : index
    %get3A_19 = vector.load %arg2[%get3A_17, %get3A_18] : memref<128x128xf32, #tpu.memory_space<vmem>>, vector<128x128xf32>
    %dot_general3A = arith.constant dense<0.000000e+00> : vector<2000x128xf32>
    %dot_general3A_20 = tpu.matmul %get3A_16, %get3A_19, %dot_general3A {dimension_numbers = #tpu.dot_dimension_numbers<[1], [0], [0], [1], [0, 0, 1, 1], [], []>, transpose_lhs_hint = false} : vector<2000x128xf32>, vector<128x128xf32>, vector<2000x128xf32> -> vector<2000x128xf32>
    %mul3A = vector.broadcast %rsqrt3A : vector<2000x1xf32> to vector<2000x128xf32>
    %mul3A_21 = arith.mulf %dot_general3A_20, %mul3A : vector<2000x128xf32>
    %swap3A_22 = arith.constant 0 : index
    %swap3A_23 = arith.constant 0 : index
    %swap3A_24 = vector.load %arg6[%swap3A_22, %swap3A_23] : memref<2000x128xf32, #tpu.memory_space<vmem>>, vector<2000x128xf32>
    tpu.vector_store %arg6[%swap3A_22, %swap3A_23], %mul3A_21 {strides = array<i32>} : memref<2000x128xf32, #tpu.memory_space<vmem>>, vector<2000x128xf32>,
    return
  }
  func.func @transform_0(%arg0: i32) -> (i32, i32) {
    %c0_i32 = arith.constant 0 : i32
    %c0_i32_0 = arith.constant 0 : i32
    return %arg0, %c0_i32 : i32, i32
  }
  func.func @transform_1(%arg0: i32) -> (i32, i32) {
    %c0_i32 = arith.constant 0 : i32
    %c0_i32_0 = arith.constant 0 : i32
    %c0_i32_1 = arith.constant 0 : i32
    return %c0_i32, %c0_i32_0 : i32, i32
  }
  func.func @transform_2(%arg0: i32) -> (i32, i32, i32) {
    %c0_i32 = arith.constant 0 : i32
    %c0_i32_0 = arith.constant 0 : i32
    %c0_i32_1 = arith.constant 0 : i32
    return %c0_i32, %arg0, %c0_i32_0 : i32, i32, i32
  }
  func.func @transform_3(%arg0: i32) -> (i32, i32, i32) {
    %c1_i32 = arith.constant 1 : i32
    %c0_i32 = arith.constant 0 : i32
    %c0_i32_0 = arith.constant 0 : i32
    return %c1_i32, %arg0, %c0_i32 : i32, i32, i32
  }
  func.func @transform_4(%arg0: i32) -> (i32, i32) {
    %c0_i32 = arith.constant 0 : i32
    %c0_i32_0 = arith.constant 0 : i32
    return %arg0, %c0_i32 : i32, i32
  }
  func.func @transform_5(%arg0: i32) -> (i32, i32) {
    %c0_i32 = arith.constant 0 : i32
    %c0_i32_0 = arith.constant 0 : i32
    return %arg0, %c0_i32 : i32, i32
  }
}

module attributes {stable_mosaic.version = 14 : i64} {
  func.func @_tc_mid_body(%arg0: i32, %arg1: memref<1x2000x128xf32, #tpu.memory_space<vmem>>, %arg2: memref<1x2000x128xf32, #tpu.memory_space<vmem>>, %arg3: memref<2000x128xf32, #tpu.memory_space<vmem>>, %arg4: memref<2000x1xf32, #tpu.memory_space<vmem>>, %arg5: memref<1x128xf32, #tpu.memory_space<vmem>>, %arg6: memref<128x128xf32, #tpu.memory_space<vmem>>, %arg7: memref<2000x128xf32, #tpu.memory_space<vmem>>, %arg8: memref<2000x128xf32, #tpu.memory_space<vmem>>) attributes {dimension_semantics = [#tpu.dimension_semantics<arbitrary>], iteration_bounds = array<i64: 5>, scalar_prefetch = 0 : i64, scratch_operands = 0 : i64, tpu.core_type = #tpu.core_type<tc>, window_params = [{transform_indices = @transform_0, window_bounds = array<i64: 1, 2000, 128>}, {transform_indices = @transform_1, window_bounds = array<i64: 1, 2000, 128>}, {transform_indices = @transform_2, window_bounds = array<i64: 2000, 128>}, {transform_indices = @transform_3, window_bounds = array<i64: 2000, 1>}, {pipeline_mode = #tpu.pipeline_mode<synchronous>, transform_indices = @transform_4, window_bounds = array<i64: 1, 128>}, {pipeline_mode = #tpu.pipeline_mode<synchronous>, transform_indices = @transform_5, window_bounds = array<i64: 128, 128>}, {transform_indices = @transform_6, window_bounds = array<i64: 2000, 128>}, {transform_indices = @transform_7, window_bounds = array<i64: 2000, 128>}]} {
    %get3A = arith.constant 0 : index
    %get3A_0 = arith.constant 0 : index
    %get3A_1 = vector.load %arg4[%get3A, %get3A_0] : memref<2000x1xf32, #tpu.memory_space<vmem>>, vector<2000x1xf32>
    %get3A_2 = arith.constant 0 : index
    %get3A_3 = arith.constant 0 : index
    %get3A_4 = arith.constant 0 : index
    %get3A_5 = vector.load %arg1[%get3A_2, %get3A_3, %get3A_4] : memref<1x2000x128xf32, #tpu.memory_space<vmem>>, vector<1x2000x128xf32>
    %get3A_6 = vector.shape_cast %get3A_5 : vector<1x2000x128xf32> to vector<2000x128xf32>
    %get3A_7 = arith.constant 0 : index
    %get3A_8 = arith.constant 0 : index
    %get3A_9 = arith.constant 0 : index
    %get3A_10 = vector.load %arg2[%get3A_7, %get3A_8, %get3A_9] : memref<1x2000x128xf32, #tpu.memory_space<vmem>>, vector<1x2000x128xf32>
    %get3A_11 = vector.shape_cast %get3A_10 : vector<1x2000x128xf32> to vector<2000x128xf32>
    %add3A = arith.addf %get3A_6, %get3A_11 : vector<2000x128xf32>
    %get3A_12 = arith.constant 0 : index
    %get3A_13 = arith.constant 0 : index
    %get3A_14 = vector.load %arg3[%get3A_12, %get3A_13] : memref<2000x128xf32, #tpu.memory_space<vmem>>, vector<2000x128xf32>
    %add3A_15 = arith.addf %add3A, %get3A_14 : vector<2000x128xf32>
    %mul3A = vector.broadcast %get3A_1 : vector<2000x1xf32> to vector<2000x128xf32>
    %mul3A_16 = arith.mulf %mul3A, %add3A_15 : vector<2000x128xf32>
    %get3A_17 = arith.constant 0 : index
    %get3A_18 = arith.constant 0 : index
    %get3A_19 = vector.load %arg5[%get3A_17, %get3A_18] : memref<1x128xf32, #tpu.memory_space<vmem>>, vector<1x128xf32>
    %add3A_20 = vector.broadcast %get3A_19 : vector<1x128xf32> to vector<2000x128xf32>
    %add3A_21 = arith.addf %mul3A_16, %add3A_20 : vector<2000x128xf32>
    %max3A = arith.constant 0.000000e+00 : f32
    %max3A_22 = vector.broadcast %max3A : f32 to vector<2000x128xf32>
    %max3A_23 = arith.maximumf %add3A_21, %max3A_22 : vector<2000x128xf32>
    %swap3A = arith.constant 0 : index
    %swap3A_24 = arith.constant 0 : index
    %swap3A_25 = vector.load %arg7[%swap3A, %swap3A_24] : memref<2000x128xf32, #tpu.memory_space<vmem>>, vector<2000x128xf32>
    tpu.vector_store %arg7[%swap3A, %swap3A_24], %max3A_23 {strides = array<i32>} : memref<2000x128xf32, #tpu.memory_space<vmem>>, vector<2000x128xf32>,
    %get3A_26 = arith.constant 0 : index
    %get3A_27 = arith.constant 0 : index
    %get3A_28 = vector.load %arg6[%get3A_26, %get3A_27] : memref<128x128xf32, #tpu.memory_space<vmem>>, vector<128x128xf32>
    %dot_general3A = arith.constant dense<0.000000e+00> : vector<2000x128xf32>
    %dot_general3A_29 = tpu.matmul %max3A_23, %get3A_28, %dot_general3A {dimension_numbers = #tpu.dot_dimension_numbers<[1], [0], [0], [1], [0, 0, 1, 1], [], []>, transpose_lhs_hint = false} : vector<2000x128xf32>, vector<128x128xf32>, vector<2000x128xf32> -> vector<2000x128xf32>
    %mul3A_30 = vector.broadcast %get3A_1 : vector<2000x1xf32> to vector<2000x128xf32>
    %mul3A_31 = arith.mulf %dot_general3A_29, %mul3A_30 : vector<2000x128xf32>
    %swap3A_32 = arith.constant 0 : index
    %swap3A_33 = arith.constant 0 : index
    %swap3A_34 = vector.load %arg8[%swap3A_32, %swap3A_33] : memref<2000x128xf32, #tpu.memory_space<vmem>>, vector<2000x128xf32>
    tpu.vector_store %arg8[%swap3A_32, %swap3A_33], %mul3A_31 {strides = array<i32>} : memref<2000x128xf32, #tpu.memory_space<vmem>>, vector<2000x128xf32>,
    return
  }
  func.func @transform_0(%arg0: i32) -> (i32, i32, i32) {
    %c0_i32 = arith.constant 0 : i32
    %c0_i32_0 = arith.constant 0 : i32
    %c0_i32_1 = arith.constant 0 : i32
    return %c0_i32, %arg0, %c0_i32_0 : i32, i32, i32
  }
  func.func @transform_1(%arg0: i32) -> (i32, i32, i32) {
    %c1_i32 = arith.constant 1 : i32
    %c0_i32 = arith.constant 0 : i32
    %c0_i32_0 = arith.constant 0 : i32
    return %c1_i32, %arg0, %c0_i32 : i32, i32, i32
  }
  func.func @transform_2(%arg0: i32) -> (i32, i32) {
    %c0_i32 = arith.constant 0 : i32
    %c0_i32_0 = arith.constant 0 : i32
    return %arg0, %c0_i32 : i32, i32
  }
  func.func @transform_3(%arg0: i32) -> (i32, i32) {
    %c0_i32 = arith.constant 0 : i32
    %c0_i32_0 = arith.constant 0 : i32
    return %arg0, %c0_i32 : i32, i32
  }
  func.func @transform_4(%arg0: i32) -> (i32, i32) {
    %c0_i32 = arith.constant 0 : i32
    %c0_i32_0 = arith.constant 0 : i32
    %c0_i32_1 = arith.constant 0 : i32
    return %c0_i32, %c0_i32_0 : i32, i32
  }
  func.func @transform_5(%arg0: i32) -> (i32, i32) {
    %c0_i32 = arith.constant 0 : i32
    %c0_i32_0 = arith.constant 0 : i32
    %c0_i32_1 = arith.constant 0 : i32
    return %c0_i32, %c0_i32_0 : i32, i32
  }
  func.func @transform_6(%arg0: i32) -> (i32, i32) {
    %c0_i32 = arith.constant 0 : i32
    %c0_i32_0 = arith.constant 0 : i32
    return %arg0, %c0_i32 : i32, i32
  }
  func.func @transform_7(%arg0: i32) -> (i32, i32) {
    %c0_i32 = arith.constant 0 : i32
    %c0_i32_0 = arith.constant 0 : i32
    return %arg0, %c0_i32 : i32, i32
  }
}

module attributes {stable_mosaic.version = 14 : i64} {
  func.func @_tc_last_body(%arg0: i32, %arg1: memref<1x2000x128xf32, #tpu.memory_space<vmem>>, %arg2: memref<1x2000x128xf32, #tpu.memory_space<vmem>>, %arg3: memref<2000x128xf32, #tpu.memory_space<vmem>>, %arg4: memref<2000x1xf32, #tpu.memory_space<vmem>>, %arg5: memref<1x128xf32, #tpu.memory_space<vmem>>, %arg6: memref<2000x128xf32, #tpu.memory_space<vmem>>, %arg7: memref<2000x128xf32, #tpu.memory_space<vmem>>, %arg8: memref<1x3xf32, #tpu.memory_space<vmem>>, %arg9: memref<2000x128xf32, #tpu.memory_space<vmem>>) attributes {dimension_semantics = [#tpu.dimension_semantics<arbitrary>], iteration_bounds = array<i64: 5>, scalar_prefetch = 0 : i64, scratch_operands = 0 : i64, tpu.core_type = #tpu.core_type<tc>, window_params = [{transform_indices = @transform_0, window_bounds = array<i64: 1, 2000, 128>}, {transform_indices = @transform_1, window_bounds = array<i64: 1, 2000, 128>}, {transform_indices = @transform_2, window_bounds = array<i64: 2000, 128>}, {transform_indices = @transform_3, window_bounds = array<i64: 2000, 1>}, {pipeline_mode = #tpu.pipeline_mode<synchronous>, transform_indices = @transform_4, window_bounds = array<i64: 1, 128>}, {transform_indices = @transform_5, window_bounds = array<i64: 2000, 128>}, {transform_indices = @transform_6, window_bounds = array<i64: 2000, 128>}, {pipeline_mode = #tpu.pipeline_mode<synchronous>, transform_indices = @transform_7, window_bounds = array<i64: 1, 3>}, {transform_indices = @transform_8, window_bounds = array<i64: 2000, 128>}]} {
    %get3A = arith.constant 0 : index
    %get3A_0 = arith.constant 0 : index
    %get3A_1 = vector.load %arg4[%get3A, %get3A_0] : memref<2000x1xf32, #tpu.memory_space<vmem>>, vector<2000x1xf32>
    %get3A_2 = arith.constant 0 : index
    %get3A_3 = arith.constant 0 : index
    %get3A_4 = arith.constant 0 : index
    %get3A_5 = vector.load %arg1[%get3A_2, %get3A_3, %get3A_4] : memref<1x2000x128xf32, #tpu.memory_space<vmem>>, vector<1x2000x128xf32>
    %get3A_6 = vector.shape_cast %get3A_5 : vector<1x2000x128xf32> to vector<2000x128xf32>
    %get3A_7 = arith.constant 0 : index
    %get3A_8 = arith.constant 0 : index
    %get3A_9 = arith.constant 0 : index
    %get3A_10 = vector.load %arg2[%get3A_7, %get3A_8, %get3A_9] : memref<1x2000x128xf32, #tpu.memory_space<vmem>>, vector<1x2000x128xf32>
    %get3A_11 = vector.shape_cast %get3A_10 : vector<1x2000x128xf32> to vector<2000x128xf32>
    %add3A = arith.addf %get3A_6, %get3A_11 : vector<2000x128xf32>
    %get3A_12 = arith.constant 0 : index
    %get3A_13 = arith.constant 0 : index
    %get3A_14 = vector.load %arg3[%get3A_12, %get3A_13] : memref<2000x128xf32, #tpu.memory_space<vmem>>, vector<2000x128xf32>
    %add3A_15 = arith.addf %add3A, %get3A_14 : vector<2000x128xf32>
    %mul3A = vector.broadcast %get3A_1 : vector<2000x1xf32> to vector<2000x128xf32>
    %mul3A_16 = arith.mulf %mul3A, %add3A_15 : vector<2000x128xf32>
    %get3A_17 = arith.constant 0 : index
    %get3A_18 = arith.constant 0 : index
    %get3A_19 = vector.load %arg5[%get3A_17, %get3A_18] : memref<1x128xf32, #tpu.memory_space<vmem>>, vector<1x128xf32>
    %add3A_20 = vector.broadcast %get3A_19 : vector<1x128xf32> to vector<2000x128xf32>
    %add3A_21 = arith.addf %mul3A_16, %add3A_20 : vector<2000x128xf32>
    %max3A = arith.constant 0.000000e+00 : f32
    %max3A_22 = vector.broadcast %max3A : f32 to vector<2000x128xf32>
    %max3A_23 = arith.maximumf %add3A_21, %max3A_22 : vector<2000x128xf32>
    %get3A_24 = arith.constant 0 : index
    %get3A_25 = arith.constant 0 : index
    %get3A_26 = vector.load %arg8[%get3A_24, %get3A_25] : memref<1x3xf32, #tpu.memory_space<vmem>>, vector<1x3xf32>
    %reduce_max3A = vector.shape_cast %get3A_26 : vector<1x3xf32> to vector<1x1x3xf32>
    %reduce_max3A_27 = arith.constant dense<0xFF800000> : vector<1xf32>
    %reduce_max3A_28 = vector.multi_reduction <maximumf>, %reduce_max3A, %reduce_max3A_27 [1, 2] : vector<1x1x3xf32> to vector<1xf32>
    %reduce_max3A_29 = vector.shape_cast %reduce_max3A_28 : vector<1xf32> to vector<1x1x1xf32>
    %reduce_max3A_30 = vector.extract %reduce_max3A_29[0, 0, 0] : f32 from vector<1x1x1xf32>
    %sub3A = vector.broadcast %reduce_max3A_30 : f32 to vector<1x3xf32>
    %sub3A_31 = arith.subf %get3A_26, %sub3A : vector<1x3xf32>
    %exp3A = math.exp %sub3A_31 : vector<1x3xf32>
    %reduce_sum3A = vector.shape_cast %exp3A : vector<1x3xf32> to vector<1x1x3xf32>
    %reduce_sum3A_32 = arith.constant dense<0.000000e+00> : vector<1xf32>
    %reduce_sum3A_33 = vector.multi_reduction <add>, %reduce_sum3A, %reduce_sum3A_32 [1, 2] : vector<1x1x3xf32> to vector<1xf32>
    %reduce_sum3A_34 = vector.shape_cast %reduce_sum3A_33 : vector<1xf32> to vector<1x1x1xf32>
    %reduce_sum3A_35 = vector.extract %reduce_sum3A_34[0, 0, 0] : f32 from vector<1x1x1xf32>
    %div3A = vector.broadcast %reduce_sum3A_35 : f32 to vector<1x3xf32>
    %div3A_36 = arith.divf %exp3A, %div3A : vector<1x3xf32>
    %slice3A = vector.extract_strided_slice %div3A_36 {offsets = [0, 0], sizes = [1, 1], strides = [1, 1]} : vector<1x3xf32> to vector<1x1xf32>
    %get3A_37 = arith.constant 0 : index
    %get3A_38 = arith.constant 0 : index
    %get3A_39 = vector.load %arg6[%get3A_37, %get3A_38] : memref<2000x128xf32, #tpu.memory_space<vmem>>, vector<2000x128xf32>
    %mul3A_40 = vector.broadcast %slice3A : vector<1x1xf32> to vector<2000x128xf32>
    %mul3A_41 = arith.mulf %mul3A_40, %get3A_39 : vector<2000x128xf32>
    %slice3A_42 = vector.extract_strided_slice %div3A_36 {offsets = [0, 1], sizes = [1, 1], strides = [1, 1]} : vector<1x3xf32> to vector<1x1xf32>
    %get3A_43 = arith.constant 0 : index
    %get3A_44 = arith.constant 0 : index
    %get3A_45 = vector.load %arg7[%get3A_43, %get3A_44] : memref<2000x128xf32, #tpu.memory_space<vmem>>, vector<2000x128xf32>
    %mul3A_46 = vector.broadcast %slice3A_42 : vector<1x1xf32> to vector<2000x128xf32>
    %mul3A_47 = arith.mulf %mul3A_46, %get3A_45 : vector<2000x128xf32>
    %add3A_48 = arith.addf %mul3A_41, %mul3A_47 : vector<2000x128xf32>
    %slice3A_49 = vector.extract_strided_slice %div3A_36 {offsets = [0, 2], sizes = [1, 1], strides = [1, 1]} : vector<1x3xf32> to vector<1x1xf32>
    %mul3A_50 = vector.broadcast %slice3A_49 : vector<1x1xf32> to vector<2000x128xf32>
    %mul3A_51 = arith.mulf %mul3A_50, %max3A_23 : vector<2000x128xf32>
    %add3A_52 = arith.addf %add3A_48, %mul3A_51 : vector<2000x128xf32>
    %swap3A = arith.constant 0 : index
    %swap3A_53 = arith.constant 0 : index
    %swap3A_54 = vector.load %arg9[%swap3A, %swap3A_53] : memref<2000x128xf32, #tpu.memory_space<vmem>>, vector<2000x128xf32>
    tpu.vector_store %arg9[%swap3A, %swap3A_53], %add3A_52 {strides = array<i32>} : memref<2000x128xf32, #tpu.memory_space<vmem>>, vector<2000x128xf32>,
    return
  }
  func.func @transform_0(%arg0: i32) -> (i32, i32, i32) {
    %c0_i32 = arith.constant 0 : i32
    %c0_i32_0 = arith.constant 0 : i32
    %c0_i32_1 = arith.constant 0 : i32
    return %c0_i32, %arg0, %c0_i32_0 : i32, i32, i32
  }
  func.func @transform_1(%arg0: i32) -> (i32, i32, i32) {
    %c1_i32 = arith.constant 1 : i32
    %c0_i32 = arith.constant 0 : i32
    %c0_i32_0 = arith.constant 0 : i32
    return %c1_i32, %arg0, %c0_i32 : i32, i32, i32
  }
  func.func @transform_2(%arg0: i32) -> (i32, i32) {
    %c0_i32 = arith.constant 0 : i32
    %c0_i32_0 = arith.constant 0 : i32
    return %arg0, %c0_i32 : i32, i32
  }
  func.func @transform_3(%arg0: i32) -> (i32, i32) {
    %c0_i32 = arith.constant 0 : i32
    %c0_i32_0 = arith.constant 0 : i32
    return %arg0, %c0_i32 : i32, i32
  }
  func.func @transform_4(%arg0: i32) -> (i32, i32) {
    %c0_i32 = arith.constant 0 : i32
    %c0_i32_0 = arith.constant 0 : i32
    %c0_i32_1 = arith.constant 0 : i32
    return %c0_i32, %c0_i32_0 : i32, i32
  }
  func.func @transform_5(%arg0: i32) -> (i32, i32) {
    %c0_i32 = arith.constant 0 : i32
    %c0_i32_0 = arith.constant 0 : i32
    return %arg0, %c0_i32 : i32, i32
  }
  func.func @transform_6(%arg0: i32) -> (i32, i32) {
    %c0_i32 = arith.constant 0 : i32
    %c0_i32_0 = arith.constant 0 : i32
    return %arg0, %c0_i32 : i32, i32
  }
  func.func @transform_7(%arg0: i32) -> (i32, i32) {
    %c0_i32 = arith.constant 0 : i32
    %c0_i32_0 = arith.constant 0 : i32
    %c0_i32_1 = arith.constant 0 : i32
    return %c0_i32, %c0_i32_0 : i32, i32
  }
  func.func @transform_8(%arg0: i32) -> (i32, i32) {
    %c0_i32 = arith.constant 0 : i32
    %c0_i32_0 = arith.constant 0 : i32
    return %arg0, %c0_i32 : i32, i32
  }
}

</mosaic_0001>

<sc_bundles>
// kernel: kernel.10.cloned.1.call-start
scs
__scs_entry_jumppad:
0x0: {  	(pc) =	sbr.rel $0x88, $3  }
0x1: {  	(tag) =	ssettag $0x0;
	lr =	simm.s32 $0x1  }
0x2: {  	[smem:$0x3F98] =	sst lr;
	_ =	strace $0xD0000000  }
0x3: {  	_ = 	snop  }
0x4: {  	_ = 	snop  }
0x5: {  	_ = 	snop  }
0x6: {  	_ = 	snop  }
0x7: {  	_ = 	snop  }
__scs_overlays_trampoline_lowered:
0x8: {  	[smem:$0x3FA7] =	sst s0  }
0x9: {  	[smem:$0x3FA8] =	sst s1  }
0xa: {  	[smem:$0x3FA9] =	sst s2  }
0xb: {  	[smem:$0x3FAA] =	sst s3  }
0xc: {  	[smem:$0x3FAB] =	sst s4  }
0xd: {  	[smem:$0x3FAC] =	sst s5  }
0xe: {  	[smem:$0x3FAD] =	sst s6  }
0xf: {  	[smem:$0x3FAE] =	sst s7  }
0x10: {  	[smem:$0x3FAF] =	sst s8  }
0x11: {  	[smem:$0x3FB0] =	sst s9;
	s0 =	simm.s32 @!p0 $0x0  }
0x12: {  	s1 =	sld [smem:$0x3F96];
	s0 =	simm.s32 @p0 $0x1  }
0x13: {  	[smem:$0x3FB1] =	sst s0;
	s0 =	simm.s32 @!p1 $0x0  }
0x14: {  	s2 =	sld [smem:$0x3F95];
	s0 =	simm.s32 @p1 $0x1  }
0x15: {  	[smem:$0x3FB2] =	sst s0;
	s0 =	simm.s32 @!p2 $0x0  }
0x16: {  	s3 =	sld [smem:$0x3FDB];
	s0 =	simm.s32 @p2 $0x1  }
0x17: {  	s4 =	simm.s32 $0x1BF5;
	[smem:$0x3FB4] =	sst s0  }
0x18: {  	s0 =	sld [smem:$0x3F97];
	_ =	swait.ge [sflag:s4], $0x0  }
0x19: {  	s7 =	sld [smem:$0x3F98]  }
0x1a: {  	s8 =	sadd.s32 $0xFFFFE003, lr  }
0x1b: {  	s9 =	sadd.s32 $0xFFFFFEF7, lr;
	s5 =	simm.s32 $0xFFFFFFFF;
	p2 =	slt.u32 s8, $0xFFFFF086  }
0x1c: {  	p1 =	slt.u32 s9, $0xF7A;
	s5 =	simm.s32 @!p2 $0x0  }
0x1d: {  	s5 =	simm.s32 @p1 $0x1;
	p0 =	seq.s32 s7, s2  }
0x1e: {  	s7 =	smul.u32 @!p0 $0xF7A, s2;
	p2 =	seq.s32 @!p0 s5, $0x0  }
0x1f: {  	s9 =	smul.u32 $0xF7A, s1;
	s8 =	simm.s32 @!p0 $0x1BF5;
	p2 =	por !p2, p0  }
0x20: {  	[sflag:s8] =	ssyncset.s32 @!p0 $0xFFFFF086;
	s6 =	sadd.s32 @!p0 s3, s7;
	s7 =	simm.s32 @!p0 $0x108  }
0x21: {  	s3 =	sadd.s32 s3, s9;
	s6 =	sadd.s32 @!p0 $0x88, s6;
	s7 =	simm.s32 @p2 $0x1082  }
0x22: {  	[simem:s7], [sflag:s8] =	dma.local @!p0 [hbm:s6], $0xF7A  }
0x23: {  	s9 =	sor.u32 $0xD0000000, s2;
	s6 =	simm.s32 $0x108;
	_ =	swait.ge @!p0 [sflag:s8], $0x0  }
0x24: {  	s3 =	sadd.s32 $0x88, s3;
	s6 =	simm.s32 @!p1 $0x1082;
	[sflag:s4] =	ssyncset.s32 $0xFFFFF086  }
0x25: {  	[simem:s6], [sflag:s4] =	dma.local [hbm:s3], $0xF7A  }
0x26: {  	[smem:$0x3F98] =	sst s1;
	(tag) =	ssettag s2;
	_ =	strace s9  }
0x27: {  	s1 =	sld [smem:$0x3FA8]  }
0x28: {  	s2 =	sld [smem:$0x3FA9]  }
0x29: {  	s4 =	sld [smem:$0x3FAB]  }
0x2a: {  	p0 =	seq.s32 s5, $0x0;
	s5 =	sld [smem:$0x3FAC]  }
0x2b: {  	s6 =	sld [smem:$0x3FAD]  }
0x2c: {  	s7 =	sld [smem:$0x3FAE]  }
0x2d: {  	s3 =	simm.s32 $0x108;
	s8 =	sld [smem:$0x3FAF]  }
0x2e: {  	s3 =	simm.s32 @!p0 $0x1082;
	s9 =	sld [smem:$0x3FB0]  }
0x2f: {  	lr =	sadd.s32 s0, s3;
	s0 =	sld [smem:$0x3FA7]  }
0x30: {  	s3 =	sld [smem:$0x3FAA]  }
0x31: {  	[smem:$0x3FB3] =	sst s10  }
0x32: {  	s10 =	sld [smem:$0x3FB1];
	_ =	sdelay $0x3  }
0x33: {  	p0 =	seq.s32 s10, $0x1;
	s10 =	sld [smem:$0x3FB3];
	_ =	sdelay $0x3  }
0x34: {  	[smem:$0x3FB3] =	sst s10  }
0x35: {  	s10 =	sld [smem:$0x3FB2];
	_ =	sdelay $0x3  }
0x36: {  	p1 =	seq.s32 s10, $0x1;
	s10 =	sld [smem:$0x3FB3];
	_ =	sdelay $0x3  }
0x37: {  	[smem:$0x3FB3] =	sst s10  }
0x38: {  	s10 =	sld [smem:$0x3FB4]  }
0x39: {  	_ = 	snop;
	(pc) =	sbr.ind lr, $3  }
0x3a: {  	_ = 	snop  }
0x3b: {  	_ = 	snop  }
0x3c: {  	p2 =	seq.s32 s10, $0x1;
	s10 =	sld [smem:$0x3FB3]  }
0x3d: {  	_ =	shalt  }
0x3e: {  	_ =	shalt  }
0x3f: {  	_ =	shalt  }
0x40: {  	_ =	shalt  }
0x41: {  	_ =	shalt  }
0x42: {  	_ =	shalt  }
0x43: {  	_ =	shalt  }
0x44: {  	_ =	shalt  }
0x45: {  	_ =	shalt  }
0x46: {  	_ =	shalt  }
0x47: {  	_ =	shalt  }
0x48: {  	_ =	shalt  }
0x49: {  	_ =	shalt  }
0x4a: {  	_ =	shalt  }
0x4b: {  	_ =	shalt  }
0x4c: {  	_ =	shalt  }
0x4d: {  	_ =	shalt  }
0x4e: {  	_ =	shalt  }
0x4f: {  	_ =	shalt  }
0x50: {  	_ =	shalt  }
0x51: {  	_ =	shalt  }
0x52: {  	_ =	shalt  }
0x53: {  	_ =	shalt  }
0x54: {  	_ =	shalt  }
0x55: {  	_ =	shalt  }
0x56: {  	_ =	shalt  }
0x57: {  	_ =	shalt  }
0x58: {  	_ =	shalt  }
0x59: {  	_ =	shalt  }
0x5a: {  	_ =	shalt  }
0x5b: {  	_ =	shalt  }
0x5c: {  	_ =	shalt  }
0x5d: {  	_ =	shalt  }
0x5e: {  	_ =	shalt  }
0x5f: {  	_ =	shalt  }
0x60: {  	_ =	shalt  }
0x61: {  	_ =	shalt  }
0x62: {  	_ =	shalt  }
0x63: {  	_ =	shalt  }
0x64: {  	_ =	shalt  }
0x65: {  	_ =	shalt  }
0x66: {  	_ =	shalt  }
0x67: {  	_ =	shalt  }
0x68: {  	_ =	shalt  }
0x69: {  	_ =	shalt  }
0x6a: {  	_ =	shalt  }
0x6b: {  	_ =	shalt  }
0x6c: {  	_ =	shalt  }
0x6d: {  	_ =	shalt  }
0x6e: {  	_ =	shalt  }
0x6f: {  	_ =	shalt  }
0x70: {  	_ =	shalt  }
0x71: {  	_ =	shalt  }
0x72: {  	_ =	shalt  }
0x73: {  	_ =	shalt  }
0x74: {  	_ =	shalt  }
0x75: {  	_ =	shalt  }
0x76: {  	_ =	shalt  }
0x77: {  	_ =	shalt  }
0x78: {  	_ =	shalt  }
0x79: {  	_ =	shalt  }
0x7a: {  	_ =	shalt  }
0x7b: {  	_ =	shalt  }
0x7c: {  	_ =	shalt  }
0x7d: {  	_ =	shalt  }
0x7e: {  	_ =	shalt  }
0x7f: {  	_ =	shalt  }
0x80: {  	_ =	shalt  }
0x81: {  	_ =	shalt  }
0x82: {  	_ =	shalt  }
0x83: {  	_ =	shalt  }
0x84: {  	_ =	shalt  }
0x85: {  	_ =	shalt  }
0x86: {  	_ =	shalt  }
0x87: {  	_ =	shalt  }
.Lfunc_end0:
.L_simem_size_0:
called_computation_lowered:
.L_overlay_start_0:
0x88: {  	s2 =	sld [smem:$0x3FD9]  }
0x89: {  	s3 =	sld [smem:$0x3FFE];
	_ =	sdelay $0x1  }
0x8a: {  	s1 =	srdreg.scid  }
0x8b: {  	s0 =	sand.u32 $0x1, s1  }
0x8c: {  	s17 =	sshll.u32 s0, $0xA;
	s2 =	sadd.s32 s3, s2  }
0x8d: {  	s2 =	sadd.s32 s2, s17  }
0x8e: {  	[smem:$0x3FBF] =	sst s2  }
0x8f: {  	_ = 	snop  }
0x90: {  	s2 =	sld [smem:$0x3FD0];
	(tm) =	ssettm $0x1  }
0x91: {  	s18 =	sld [smem:$0x3FFB];
	_ =	sdelay $0x3  }
0x92: {  	_ =	strace s18  }
0x93: {  	s3 =	sld [smem:$0x3FFC];
	_ =	sdelay $0x3  }
0x94: {  	_ =	strace s3  }
0x95: {  	s3 =	sld [smem:$0x3FFD];
	_ =	sdelay $0x3  }
0x96: {  	_ =	strace s3  }
0x97: {  	_ =	strace $0x8FFFFFFF  }
0x98: {  	s19 =	sld [smem:$0x3FDB];
	_ =	sdelay $0x1  }
0x99: {  	s4 =	simm.s32 $_scs_section_size  }
0x9a: {  	s5 =	simm.s32 $_size__tile_overlayer_lowered;
	s6 =	simm.s32 $_tile_overlayer_lowered  }
0x9b: {  	s22 =	simm.s32 $0x1BFF;
	s21 =	sshll.u32 s6, $0x1;
	s3 =	sadd.s32 s4, s19  }
0x9c: {  	s7 =	simm.s32 $0x0;
	s20 =	sshll.u32 s5, $0x1;
	s5 =	sadd.s32 s21, s3  }
0x9d: {  	[timem:s7], [sflag:s22] =	dma.local [hbm:s5], s20  }
0x9e: {  	_ =	swait.ge [sflag:s22], s20  }
0x9f: {  	s4 =	ssub.s32 $0x0, s20;
	[sflag:s22] =	ssyncset.done $0x0  }
0xa0: {  	[sflag:s22] =	ssyncadd.s32 s4;
	_ =	sdelay $0x1  }
0xa1: {  	s23 =	simm.s32 $0x1B8B  }
0xa2: {  	_ =	swait.ge [sflag:s23], $0x1  }
0xa3: {  	[sflag:s23] =	ssyncset.done $0x0  }
0xa4: {  	s25 =	simm.s32 $0x1B8E;
	s24 =	sld [smem:$0x3FFE];
	[sflag:s23] =	ssyncadd.s32 $0xFFFFFFFF  }
0xa5: {  	s26 =	simm.s32 $execute0_lowered;
	[smem:$0x3FD2] =	sst s25  }
0xa6: {  	s5 =	sshll.u32 s26, $0x1;
	_ =	strace $0x80000046;
	[dreg:$0x1] =	wrdreg $0xFFFFFFFF  }
0xa7: {  	s28 =	simm.s32 $_size_execute0_lowered;
	s3 =	sadd.s32 s3, s5;
	[dreg:$0x0] =	wrdreg $0x0  }
0xa8: {  	s5 =	sshll.u32 s28, $0x1;
	[dreg:$0x2] =	wrdreg s3  }
0xa9: {  	[dreg:$0x3] =	wrdreg s5  }
0xaa: {  	[dreg:$0x4] =	wrdreg $0xC0  }
0xab: {  	_ =	task [dreg:s7], $0x5FFFF  }
0xac: {  	[dreg:$0x1] =	wrdreg $0xFFFFFFFF  }
0xad: {  	[dreg:$0x0] =	wrdreg $0x60  }
0xae: {  	[dreg:$0x2] =	wrdreg s24  }
0xaf: {  	[dreg:$0x3] =	wrdreg s2  }
0xb0: {  	[dreg:$0x4] =	wrdreg $0x28800  }
0xb1: {  	[dreg:$0x5] =	wrdreg $0x9  }
0xb2: {  	_ =	task.clear_ibuf [dreg:s7], $0x6FFFF;
	_ =	strace $0x90000046  }
0xb3: {  	s29 =	simm.s32 $0x9;
	_ =	strace $0x80000048  }
0xb4: {  	_ =	swait.ge [sflag:s29], $0x1  }
0xb5: {  	[sflag:s29] =	ssyncadd.s32 $0xFFFFFFFF  }
0xb6: {  	_ =	strace $0x90000048  }
0xb7: {  	_ =	sfence  }
0xb8: {  	s30 =	sld [smem:$0x0];
	_ =	sdelay $0x2  }
0xb9: {  	s31 =	sshll.u32 s1, $0xD;
	s1 =	sshrl.u32 s1, $0x2  }
0xba: {  	s3 =	sand.u32 $0x4000, s31;
	s1 =	sadd.s32 s1, s30  }
0xbb: {  	s0 =	sor.u32 s3, s0;
	s1 =	sshll.u32 s1, $0x11  }
0xbc: {  	s0 =	sor.u32 s1, s0  }
0xbd: {  	s0 =	sadd.s32 $0x8F2B, s0  }
0xbe: {  	[sflag:s0] =	ssyncadd.remote.s32 $0x1  }
0xbf: {  	_ =	sfence.sel $0xFFFF  }
0xc0: {  	[dreg:$0x0] =	wrdreg $0xFFFFFFFF;
	(pc) =	sbr.abs _section_cstart, $3  }
0xc1: {  	[dreg:$0x1] =	wrdreg $0xFFFFFFFF  }
0xc2: {  	_ =	task.clear_ibuf [dreg:s7], $0x2FFFF;
	_ =	strace $0x9FFFFFFF  }
0xc3: {  	(tm) =	ssettm $0x7FFFFFFF  }
tec
execute0_lowered:
.L_overlay_start_1:
0x0: {  	(tag) =	ssettag $0x1  }
0x1: {  	s4 =	rddreg [dreg:$0x0]  }
0x2: {  	s7 =	rddreg [dreg:$0x1]  }
0x3: {  	s2 =	rddreg [dreg:$0x2]  }
0x4: {  	s0 =	srdreg.scid;
	s1 =	rddreg [dreg:$0x3];
	s3 =	simm.s32 $0x0  }
0x5: {  	s14 =	simm.s32 $0x10;
	s15 =	simm.s32 $0x0;
	s5 =	sand.u32 $0x1, s0  }
0x6: {  	s0 =	stileid.u32;
	[smem:$0x7FF] =	sst s3;
	s8 =	sshll.u32 s5, $0x4  }
0x7: {  	s9 =	smul.u32 $0x280, s0;
	_ =	strace $0x80000047;
	s5 =	ssub.s32 $0x2, s5  }
0x8: {  	s31 =	sshll.u32 s0, $0x6;
	s13 =	smul.u32 $0xA0, s0;
	s6 =	sor.u32 s0, s8  }
0x9: {  	s11 =	sshrl.u32 s5, $0x1;
	s12 =	sadd.s32 s7, s8;
	s6 =	smul.u32 $0x500, s6  }
0xa: {  	s10 =	sshrl.u32 s9, $0x3;
	s30 =	ssub.s32 s5, s11;
	s9 =	sadd.s32 s9, s2  }
0xb: {  	s5 =	sor.u32 $0x1C01, s31;
	s11 =	simm.s32 $0x2800;
	s12 =	sadd.s32 s13, s12  }
0xc: {  	s13 =	simm.s32 $0x20;
	s7 =	smax.u32 s30, $0x1;
	s8 =	sshrl.u32 s9, $0x3  }
0xd: {  	s9 =	simm.s32 $0x1;
	s6 =	sadd.s32 s6, s4;
	s4 =	sadd.s32 s10, s4  }
0xe: {  	v0 =	vimm.f32 $1.000000000e+00;
	s10 =	simm.s32 $0x80;
	s4 =	sadd.s32 $0x17E00, s4;
	s6 =	sadd.s32 $0x3E00, s6  }
.LBB2_1:
0xf: {  	[tilespmem:$0x2800] =	vst v0  }
0x10: {  	[tilespmem:$0x2810] =	vst v0  }
0x11: {  	[tilespmem:$0x2820] =	vst v0  }
0x12: {  	[tilespmem:$0x2830] =	vst v0  }
0x13: {  	[tilespmem:$0x2840] =	vst v0  }
0x14: {  	[tilespmem:$0x2850] =	vst v0  }
0x15: {  	[tilespmem:$0x2860] =	vst v0  }
0x16: {  	[tilespmem:$0x2870] =	vst v0  }
0x17: {  	[spmem:s8], [sflag:s5] =	dma.local [hbm:s4], $0x50  }
0x18: {  	_ =	swait.ge [sflag:s9], $0x50  }
0x19: {  	[sflag:s9] =	ssyncset.done $0x0  }
0x1a: {  	[sflag:s9] =	ssyncadd.s32 $0xFFFFFFB0  }
0x1b: {  	[tilespmem:s3], [sflag:$0x1] =	stream.linear.gather [hbm4b:s6+s3], $0x2800, $0x38;
	[tilespmem:$0x2B00] =	vst v63  }
0x1c: {  	_ =	swait.ge [sflag:s9], $0x2800  }
0x1d: {  	[sflag:s9] =	ssyncset.done $0x0  }
0x1e: {  	[sflag:s9] =	ssyncadd.s32 $0xFFFFD800  }
0x1f: {  	s16 =	simm.s32 $0x0;
	[bflag:$0x0] =	sbarrier.arrive $0xFFFF  }
0x20: {  	[spmem:s2] =	stream.indirect.scatter.add.f32 [tilespmem:s11], [sflag:$0x1], $0x1, s16, s10, $0xb8;
	[tilespmem:$0x2B00] =	vst v63  }
0x21: {  	_ =	swait.ge [sflag:s9], $0x80  }
0x22: {  	s16 =	simm.s32 $0x200;
	[sflag:s9] =	ssyncset.done $0x0  }
.LBB2_2:
0x23: {  	s17 =	sshra.s32 s16, $0x2;
	[sflag:s9] =	ssyncadd.s32 $0xFFFFFF80;
	p0 =	sne.s32 s16, $0x9E00  }
0x24: {  	[spmem:s2] =	stream.indirect.scatter.add.f32 [tilespmem:s11], [sflag:$0x1], $0x1, s17, s10, $0xb8;
	[tilespmem:$0x2B00] =	vst v63  }
.Ltmp0:
0x25: {  	_ = 	snop;
	(pc) =	sbr.rel @p0 .LBB2_2-.Ltmp0, $4  }
0x26: {  	_ = 	snop  }
0x27: {  	s16 =	sadd.s32 $0x200, s16  }
0x28: {  	_ =	swait.ge [sflag:s9], $0x80  }
0x29: {  	[sflag:s9] =	ssyncset.done $0x0  }
0x2a: {  	s15 =	sadd.s32 $0x1, s15  }
0x2b: {  	[sflag:s9] =	ssyncadd.s32 $0xFFFFFF80;
	p0 =	sne.s32 s15, s7  }
.Ltmp1:
0x2c: {  	[bflag:$0x0] =	sbarrier.arrive $0xFFFF;
	(pc) =	sbr.rel @p0 .LBB2_1-.Ltmp1, $4  }
0x2d: {  	[hbm:s12@s13], [sflag:s5] =	dma.strided [spmem:s8@s14], $0x50, s9, $0x10   }
0x2e: {  	_ =	swait.ge [sflag:s9], $0x50  }
0x2f: {  	[sflag:s9] =	ssyncset.done $0x0  }
0x30: {  	[sflag:s9] =	ssyncadd.s32 $0xFFFFFFB0  }
0x31: {  	_ =	sfence.sel $0x180000  }
0x32: {  	[bflag:$0x0] =	sbarrier.arrive $0xFFFF  }
0x33: {  	p0 =	sne.s32 s0, $0x0;
	_ =	strace $0x90000047  }
0x34: {  	s0 =	sadd.s32 @!p0 $0x100000, s1;
	[bflag:$0x2] =	sbarrier.arrive $0xFFFF  }
0x35: {  	[sflag:s0] =	ssyncadd.tile.s32 @!p0 $0x1;
	_ =	shalt  }
.Lfunc_end2:
_tile_overlayer_lowered:
.L_overlay_start_2:
0x36: {  	(tag) =	ssettag $0x2  }
0x37: {  	s0 =	rddreg [dreg:$0x0];
	s2 =	stileid.u32  }
0x38: {  	s1 =	rddreg [dreg:$0x1];
	p0 =	sne.s32 s2, $0x0  }
0x39: {  	s3 =	rddreg [dreg:$0x2];
	[bflag:$0x3] =	sbarrier.arrive $0xFFFF;
	s2 =	simm.s32 @!p0 $0x1C01  }
0x3a: {  	[timem:s3], [sflag:s2] =	dma.local @!p0 [hbm:s0], s1  }
0x3b: {  	s0 =	simm.s32 @!p0 $0x1  }
0x3c: {  	_ =	swait.ge @!p0 [sflag:s0], s1  }
0x3d: {  	s1 =	ssub.s32 @!p0 $0x0, s1;
	[sflag:s0] =	ssyncset.done @!p0 $0x0  }
0x3e: {  	[sflag:s0] =	ssyncadd.s32 @!p0 s1  }
0x3f: {  	[bflag:$0x3] =	sbarrier.arrive $0xFFFF  }
0x40: {  	_ =	shalt  }

// kernel: kernel.13.cloned.1.call-start
scs
__scs_entry_jumppad:
0x0: {  	(pc) =	sbr.rel $0x88, $3  }
0x1: {  	(tag) =	ssettag $0x0;
	lr =	simm.s32 $0x1  }
0x2: {  	[smem:$0x3F98] =	sst lr;
	_ =	strace $0xD0000000  }
0x3: {  	_ = 	snop  }
0x4: {  	_ = 	snop  }
0x5: {  	_ = 	snop  }
0x6: {  	_ = 	snop  }
0x7: {  	_ = 	snop  }
__scs_overlays_trampoline_lowered:
0x8: {  	[smem:$0x3FA7] =	sst s0  }
0x9: {  	[smem:$0x3FA8] =	sst s1  }
0xa: {  	[smem:$0x3FA9] =	sst s2  }
0xb: {  	[smem:$0x3FAA] =	sst s3  }
0xc: {  	[smem:$0x3FAB] =	sst s4  }
0xd: {  	[smem:$0x3FAC] =	sst s5  }
0xe: {  	[smem:$0x3FAD] =	sst s6  }
0xf: {  	[smem:$0x3FAE] =	sst s7  }
0x10: {  	[smem:$0x3FAF] =	sst s8  }
0x11: {  	[smem:$0x3FB0] =	sst s9;
	s0 =	simm.s32 @!p0 $0x0  }
0x12: {  	s1 =	sld [smem:$0x3F96];
	s0 =	simm.s32 @p0 $0x1  }
0x13: {  	[smem:$0x3FB1] =	sst s0;
	s0 =	simm.s32 @!p1 $0x0  }
0x14: {  	s2 =	sld [smem:$0x3F95];
	s0 =	simm.s32 @p1 $0x1  }
0x15: {  	[smem:$0x3FB2] =	sst s0;
	s0 =	simm.s32 @!p2 $0x0  }
0x16: {  	s3 =	sld [smem:$0x3FDB];
	s0 =	simm.s32 @p2 $0x1  }
0x17: {  	s4 =	simm.s32 $0x1BF5;
	[smem:$0x3FB4] =	sst s0  }
0x18: {  	s0 =	sld [smem:$0x3F97];
	_ =	swait.ge [sflag:s4], $0x0  }
0x19: {  	s7 =	sld [smem:$0x3F98]  }
0x1a: {  	s8 =	sadd.s32 $0xFFFFE003, lr  }
0x1b: {  	s9 =	sadd.s32 $0xFFFFFEF7, lr;
	s5 =	simm.s32 $0xFFFFFFFF;
	p2 =	slt.u32 s8, $0xFFFFF086  }
0x1c: {  	p1 =	slt.u32 s9, $0xF7A;
	s5 =	simm.s32 @!p2 $0x0  }
0x1d: {  	s5 =	simm.s32 @p1 $0x1;
	p0 =	seq.s32 s7, s2  }
0x1e: {  	s7 =	smul.u32 @!p0 $0xF7A, s2;
	p2 =	seq.s32 @!p0 s5, $0x0  }
0x1f: {  	s9 =	smul.u32 $0xF7A, s1;
	s8 =	simm.s32 @!p0 $0x1BF5;
	p2 =	por !p2, p0  }
0x20: {  	[sflag:s8] =	ssyncset.s32 @!p0 $0xFFFFF086;
	s6 =	sadd.s32 @!p0 s3, s7;
	s7 =	simm.s32 @!p0 $0x108  }
0x21: {  	s3 =	sadd.s32 s3, s9;
	s6 =	sadd.s32 @!p0 $0x88, s6;
	s7 =	simm.s32 @p2 $0x1082  }
0x22: {  	[simem:s7], [sflag:s8] =	dma.local @!p0 [hbm:s6], $0xF7A  }
0x23: {  	s9 =	sor.u32 $0xD0000000, s2;
	s6 =	simm.s32 $0x108;
	_ =	swait.ge @!p0 [sflag:s8], $0x0  }
0x24: {  	s3 =	sadd.s32 $0x88, s3;
	s6 =	simm.s32 @!p1 $0x1082;
	[sflag:s4] =	ssyncset.s32 $0xFFFFF086  }
0x25: {  	[simem:s6], [sflag:s4] =	dma.local [hbm:s3], $0xF7A  }
0x26: {  	[smem:$0x3F98] =	sst s1;
	(tag) =	ssettag s2;
	_ =	strace s9  }
0x27: {  	s1 =	sld [smem:$0x3FA8]  }
0x28: {  	s2 =	sld [smem:$0x3FA9]  }
0x29: {  	s4 =	sld [smem:$0x3FAB]  }
0x2a: {  	p0 =	seq.s32 s5, $0x0;
	s5 =	sld [smem:$0x3FAC]  }
0x2b: {  	s6 =	sld [smem:$0x3FAD]  }
0x2c: {  	s7 =	sld [smem:$0x3FAE]  }
0x2d: {  	s3 =	simm.s32 $0x108;
	s8 =	sld [smem:$0x3FAF]  }
0x2e: {  	s3 =	simm.s32 @!p0 $0x1082;
	s9 =	sld [smem:$0x3FB0]  }
0x2f: {  	lr =	sadd.s32 s0, s3;
	s0 =	sld [smem:$0x3FA7]  }
0x30: {  	s3 =	sld [smem:$0x3FAA]  }
0x31: {  	[smem:$0x3FB3] =	sst s10  }
0x32: {  	s10 =	sld [smem:$0x3FB1];
	_ =	sdelay $0x3  }
0x33: {  	p0 =	seq.s32 s10, $0x1;
	s10 =	sld [smem:$0x3FB3];
	_ =	sdelay $0x3  }
0x34: {  	[smem:$0x3FB3] =	sst s10  }
0x35: {  	s10 =	sld [smem:$0x3FB2];
	_ =	sdelay $0x3  }
0x36: {  	p1 =	seq.s32 s10, $0x1;
	s10 =	sld [smem:$0x3FB3];
	_ =	sdelay $0x3  }
0x37: {  	[smem:$0x3FB3] =	sst s10  }
0x38: {  	s10 =	sld [smem:$0x3FB4]  }
0x39: {  	_ = 	snop;
	(pc) =	sbr.ind lr, $3  }
0x3a: {  	_ = 	snop  }
0x3b: {  	_ = 	snop  }
0x3c: {  	p2 =	seq.s32 s10, $0x1;
	s10 =	sld [smem:$0x3FB3]  }
0x3d: {  	_ =	shalt  }
0x3e: {  	_ =	shalt  }
0x3f: {  	_ =	shalt  }
0x40: {  	_ =	shalt  }
0x41: {  	_ =	shalt  }
0x42: {  	_ =	shalt  }
0x43: {  	_ =	shalt  }
0x44: {  	_ =	shalt  }
0x45: {  	_ =	shalt  }
0x46: {  	_ =	shalt  }
0x47: {  	_ =	shalt  }
0x48: {  	_ =	shalt  }
0x49: {  	_ =	shalt  }
0x4a: {  	_ =	shalt  }
0x4b: {  	_ =	shalt  }
0x4c: {  	_ =	shalt  }
0x4d: {  	_ =	shalt  }
0x4e: {  	_ =	shalt  }
0x4f: {  	_ =	shalt  }
0x50: {  	_ =	shalt  }
0x51: {  	_ =	shalt  }
0x52: {  	_ =	shalt  }
0x53: {  	_ =	shalt  }
0x54: {  	_ =	shalt  }
0x55: {  	_ =	shalt  }
0x56: {  	_ =	shalt  }
0x57: {  	_ =	shalt  }
0x58: {  	_ =	shalt  }
0x59: {  	_ =	shalt  }
0x5a: {  	_ =	shalt  }
0x5b: {  	_ =	shalt  }
0x5c: {  	_ =	shalt  }
0x5d: {  	_ =	shalt  }
0x5e: {  	_ =	shalt  }
0x5f: {  	_ =	shalt  }
0x60: {  	_ =	shalt  }
0x61: {  	_ =	shalt  }
0x62: {  	_ =	shalt  }
0x63: {  	_ =	shalt  }
0x64: {  	_ =	shalt  }
0x65: {  	_ =	shalt  }
0x66: {  	_ =	shalt  }
0x67: {  	_ =	shalt  }
0x68: {  	_ =	shalt  }
0x69: {  	_ =	shalt  }
0x6a: {  	_ =	shalt  }
0x6b: {  	_ =	shalt  }
0x6c: {  	_ =	shalt  }
0x6d: {  	_ =	shalt  }
0x6e: {  	_ =	shalt  }
0x6f: {  	_ =	shalt  }
0x70: {  	_ =	shalt  }
0x71: {  	_ =	shalt  }
0x72: {  	_ =	shalt  }
0x73: {  	_ =	shalt  }
0x74: {  	_ =	shalt  }
0x75: {  	_ =	shalt  }
0x76: {  	_ =	shalt  }
0x77: {  	_ =	shalt  }
0x78: {  	_ =	shalt  }
0x79: {  	_ =	shalt  }
0x7a: {  	_ =	shalt  }
0x7b: {  	_ =	shalt  }
0x7c: {  	_ =	shalt  }
0x7d: {  	_ =	shalt  }
0x7e: {  	_ =	shalt  }
0x7f: {  	_ =	shalt  }
0x80: {  	_ =	shalt  }
0x81: {  	_ =	shalt  }
0x82: {  	_ =	shalt  }
0x83: {  	_ =	shalt  }
0x84: {  	_ =	shalt  }
0x85: {  	_ =	shalt  }
0x86: {  	_ =	shalt  }
0x87: {  	_ =	shalt  }
.Lfunc_end0:
.L_simem_size_0:
called_computation.1_lowered:
.L_overlay_start_0:
0x88: {  	s2 =	sld [smem:$0x3FD9]  }
0x89: {  	s3 =	sld [smem:$0x3FFE];
	_ =	sdelay $0x1  }
0x8a: {  	s1 =	srdreg.scid  }
0x8b: {  	s0 =	sand.u32 $0x1, s1  }
0x8c: {  	s17 =	sshll.u32 s0, $0xA;
	s2 =	sadd.s32 s3, s2  }
0x8d: {  	s2 =	sadd.s32 s2, s17  }
0x8e: {  	[smem:$0x3FBF] =	sst s2  }
0x8f: {  	_ = 	snop  }
0x90: {  	s2 =	sld [smem:$0x3FD0];
	(tm) =	ssettm $0x1  }
0x91: {  	s18 =	sld [smem:$0x3FFB];
	_ =	sdelay $0x3  }
0x92: {  	_ =	strace s18  }
0x93: {  	s3 =	sld [smem:$0x3FFC];
	_ =	sdelay $0x3  }
0x94: {  	_ =	strace s3  }
0x95: {  	s3 =	sld [smem:$0x3FFD];
	_ =	sdelay $0x3  }
0x96: {  	_ =	strace s3  }
0x97: {  	_ =	strace $0x8FFFFFFF  }
0x98: {  	s19 =	sld [smem:$0x3FDB];
	_ =	sdelay $0x1  }
0x99: {  	s4 =	simm.s32 $_scs_section_size  }
0x9a: {  	s5 =	simm.s32 $_size__tile_overlayer_lowered;
	s6 =	simm.s32 $_tile_overlayer_lowered  }
0x9b: {  	s22 =	simm.s32 $0x1BFF;
	s21 =	sshll.u32 s6, $0x1;
	s3 =	sadd.s32 s4, s19  }
0x9c: {  	s7 =	simm.s32 $0x0;
	s20 =	sshll.u32 s5, $0x1;
	s5 =	sadd.s32 s21, s3  }
0x9d: {  	[timem:s7], [sflag:s22] =	dma.local [hbm:s5], s20  }
0x9e: {  	_ =	swait.ge [sflag:s22], s20  }
0x9f: {  	s4 =	ssub.s32 $0x0, s20;
	[sflag:s22] =	ssyncset.done $0x0  }
0xa0: {  	[sflag:s22] =	ssyncadd.s32 s4;
	_ =	sdelay $0x1  }
0xa1: {  	s23 =	simm.s32 $0x1B8B  }
0xa2: {  	_ =	swait.ge [sflag:s23], $0x1  }
0xa3: {  	[sflag:s23] =	ssyncset.done $0x0  }
0xa4: {  	s25 =	simm.s32 $0x1B8E;
	s24 =	sld [smem:$0x3FFE];
	[sflag:s23] =	ssyncadd.s32 $0xFFFFFFFF  }
0xa5: {  	s26 =	simm.s32 $execute0_lowered;
	[smem:$0x3FD2] =	sst s25  }
0xa6: {  	s5 =	sshll.u32 s26, $0x1;
	_ =	strace $0x80000049;
	[dreg:$0x1] =	wrdreg $0xFFFFFFFF  }
0xa7: {  	s28 =	simm.s32 $_size_execute0_lowered;
	s3 =	sadd.s32 s3, s5;
	[dreg:$0x0] =	wrdreg $0x0  }
0xa8: {  	s5 =	sshll.u32 s28, $0x1;
	[dreg:$0x2] =	wrdreg s3  }
0xa9: {  	[dreg:$0x3] =	wrdreg s5  }
0xaa: {  	[dreg:$0x4] =	wrdreg $0xC0  }
0xab: {  	_ =	task [dreg:s7], $0x5FFFF  }
0xac: {  	[dreg:$0x1] =	wrdreg $0xFFFFFFFF  }
0xad: {  	[dreg:$0x0] =	wrdreg $0x60  }
0xae: {  	[dreg:$0x2] =	wrdreg s2  }
0xaf: {  	[dreg:$0x3] =	wrdreg s24  }
0xb0: {  	[dreg:$0x4] =	wrdreg $0xA8000  }
0xb1: {  	[dreg:$0x5] =	wrdreg $0x9  }
0xb2: {  	_ =	task.clear_ibuf [dreg:s7], $0x6FFFF;
	_ =	strace $0x90000049  }
0xb3: {  	s29 =	simm.s32 $0x9;
	_ =	strace $0x8000004B  }
0xb4: {  	_ =	swait.ge [sflag:s29], $0x1  }
0xb5: {  	[sflag:s29] =	ssyncadd.s32 $0xFFFFFFFF  }
0xb6: {  	_ =	strace $0x9000004B  }
0xb7: {  	_ =	sfence  }
0xb8: {  	s30 =	sld [smem:$0x0];
	_ =	sdelay $0x2  }
0xb9: {  	s31 =	sshll.u32 s1, $0xD;
	s1 =	sshrl.u32 s1, $0x2  }
0xba: {  	s3 =	sand.u32 $0x4000, s31;
	s1 =	sadd.s32 s1, s30  }
0xbb: {  	s0 =	sor.u32 s3, s0;
	s1 =	sshll.u32 s1, $0x11  }
0xbc: {  	s0 =	sor.u32 s1, s0  }
0xbd: {  	s0 =	sadd.s32 $0x8F2B, s0  }
0xbe: {  	[sflag:s0] =	ssyncadd.remote.s32 $0x1  }
0xbf: {  	_ =	sfence.sel $0xFFFF  }
0xc0: {  	[dreg:$0x0] =	wrdreg $0xFFFFFFFF;
	(pc) =	sbr.abs _section_cstart, $3  }
0xc1: {  	[dreg:$0x1] =	wrdreg $0xFFFFFFFF  }
0xc2: {  	_ =	task.clear_ibuf [dreg:s7], $0x2FFFF;
	_ =	strace $0x9FFFFFFF  }
0xc3: {  	(tm) =	ssettm $0x7FFFFFFF  }
tec
execute0_lowered:
.L_overlay_start_1:
0x0: {  	(tag) =	ssettag $0x1  }
0x1: {  	s1 =	rddreg [dreg:$0x0]  }
0x2: {  	s6 =	rddreg [dreg:$0x1]  }
0x3: {  	s0 =	srdreg.scid;
	s3 =	rddreg [dreg:$0x2]  }
0x4: {  	s4 =	simm.s32 $0x0;
	s14 =	simm.s32 $0x3;
	s15 =	simm.s32 $0x80  }
0x5: {  	s16 =	simm.s32 $0x2800;
	s17 =	simm.s32 $0x6800;
	s18 =	simm.s32 $0x1  }
0x6: {  	s19 =	simm.s32 $0x2;
	s20 =	simm.s32 $0x1380;
	s21 =	simm.s32 $0x2700  }
0x7: {  	s22 =	simm.s32 $0x2780;
	s5 =	sand.u32 $0x1, s0;
	s0 =	stileid.u32  }
0x8: {  	s26 =	simm.s32 $0x0;
	[smem:$0x7FF] =	sst s4;
	s24 =	smul.u32 $0x2800, s0  }
0x9: {  	s2 =	sshll.u32 s5, $0x4;
	s8 =	smul.u32 $0x28000, s5;
	_ =	strace $0x8000004A  }
0xa: {  	s5 =	ssub.s32 $0x2, s5;
	s9 =	smul.u32 $0x50000, s0;
	s2 =	sor.u32 s0, s2  }
0xb: {  	s11 =	sshrl.u32 s5, $0x1;
	s7 =	smul.u32 $0x500, s2;
	s30 =	sadd.s32 s24, s6  }
0xc: {  	s12 =	sadd.s32 s8, s6;
	s11 =	ssub.s32 s5, s11;
	s31 =	sshrl.u32 s9, $0x2  }
0xd: {  	s13 =	sadd.s32 s31, s3;
	s5 =	sadd.s32 $0x17E00, s30;
	s25 =	sadd.s32 $0x3FE00, s12  }
0xe: {  	s12 =	simm.s32 $0x4;
	s10 =	sadd.s32 s7, s6;
	s6 =	sshll.u32 s0, $0x6  }
0xf: {  	s24 =	sadd.s32 s24, s25;
	s7 =	sor.u32 $0x1C03, s6;
	s8 =	sadd.s32 $0xDE00, s10  }
0x10: {  	s9 =	sadd.s32 $0x3E00, s10;
	s10 =	smax.u32 s11, $0x1;
	s11 =	sshrl.u32 s13, $0x3  }
0x11: {  	s13 =	simm.s32 $0x1400;
	s23 =	sadd.s32 $0x280, s8;
	s25 =	sadd.s32 $0x280, s9  }
.LBB2_1:
0x12: {  	[spmem:s11], [sflag:s7] =	dma.local [hbm:s5], $0x2800  }
0x13: {  	[tilespmem:s4], [sflag:$0x4] =	stream.linear.gather [hbm4b:s8+s4], $0x1400, $0x38;
	[tilespmem:$0x1E800] =	vst v63  }
0x14: {  	_ =	swait.ge [sflag:s12], $0x1400  }
0x15: {  	[sflag:s12] =	ssyncset.done $0x0  }
0x16: {  	[sflag:s12] =	ssyncadd.s32 $0xFFFFEC00  }
0x17: {  	[tilespmem:s13], [sflag:$0x4] =	stream.linear.gather [hbm4b:s9+s4], $0x1400, $0x38;
	[tilespmem:$0x1E800] =	vst v63  }
0x18: {  	_ =	swait.ge [sflag:s12], $0x1400  }
0x19: {  	[sflag:s12] =	ssyncset.done $0x0  }
0x1a: {  	[sflag:s12] =	ssyncadd.s32 $0xFFFFEC00  }
0x1b: {  	_ =	swait.ge [sflag:s14], $0x2800  }
0x1c: {  	[sflag:s14] =	ssyncset.done $0x0  }
0x1d: {  	[sflag:s14] =	ssyncadd.s32 $0xFFFFD800  }
0x1e: {  	[bflag:$0x0] =	sbarrier.arrive $0xFFFF  }
0x1f: {  	[tilespmem:s16], [sflag:$0x1] =	stream.indirect.gather [hbm4b:s1+s15], $0x80, s4, s15, $0xb8;
	[tilespmem:$0x1E800] =	vst v63  }
0x20: {  	s28 =	simm.s32 $0x80  }
0x21: {  	[tilespmem:s17], [sflag:$0x2] =	stream.indirect.gather [hbm4b:s1+s15], $0x80, s28, s15, $0xb8;
	[tilespmem:$0x1E800] =	vst v63  }
0x22: {  	_ =	swait.ge [sflag:s18], $0x4000  }
0x23: {  	[sflag:s18] =	ssyncset.done $0x0  }
0x24: {  	s28 =	simm.s32 $0x1400;
	[sflag:s18] =	ssyncadd.s32 $0xFFFFC000  }
0x25: {  	[spmem:s3] =	stream.indirect.scatter.add.f32 [tilespmem:s16], [sflag:$0x4], $0x80, s28, s15, $0xb8;
	[tilespmem:$0x1E800] =	vst v63  }
0x26: {  	_ =	swait.ge [sflag:s12], $0x4000  }
0x27: {  	[sflag:s12] =	ssyncset.done $0x0  }
0x28: {  	s28 =	simm.s32 $0x100;
	[sflag:s12] =	ssyncadd.s32 $0xFFFFC000  }
0x29: {  	[tilespmem:s16], [sflag:$0x1] =	stream.indirect.gather [hbm4b:s1+s15], $0x80, s28, s15, $0xb8;
	[tilespmem:$0x1E800] =	vst v63  }
0x2a: {  	_ =	swait.ge [sflag:s19], $0x4000  }
0x2b: {  	[sflag:s19] =	ssyncset.done $0x0  }
0x2c: {  	s28 =	simm.s32 $0x1480;
	[sflag:s19] =	ssyncadd.s32 $0xFFFFC000  }
0x2d: {  	[spmem:s3] =	stream.indirect.scatter.add.f32 [tilespmem:s17], [sflag:$0x4], $0x80, s28, s15, $0xb8;
	[tilespmem:$0x1E800] =	vst v63  }
0x2e: {  	_ =	swait.ge [sflag:s12], $0x4000  }
0x2f: {  	s29 =	simm.s32 $0x800;
	s28 =	simm.s32 $0x100;
	[sflag:s12] =	ssyncset.done $0x0  }
.LBB2_2:
0x30: {  	s30 =	sadd.s32 $0x80, s28  }
0x31: {  	[sflag:s12] =	ssyncadd.s32 $0xFFFFC000;
	s31 =	smov.u32 s29;
	s2 =	sadd.s32 $0x400, s29  }
0x32: {  	[tilespmem:s17], [sflag:$0x2] =	stream.indirect.gather [hbm4b:s1+s15], $0x80, s30, s15, $0xb8;
	[tilespmem:$0x1E800] =	vst v63  }
0x33: {  	p0 =	sne.s32 s29, $0x4800;
	_ =	swait.ge [sflag:s18], $0x4000  }
0x34: {  	[sflag:s18] =	ssyncset.done $0x0  }
0x35: {  	s29 =	sadd.s32 $0x1400, s28;
	[sflag:s18] =	ssyncadd.s32 $0xFFFFC000  }
0x36: {  	[spmem:s3] =	stream.indirect.scatter.add.f32 [tilespmem:s16], [sflag:$0x4], $0x80, s29, s15, $0xb8;
	[tilespmem:$0x1E800] =	vst v63  }
0x37: {  	_ =	swait.ge [sflag:s12], $0x4000  }
0x38: {  	[sflag:s12] =	ssyncset.done $0x0  }
0x39: {  	s29 =	sadd.s32 $0x100, s28;
	[sflag:s12] =	ssyncadd.s32 $0xFFFFC000  }
0x3a: {  	[tilespmem:s16], [sflag:$0x1] =	stream.indirect.gather [hbm4b:s1+s15], $0x80, s29, s15, $0xb8;
	[tilespmem:$0x1E800] =	vst v63  }
0x3b: {  	_ =	swait.ge [sflag:s19], $0x4000  }
.Ltmp0:
0x3c: {  	[sflag:s19] =	ssyncset.done $0x0;
	(pc) =	sbr.rel @p0 .LBB2_2-.Ltmp0, $4  }
0x3d: {  	s28 =	sadd.s32 $0x1480, s28;
	[sflag:s19] =	ssyncadd.s32 $0xFFFFC000  }
0x3e: {  	[spmem:s3] =	stream.indirect.scatter.add.f32 [tilespmem:s17], [sflag:$0x4], $0x80, s28, s15, $0xb8;
	[tilespmem:$0x1E800] =	vst v63  }
0x3f: {  	_ =	swait.ge [sflag:s12], $0x4000  }
0x40: {  	s29 =	smov.u32 s2;
	s28 =	sshra.s32 s31, $0x2;
	[sflag:s12] =	ssyncset.done $0x0  }
0x41: {  	s2 =	sadd.s32 $0x80, s28;
	[sflag:s12] =	ssyncadd.s32 $0xFFFFC000  }
0x42: {  	[tilespmem:s17], [sflag:$0x2] =	stream.indirect.gather [hbm4b:s1+s15], $0x80, s2, s15, $0xb8;
	[tilespmem:$0x1E800] =	vst v63  }
0x43: {  	_ =	swait.ge [sflag:s18], $0x4000  }
0x44: {  	[sflag:s18] =	ssyncset.done $0x0  }
0x45: {  	s30 =	sadd.s32 $0x1400, s28;
	[sflag:s18] =	ssyncadd.s32 $0xFFFFC000  }
0x46: {  	[spmem:s3] =	stream.indirect.scatter.add.f32 [tilespmem:s16], [sflag:$0x4], $0x80, s30, s15, $0xb8;
	[tilespmem:$0x1E800] =	vst v63  }
0x47: {  	_ =	swait.ge [sflag:s12], $0x4000  }
0x48: {  	[sflag:s12] =	ssyncset.done $0x0  }
0x49: {  	s31 =	sadd.s32 $0x100, s28;
	[sflag:s12] =	ssyncadd.s32 $0xFFFFC000  }
0x4a: {  	[tilespmem:s16], [sflag:$0x1] =	stream.indirect.gather [hbm4b:s1+s15], $0x80, s31, s15, $0xb8;
	[tilespmem:$0x1E800] =	vst v63  }
0x4b: {  	_ =	swait.ge [sflag:s19], $0x4000  }
0x4c: {  	[sflag:s19] =	ssyncset.done $0x0  }
0x4d: {  	s30 =	sadd.s32 $0x1480, s28;
	[sflag:s19] =	ssyncadd.s32 $0xFFFFC000  }
0x4e: {  	[spmem:s3] =	stream.indirect.scatter.add.f32 [tilespmem:s17], [sflag:$0x4], $0x80, s30, s15, $0xb8;
	[tilespmem:$0x1E800] =	vst v63  }
0x4f: {  	_ =	swait.ge [sflag:s12], $0x4000  }
0x50: {  	[sflag:s12] =	ssyncset.done $0x0  }
0x51: {  	[sflag:s12] =	ssyncadd.s32 $0xFFFFC000  }
0x52: {  	[tilespmem:s17], [sflag:$0x2] =	stream.indirect.gather [hbm4b:s1+s15], $0x80, s20, s15, $0xb8;
	[tilespmem:$0x1E800] =	vst v63  }
0x53: {  	_ =	swait.ge [sflag:s18], $0x4000  }
0x54: {  	[sflag:s18] =	ssyncset.done $0x0  }
0x55: {  	[sflag:s18] =	ssyncadd.s32 $0xFFFFC000  }
0x56: {  	[spmem:s3] =	stream.indirect.scatter.add.f32 [tilespmem:s16], [sflag:$0x4], $0x80, s21, s15, $0xb8;
	[tilespmem:$0x1E800] =	vst v63  }
0x57: {  	_ =	swait.ge [sflag:s12], $0x4000  }
0x58: {  	[sflag:s12] =	ssyncset.done $0x0  }
0x59: {  	[sflag:s12] =	ssyncadd.s32 $0xFFFFC000  }
0x5a: {  	_ =	swait.ge [sflag:s19], $0x4000  }
0x5b: {  	[sflag:s19] =	ssyncset.done $0x0  }
0x5c: {  	[sflag:s19] =	ssyncadd.s32 $0xFFFFC000  }
0x5d: {  	[spmem:s3] =	stream.indirect.scatter.add.f32 [tilespmem:s17], [sflag:$0x4], $0x80, s22, s15, $0xb8;
	[tilespmem:$0x1E800] =	vst v63  }
0x5e: {  	_ =	swait.ge [sflag:s12], $0x4000  }
0x5f: {  	[sflag:s12] =	ssyncset.done $0x0  }
0x60: {  	s31 =	simm.s32 $0x0;
	[sflag:s12] =	ssyncadd.s32 $0xFFFFC000  }
0x61: {  	[tilespmem:s31], [sflag:$0x4] =	stream.linear.gather [hbm4b:s23+s31], $0x1400, $0x38;
	[tilespmem:$0x1E800] =	vst v63  }
0x62: {  	_ =	swait.ge [sflag:s12], $0x1400  }
0x63: {  	[sflag:s12] =	ssyncset.done $0x0  }
0x64: {  	[sflag:s12] =	ssyncadd.s32 $0xFFFFEC00  }
0x65: {  	[tilespmem:s13], [sflag:$0x4] =	stream.linear.gather [hbm4b:s25+s31], $0x1400, $0x38;
	[tilespmem:$0x1E800] =	vst v63  }
0x66: {  	_ =	swait.ge [sflag:s12], $0x1400  }
0x67: {  	[sflag:s12] =	ssyncset.done $0x0  }
0x68: {  	[sflag:s12] =	ssyncadd.s32 $0xFFFFEC00  }
0x69: {  	[tilespmem:s16], [sflag:$0x1] =	stream.indirect.gather [hbm4b:s1+s15], $0x80, s31, s15, $0xb8;
	[tilespmem:$0x1E800] =	vst v63  }
0x6a: {  	s30 =	simm.s32 $0x80  }
0x6b: {  	[tilespmem:s17], [sflag:$0x2] =	stream.indirect.gather [hbm4b:s1+s15], $0x80, s30, s15, $0xb8;
	[tilespmem:$0x1E800] =	vst v63  }
0x6c: {  	_ =	swait.ge [sflag:s18], $0x4000  }
0x6d: {  	[sflag:s18] =	ssyncset.done $0x0  }
0x6e: {  	s31 =	simm.s32 $0x1400;
	[sflag:s18] =	ssyncadd.s32 $0xFFFFC000  }
0x6f: {  	[spmem:s3] =	stream.indirect.scatter.add.f32 [tilespmem:s16], [sflag:$0x4], $0x80, s31, s15, $0xb8;
	[tilespmem:$0x1E800] =	vst v63  }
0x70: {  	_ =	swait.ge [sflag:s12], $0x4000  }
0x71: {  	[sflag:s12] =	ssyncset.done $0x0  }
0x72: {  	s30 =	simm.s32 $0x100;
	[sflag:s12] =	ssyncadd.s32 $0xFFFFC000  }
0x73: {  	[tilespmem:s16], [sflag:$0x1] =	stream.indirect.gather [hbm4b:s1+s15], $0x80, s30, s15, $0xb8;
	[tilespmem:$0x1E800] =	vst v63  }
0x74: {  	_ =	swait.ge [sflag:s19], $0x4000  }
0x75: {  	[sflag:s19] =	ssyncset.done $0x0  }
0x76: {  	s31 =	simm.s32 $0x1480;
	[sflag:s19] =	ssyncadd.s32 $0xFFFFC000  }
0x77: {  	[spmem:s3] =	stream.indirect.scatter.add.f32 [tilespmem:s17], [sflag:$0x4], $0x80, s31, s15, $0xb8;
	[tilespmem:$0x1E800] =	vst v63  }
0x78: {  	_ =	swait.ge [sflag:s12], $0x4000  }
0x79: {  	s29 =	simm.s32 $0x800;
	s28 =	simm.s32 $0x100;
	[sflag:s12] =	ssyncset.done $0x0  }
.LBB2_4:
0x7a: {  	s2 =	sadd.s32 $0x80, s28  }
0x7b: {  	[sflag:s12] =	ssyncadd.s32 $0xFFFFC000;
	s30 =	smov.u32 s29;
	s31 =	sadd.s32 $0x400, s29  }
0x7c: {  	[tilespmem:s17], [sflag:$0x2] =	stream.indirect.gather [hbm4b:s1+s15], $0x80, s2, s15, $0xb8;
	[tilespmem:$0x1E800] =	vst v63  }
0x7d: {  	p0 =	sne.s32 s29, $0x4800;
	_ =	swait.ge [sflag:s18], $0x4000  }
0x7e: {  	[sflag:s18] =	ssyncset.done $0x0  }
0x7f: {  	s2 =	sadd.s32 $0x1400, s28;
	[sflag:s18] =	ssyncadd.s32 $0xFFFFC000  }
0x80: {  	[spmem:s3] =	stream.indirect.scatter.add.f32 [tilespmem:s16], [sflag:$0x4], $0x80, s2, s15, $0xb8;
	[tilespmem:$0x1E800] =	vst v63  }
0x81: {  	_ =	swait.ge [sflag:s12], $0x4000  }
0x82: {  	[sflag:s12] =	ssyncset.done $0x0  }
0x83: {  	s2 =	sadd.s32 $0x100, s28;
	[sflag:s12] =	ssyncadd.s32 $0xFFFFC000  }
0x84: {  	[tilespmem:s16], [sflag:$0x1] =	stream.indirect.gather [hbm4b:s1+s15], $0x80, s2, s15, $0xb8;
	[tilespmem:$0x1E800] =	vst v63  }
0x85: {  	_ =	swait.ge [sflag:s19], $0x4000  }
.Ltmp1:
0x86: {  	[sflag:s19] =	ssyncset.done $0x0;
	(pc) =	sbr.rel @p0 .LBB2_4-.Ltmp1, $4  }
0x87: {  	s2 =	sadd.s32 $0x1480, s28;
	[sflag:s19] =	ssyncadd.s32 $0xFFFFC000  }
0x88: {  	[spmem:s3] =	stream.indirect.scatter.add.f32 [tilespmem:s17], [sflag:$0x4], $0x80, s2, s15, $0xb8;
	[tilespmem:$0x1E800] =	vst v63  }
0x89: {  	_ =	swait.ge [sflag:s12], $0x4000  }
0x8a: {  	s29 =	smov.u32 s31;
	s28 =	sshra.s32 s30, $0x2;
	[sflag:s12] =	ssyncset.done $0x0  }
0x8b: {  	s2 =	sadd.s32 $0x80, s28;
	[sflag:s12] =	ssyncadd.s32 $0xFFFFC000  }
0x8c: {  	[tilespmem:s17], [sflag:$0x2] =	stream.indirect.gather [hbm4b:s1+s15], $0x80, s2, s15, $0xb8;
	[tilespmem:$0x1E800] =	vst v63  }
0x8d: {  	_ =	swait.ge [sflag:s18], $0x4000  }
0x8e: {  	[sflag:s18] =	ssyncset.done $0x0  }
0x8f: {  	s31 =	sadd.s32 $0x1400, s28;
	[sflag:s18] =	ssyncadd.s32 $0xFFFFC000  }
0x90: {  	[spmem:s3] =	stream.indirect.scatter.add.f32 [tilespmem:s16], [sflag:$0x4], $0x80, s31, s15, $0xb8;
	[tilespmem:$0x1E800] =	vst v63  }
0x91: {  	_ =	swait.ge [sflag:s12], $0x4000  }
0x92: {  	[sflag:s12] =	ssyncset.done $0x0  }
0x93: {  	s29 =	sadd.s32 $0x100, s28;
	[sflag:s12] =	ssyncadd.s32 $0xFFFFC000  }
0x94: {  	[tilespmem:s16], [sflag:$0x1] =	stream.indirect.gather [hbm4b:s1+s15], $0x80, s29, s15, $0xb8;
	[tilespmem:$0x1E800] =	vst v63  }
0x95: {  	_ =	swait.ge [sflag:s19], $0x4000  }
0x96: {  	[sflag:s19] =	ssyncset.done $0x0  }
0x97: {  	s30 =	sadd.s32 $0x1480, s28;
	[sflag:s19] =	ssyncadd.s32 $0xFFFFC000  }
0x98: {  	[spmem:s3] =	stream.indirect.scatter.add.f32 [tilespmem:s17], [sflag:$0x4], $0x80, s30, s15, $0xb8;
	[tilespmem:$0x1E800] =	vst v63  }
0x99: {  	_ =	swait.ge [sflag:s12], $0x4000  }
0x9a: {  	[sflag:s12] =	ssyncset.done $0x0  }
0x9b: {  	[sflag:s12] =	ssyncadd.s32 $0xFFFFC000  }
0x9c: {  	[tilespmem:s17], [sflag:$0x2] =	stream.indirect.gather [hbm4b:s1+s15], $0x80, s20, s15, $0xb8;
	[tilespmem:$0x1E800] =	vst v63  }
0x9d: {  	_ =	swait.ge [sflag:s18], $0x4000  }
0x9e: {  	[sflag:s18] =	ssyncset.done $0x0  }
0x9f: {  	[sflag:s18] =	ssyncadd.s32 $0xFFFFC000  }
0xa0: {  	[spmem:s3] =	stream.indirect.scatter.add.f32 [tilespmem:s16], [sflag:$0x4], $0x80, s21, s15, $0xb8;
	[tilespmem:$0x1E800] =	vst v63  }
0xa1: {  	_ =	swait.ge [sflag:s12], $0x4000  }
0xa2: {  	[sflag:s12] =	ssyncset.done $0x0  }
0xa3: {  	[sflag:s12] =	ssyncadd.s32 $0xFFFFC000  }
0xa4: {  	_ =	swait.ge [sflag:s19], $0x4000  }
0xa5: {  	[sflag:s19] =	ssyncset.done $0x0  }
0xa6: {  	[sflag:s19] =	ssyncadd.s32 $0xFFFFC000  }
0xa7: {  	[spmem:s3] =	stream.indirect.scatter.add.f32 [tilespmem:s17], [sflag:$0x4], $0x80, s22, s15, $0xb8;
	[tilespmem:$0x1E800] =	vst v63  }
0xa8: {  	_ =	swait.ge [sflag:s12], $0x4000  }
0xa9: {  	s26 =	sadd.s32 $0x1, s26;
	[sflag:s12] =	ssyncset.done $0x0  }
0xaa: {  	p0 =	sne.s32 s26, s10;
	[sflag:s12] =	ssyncadd.s32 $0xFFFFC000  }
.Ltmp2:
0xab: {  	s31 =	sor.u32 $0x1C04, s6;
	[bflag:$0x0] =	sbarrier.arrive $0xFFFF;
	(pc) =	sbr.rel @p0 .LBB2_1-.Ltmp2, $4  }
0xac: {  	[hbm:s24], [sflag:s31] =	dma.local [spmem:s11], $0x2800  }
0xad: {  	_ =	swait.ge [sflag:s12], $0x2800  }
0xae: {  	[sflag:s12] =	ssyncset.done $0x0  }
0xaf: {  	[sflag:s12] =	ssyncadd.s32 $0xFFFFD800  }
0xb0: {  	_ =	sfence.sel $0x180000  }
0xb1: {  	[bflag:$0x0] =	sbarrier.arrive $0xFFFF  }
0xb2: {  	_ =	strace $0x9000004A  }
0xb3: {  	[bflag:$0x2] =	sbarrier.arrive $0xFFFF  }
0xb4: {  	p0 =	sne.s32 s0, $0x0;
	s0 =	rddreg [dreg:$0x3]  }
0xb5: {  	s0 =	sadd.s32 @!p0 $0x100000, s0  }
0xb6: {  	[sflag:s0] =	ssyncadd.tile.s32 @!p0 $0x1;
	_ =	shalt  }
.Lfunc_end2:
_tile_overlayer_lowered:
.L_overlay_start_2:
0xb7: {  	(tag) =	ssettag $0x2  }
0xb8: {  	s0 =	rddreg [dreg:$0x0];
	s2 =	stileid.u32  }
0xb9: {  	s1 =	rddreg [dreg:$0x1];
	p0 =	sne.s32 s2, $0x0  }
0xba: {  	s3 =	rddreg [dreg:$0x2];
	[bflag:$0x3] =	sbarrier.arrive $0xFFFF;
	s2 =	simm.s32 @!p0 $0x1C04  }
0xbb: {  	[timem:s3], [sflag:s2] =	dma.local @!p0 [hbm:s0], s1  }
0xbc: {  	s0 =	simm.s32 @!p0 $0x4  }
0xbd: {  	_ =	swait.ge @!p0 [sflag:s0], s1  }
0xbe: {  	s1 =	ssub.s32 @!p0 $0x0, s1;
	[sflag:s0] =	ssyncset.done @!p0 $0x0  }
0xbf: {  	[sflag:s0] =	ssyncadd.s32 @!p0 s1  }
0xc0: {  	[bflag:$0x3] =	sbarrier.arrive $0xFFFF  }
0xc1: {  	_ =	shalt  }

// kernel: kernel.16.cloned.1.call-start
scs
__scs_entry_jumppad:
0x0: {  	(pc) =	sbr.rel $0x88, $3  }
0x1: {  	(tag) =	ssettag $0x0;
	lr =	simm.s32 $0x1  }
0x2: {  	[smem:$0x3F98] =	sst lr;
	_ =	strace $0xD0000000  }
0x3: {  	_ = 	snop  }
0x4: {  	_ = 	snop  }
0x5: {  	_ = 	snop  }
0x6: {  	_ = 	snop  }
0x7: {  	_ = 	snop  }
__scs_overlays_trampoline_lowered:
0x8: {  	[smem:$0x3FA7] =	sst s0  }
0x9: {  	[smem:$0x3FA8] =	sst s1  }
0xa: {  	[smem:$0x3FA9] =	sst s2  }
0xb: {  	[smem:$0x3FAA] =	sst s3  }
0xc: {  	[smem:$0x3FAB] =	sst s4  }
0xd: {  	[smem:$0x3FAC] =	sst s5  }
0xe: {  	[smem:$0x3FAD] =	sst s6  }
0xf: {  	[smem:$0x3FAE] =	sst s7  }
0x10: {  	[smem:$0x3FAF] =	sst s8  }
0x11: {  	[smem:$0x3FB0] =	sst s9;
	s0 =	simm.s32 @!p0 $0x0  }
0x12: {  	s1 =	sld [smem:$0x3F96];
	s0 =	simm.s32 @p0 $0x1  }
0x13: {  	[smem:$0x3FB1] =	sst s0;
	s0 =	simm.s32 @!p1 $0x0  }
0x14: {  	s2 =	sld [smem:$0x3F95];
	s0 =	simm.s32 @p1 $0x1  }
0x15: {  	[smem:$0x3FB2] =	sst s0;
	s0 =	simm.s32 @!p2 $0x0  }
0x16: {  	s3 =	sld [smem:$0x3FDB];
	s0 =	simm.s32 @p2 $0x1  }
0x17: {  	s4 =	simm.s32 $0x1BF5;
	[smem:$0x3FB4] =	sst s0  }
0x18: {  	s0 =	sld [smem:$0x3F97];
	_ =	swait.ge [sflag:s4], $0x0  }
0x19: {  	s7 =	sld [smem:$0x3F98]  }
0x1a: {  	s8 =	sadd.s32 $0xFFFFE003, lr  }
0x1b: {  	s9 =	sadd.s32 $0xFFFFFEF7, lr;
	s5 =	simm.s32 $0xFFFFFFFF;
	p2 =	slt.u32 s8, $0xFFFFF086  }
0x1c: {  	p1 =	slt.u32 s9, $0xF7A;
	s5 =	simm.s32 @!p2 $0x0  }
0x1d: {  	s5 =	simm.s32 @p1 $0x1;
	p0 =	seq.s32 s7, s2  }
0x1e: {  	s7 =	smul.u32 @!p0 $0xF7A, s2;
	p2 =	seq.s32 @!p0 s5, $0x0  }
0x1f: {  	s9 =	smul.u32 $0xF7A, s1;
	s8 =	simm.s32 @!p0 $0x1BF5;
	p2 =	por !p2, p0  }
0x20: {  	[sflag:s8] =	ssyncset.s32 @!p0 $0xFFFFF086;
	s6 =	sadd.s32 @!p0 s3, s7;
	s7 =	simm.s32 @!p0 $0x108  }
0x21: {  	s3 =	sadd.s32 s3, s9;
	s6 =	sadd.s32 @!p0 $0x88, s6;
	s7 =	simm.s32 @p2 $0x1082  }
0x22: {  	[simem:s7], [sflag:s8] =	dma.local @!p0 [hbm:s6], $0xF7A  }
0x23: {  	s9 =	sor.u32 $0xD0000000, s2;
	s6 =	simm.s32 $0x108;
	_ =	swait.ge @!p0 [sflag:s8], $0x0  }
0x24: {  	s3 =	sadd.s32 $0x88, s3;
	s6 =	simm.s32 @!p1 $0x1082;
	[sflag:s4] =	ssyncset.s32 $0xFFFFF086  }
0x25: {  	[simem:s6], [sflag:s4] =	dma.local [hbm:s3], $0xF7A  }
0x26: {  	[smem:$0x3F98] =	sst s1;
	(tag) =	ssettag s2;
	_ =	strace s9  }
0x27: {  	s1 =	sld [smem:$0x3FA8]  }
0x28: {  	s2 =	sld [smem:$0x3FA9]  }
0x29: {  	s4 =	sld [smem:$0x3FAB]  }
0x2a: {  	p0 =	seq.s32 s5, $0x0;
	s5 =	sld [smem:$0x3FAC]  }
0x2b: {  	s6 =	sld [smem:$0x3FAD]  }
0x2c: {  	s7 =	sld [smem:$0x3FAE]  }
0x2d: {  	s3 =	simm.s32 $0x108;
	s8 =	sld [smem:$0x3FAF]  }
0x2e: {  	s3 =	simm.s32 @!p0 $0x1082;
	s9 =	sld [smem:$0x3FB0]  }
0x2f: {  	lr =	sadd.s32 s0, s3;
	s0 =	sld [smem:$0x3FA7]  }
0x30: {  	s3 =	sld [smem:$0x3FAA]  }
0x31: {  	[smem:$0x3FB3] =	sst s10  }
0x32: {  	s10 =	sld [smem:$0x3FB1];
	_ =	sdelay $0x3  }
0x33: {  	p0 =	seq.s32 s10, $0x1;
	s10 =	sld [smem:$0x3FB3];
	_ =	sdelay $0x3  }
0x34: {  	[smem:$0x3FB3] =	sst s10  }
0x35: {  	s10 =	sld [smem:$0x3FB2];
	_ =	sdelay $0x3  }
0x36: {  	p1 =	seq.s32 s10, $0x1;
	s10 =	sld [smem:$0x3FB3];
	_ =	sdelay $0x3  }
0x37: {  	[smem:$0x3FB3] =	sst s10  }
0x38: {  	s10 =	sld [smem:$0x3FB4]  }
0x39: {  	_ = 	snop;
	(pc) =	sbr.ind lr, $3  }
0x3a: {  	_ = 	snop  }
0x3b: {  	_ = 	snop  }
0x3c: {  	p2 =	seq.s32 s10, $0x1;
	s10 =	sld [smem:$0x3FB3]  }
0x3d: {  	_ =	shalt  }
0x3e: {  	_ =	shalt  }
0x3f: {  	_ =	shalt  }
0x40: {  	_ =	shalt  }
0x41: {  	_ =	shalt  }
0x42: {  	_ =	shalt  }
0x43: {  	_ =	shalt  }
0x44: {  	_ =	shalt  }
0x45: {  	_ =	shalt  }
0x46: {  	_ =	shalt  }
0x47: {  	_ =	shalt  }
0x48: {  	_ =	shalt  }
0x49: {  	_ =	shalt  }
0x4a: {  	_ =	shalt  }
0x4b: {  	_ =	shalt  }
0x4c: {  	_ =	shalt  }
0x4d: {  	_ =	shalt  }
0x4e: {  	_ =	shalt  }
0x4f: {  	_ =	shalt  }
0x50: {  	_ =	shalt  }
0x51: {  	_ =	shalt  }
0x52: {  	_ =	shalt  }
0x53: {  	_ =	shalt  }
0x54: {  	_ =	shalt  }
0x55: {  	_ =	shalt  }
0x56: {  	_ =	shalt  }
0x57: {  	_ =	shalt  }
0x58: {  	_ =	shalt  }
0x59: {  	_ =	shalt  }
0x5a: {  	_ =	shalt  }
0x5b: {  	_ =	shalt  }
0x5c: {  	_ =	shalt  }
0x5d: {  	_ =	shalt  }
0x5e: {  	_ =	shalt  }
0x5f: {  	_ =	shalt  }
0x60: {  	_ =	shalt  }
0x61: {  	_ =	shalt  }
0x62: {  	_ =	shalt  }
0x63: {  	_ =	shalt  }
0x64: {  	_ =	shalt  }
0x65: {  	_ =	shalt  }
0x66: {  	_ =	shalt  }
0x67: {  	_ =	shalt  }
0x68: {  	_ =	shalt  }
0x69: {  	_ =	shalt  }
0x6a: {  	_ =	shalt  }
0x6b: {  	_ =	shalt  }
0x6c: {  	_ =	shalt  }
0x6d: {  	_ =	shalt  }
0x6e: {  	_ =	shalt  }
0x6f: {  	_ =	shalt  }
0x70: {  	_ =	shalt  }
0x71: {  	_ =	shalt  }
0x72: {  	_ =	shalt  }
0x73: {  	_ =	shalt  }
0x74: {  	_ =	shalt  }
0x75: {  	_ =	shalt  }
0x76: {  	_ =	shalt  }
0x77: {  	_ =	shalt  }
0x78: {  	_ =	shalt  }
0x79: {  	_ =	shalt  }
0x7a: {  	_ =	shalt  }
0x7b: {  	_ =	shalt  }
0x7c: {  	_ =	shalt  }
0x7d: {  	_ =	shalt  }
0x7e: {  	_ =	shalt  }
0x7f: {  	_ =	shalt  }
0x80: {  	_ =	shalt  }
0x81: {  	_ =	shalt  }
0x82: {  	_ =	shalt  }
0x83: {  	_ =	shalt  }
0x84: {  	_ =	shalt  }
0x85: {  	_ =	shalt  }
0x86: {  	_ =	shalt  }
0x87: {  	_ =	shalt  }
.Lfunc_end0:
.L_simem_size_0:
called_computation.2_lowered:
.L_overlay_start_0:
0x88: {  	s2 =	sld [smem:$0x3FD9]  }
0x89: {  	s3 =	sld [smem:$0x3FFE];
	_ =	sdelay $0x1  }
0x8a: {  	s1 =	srdreg.scid  }
0x8b: {  	s0 =	sand.u32 $0x1, s1  }
0x8c: {  	s17 =	sshll.u32 s0, $0xA;
	s2 =	sadd.s32 s3, s2  }
0x8d: {  	s2 =	sadd.s32 s2, s17  }
0x8e: {  	[smem:$0x3FBF] =	sst s2  }
0x8f: {  	_ = 	snop  }
0x90: {  	s2 =	sld [smem:$0x3FD0];
	(tm) =	ssettm $0x1  }
0x91: {  	s18 =	sld [smem:$0x3FFB];
	_ =	sdelay $0x3  }
0x92: {  	_ =	strace s18  }
0x93: {  	s3 =	sld [smem:$0x3FFC];
	_ =	sdelay $0x3  }
0x94: {  	_ =	strace s3  }
0x95: {  	s3 =	sld [smem:$0x3FFD];
	_ =	sdelay $0x3  }
0x96: {  	_ =	strace s3  }
0x97: {  	_ =	strace $0x8FFFFFFF  }
0x98: {  	s19 =	sld [smem:$0x3FDB];
	_ =	sdelay $0x1  }
0x99: {  	s4 =	simm.s32 $_scs_section_size  }
0x9a: {  	s5 =	simm.s32 $_size__tile_overlayer_lowered;
	s6 =	simm.s32 $_tile_overlayer_lowered  }
0x9b: {  	s22 =	simm.s32 $0x1BFF;
	s21 =	sshll.u32 s6, $0x1;
	s3 =	sadd.s32 s4, s19  }
0x9c: {  	s7 =	simm.s32 $0x0;
	s20 =	sshll.u32 s5, $0x1;
	s5 =	sadd.s32 s21, s3  }
0x9d: {  	[timem:s7], [sflag:s22] =	dma.local [hbm:s5], s20  }
0x9e: {  	_ =	swait.ge [sflag:s22], s20  }
0x9f: {  	s4 =	ssub.s32 $0x0, s20;
	[sflag:s22] =	ssyncset.done $0x0  }
0xa0: {  	[sflag:s22] =	ssyncadd.s32 s4;
	_ =	sdelay $0x1  }
0xa1: {  	s23 =	simm.s32 $0x1B8B  }
0xa2: {  	_ =	swait.ge [sflag:s23], $0x1  }
0xa3: {  	[sflag:s23] =	ssyncset.done $0x0  }
0xa4: {  	s25 =	simm.s32 $0x1B8E;
	s24 =	sld [smem:$0x3FFE];
	[sflag:s23] =	ssyncadd.s32 $0xFFFFFFFF  }
0xa5: {  	s26 =	simm.s32 $execute0_lowered;
	[smem:$0x3FD2] =	sst s25  }
0xa6: {  	s5 =	sshll.u32 s26, $0x1;
	_ =	strace $0x8000004C;
	[dreg:$0x1] =	wrdreg $0xFFFFFFFF  }
0xa7: {  	s28 =	simm.s32 $_size_execute0_lowered;
	s3 =	sadd.s32 s3, s5;
	[dreg:$0x0] =	wrdreg $0x0  }
0xa8: {  	s5 =	sshll.u32 s28, $0x1;
	[dreg:$0x2] =	wrdreg s3  }
0xa9: {  	[dreg:$0x3] =	wrdreg s5  }
0xaa: {  	[dreg:$0x4] =	wrdreg $0xC0  }
0xab: {  	_ =	task [dreg:s7], $0x5FFFF  }
0xac: {  	[dreg:$0x1] =	wrdreg $0xFFFFFFFF  }
0xad: {  	[dreg:$0x0] =	wrdreg $0x60  }
0xae: {  	[dreg:$0x2] =	wrdreg s2  }
0xaf: {  	[dreg:$0x3] =	wrdreg s24  }
0xb0: {  	[dreg:$0x4] =	wrdreg $0xA8000  }
0xb1: {  	[dreg:$0x5] =	wrdreg $0x9  }
0xb2: {  	_ =	task.clear_ibuf [dreg:s7], $0x6FFFF;
	_ =	strace $0x9000004C  }
0xb3: {  	s29 =	simm.s32 $0x9;
	_ =	strace $0x8000004E  }
0xb4: {  	_ =	swait.ge [sflag:s29], $0x1  }
0xb5: {  	[sflag:s29] =	ssyncadd.s32 $0xFFFFFFFF  }
0xb6: {  	_ =	strace $0x9000004E  }
0xb7: {  	_ =	sfence  }
0xb8: {  	s30 =	sld [smem:$0x0];
	_ =	sdelay $0x2  }
0xb9: {  	s31 =	sshll.u32 s1, $0xD;
	s1 =	sshrl.u32 s1, $0x2  }
0xba: {  	s3 =	sand.u32 $0x4000, s31;
	s1 =	sadd.s32 s1, s30  }
0xbb: {  	s0 =	sor.u32 s3, s0;
	s1 =	sshll.u32 s1, $0x11  }
0xbc: {  	s0 =	sor.u32 s1, s0  }
0xbd: {  	s0 =	sadd.s32 $0x8F2B, s0  }
0xbe: {  	[sflag:s0] =	ssyncadd.remote.s32 $0x1  }
0xbf: {  	_ =	sfence.sel $0xFFFF  }
0xc0: {  	[dreg:$0x0] =	wrdreg $0xFFFFFFFF;
	(pc) =	sbr.abs _section_cstart, $3  }
0xc1: {  	[dreg:$0x1] =	wrdreg $0xFFFFFFFF  }
0xc2: {  	_ =	task.clear_ibuf [dreg:s7], $0x2FFFF;
	_ =	strace $0x9FFFFFFF  }
0xc3: {  	(tm) =	ssettm $0x7FFFFFFF  }
tec
execute0_lowered:
.L_overlay_start_1:
0x0: {  	(tag) =	ssettag $0x1  }
0x1: {  	s1 =	rddreg [dreg:$0x0]  }
0x2: {  	s6 =	rddreg [dreg:$0x1]  }
0x3: {  	s0 =	srdreg.scid;
	s3 =	rddreg [dreg:$0x2]  }
0x4: {  	s4 =	simm.s32 $0x0;
	s14 =	simm.s32 $0x3;
	s15 =	simm.s32 $0x80  }
0x5: {  	s16 =	simm.s32 $0x2800;
	s17 =	simm.s32 $0x6800;
	s18 =	simm.s32 $0x1  }
0x6: {  	s19 =	simm.s32 $0x2;
	s20 =	simm.s32 $0x1380;
	s21 =	simm.s32 $0x2700  }
0x7: {  	s22 =	simm.s32 $0x2780;
	s5 =	sand.u32 $0x1, s0;
	s0 =	stileid.u32  }
0x8: {  	s26 =	simm.s32 $0x0;
	[smem:$0x7FF] =	sst s4;
	s24 =	smul.u32 $0x2800, s0  }
0x9: {  	s2 =	sshll.u32 s5, $0x4;
	s8 =	smul.u32 $0x28000, s5;
	_ =	strace $0x8000004D  }
0xa: {  	s5 =	ssub.s32 $0x2, s5;
	s9 =	smul.u32 $0x50000, s0;
	s2 =	sor.u32 s0, s2  }
0xb: {  	s11 =	sshrl.u32 s5, $0x1;
	s7 =	smul.u32 $0x500, s2;
	s30 =	sadd.s32 s24, s6  }
0xc: {  	s12 =	sadd.s32 s8, s6;
	s11 =	ssub.s32 s5, s11;
	s31 =	sshrl.u32 s9, $0x2  }
0xd: {  	s13 =	sadd.s32 s31, s3;
	s5 =	sadd.s32 $0x17E00, s30;
	s25 =	sadd.s32 $0x3FE00, s12  }
0xe: {  	s12 =	simm.s32 $0x4;
	s10 =	sadd.s32 s7, s6;
	s6 =	sshll.u32 s0, $0x6  }
0xf: {  	s24 =	sadd.s32 s24, s25;
	s7 =	sor.u32 $0x1C03, s6;
	s8 =	sadd.s32 $0xDE00, s10  }
0x10: {  	s9 =	sadd.s32 $0x3E00, s10;
	s10 =	smax.u32 s11, $0x1;
	s11 =	sshrl.u32 s13, $0x3  }
0x11: {  	s13 =	simm.s32 $0x1400;
	s23 =	sadd.s32 $0x280, s8;
	s25 =	sadd.s32 $0x280, s9  }
.LBB2_1:
0x12: {  	[spmem:s11], [sflag:s7] =	dma.local [hbm:s5], $0x2800  }
0x13: {  	[tilespmem:s4], [sflag:$0x4] =	stream.linear.gather [hbm4b:s8+s4], $0x1400, $0x38;
	[tilespmem:$0x1E800] =	vst v63  }
0x14: {  	_ =	swait.ge [sflag:s12], $0x1400  }
0x15: {  	[sflag:s12] =	ssyncset.done $0x0  }
0x16: {  	[sflag:s12] =	ssyncadd.s32 $0xFFFFEC00  }
0x17: {  	[tilespmem:s13], [sflag:$0x4] =	stream.linear.gather [hbm4b:s9+s4], $0x1400, $0x38;
	[tilespmem:$0x1E800] =	vst v63  }
0x18: {  	_ =	swait.ge [sflag:s12], $0x1400  }
0x19: {  	[sflag:s12] =	ssyncset.done $0x0  }
0x1a: {  	[sflag:s12] =	ssyncadd.s32 $0xFFFFEC00  }
0x1b: {  	_ =	swait.ge [sflag:s14], $0x2800  }
0x1c: {  	[sflag:s14] =	ssyncset.done $0x0  }
0x1d: {  	[sflag:s14] =	ssyncadd.s32 $0xFFFFD800  }
0x1e: {  	[bflag:$0x0] =	sbarrier.arrive $0xFFFF  }
0x1f: {  	[tilespmem:s16], [sflag:$0x1] =	stream.indirect.gather [hbm4b:s1+s15], $0x80, s4, s15, $0xb8;
	[tilespmem:$0x1E800] =	vst v63  }
0x20: {  	s28 =	simm.s32 $0x80  }
0x21: {  	[tilespmem:s17], [sflag:$0x2] =	stream.indirect.gather [hbm4b:s1+s15], $0x80, s28, s15, $0xb8;
	[tilespmem:$0x1E800] =	vst v63  }
0x22: {  	_ =	swait.ge [sflag:s18], $0x4000  }
0x23: {  	[sflag:s18] =	ssyncset.done $0x0  }
0x24: {  	s28 =	simm.s32 $0x1400;
	[sflag:s18] =	ssyncadd.s32 $0xFFFFC000  }
0x25: {  	[spmem:s3] =	stream.indirect.scatter.add.f32 [tilespmem:s16], [sflag:$0x4], $0x80, s28, s15, $0xb8;
	[tilespmem:$0x1E800] =	vst v63  }
0x26: {  	_ =	swait.ge [sflag:s12], $0x4000  }
0x27: {  	[sflag:s12] =	ssyncset.done $0x0  }
0x28: {  	s28 =	simm.s32 $0x100;
	[sflag:s12] =	ssyncadd.s32 $0xFFFFC000  }
0x29: {  	[tilespmem:s16], [sflag:$0x1] =	stream.indirect.gather [hbm4b:s1+s15], $0x80, s28, s15, $0xb8;
	[tilespmem:$0x1E800] =	vst v63  }
0x2a: {  	_ =	swait.ge [sflag:s19], $0x4000  }
0x2b: {  	[sflag:s19] =	ssyncset.done $0x0  }
0x2c: {  	s28 =	simm.s32 $0x1480;
	[sflag:s19] =	ssyncadd.s32 $0xFFFFC000  }
0x2d: {  	[spmem:s3] =	stream.indirect.scatter.add.f32 [tilespmem:s17], [sflag:$0x4], $0x80, s28, s15, $0xb8;
	[tilespmem:$0x1E800] =	vst v63  }
0x2e: {  	_ =	swait.ge [sflag:s12], $0x4000  }
0x2f: {  	s29 =	simm.s32 $0x800;
	s28 =	simm.s32 $0x100;
	[sflag:s12] =	ssyncset.done $0x0  }
.LBB2_2:
0x30: {  	s30 =	sadd.s32 $0x80, s28  }
0x31: {  	[sflag:s12] =	ssyncadd.s32 $0xFFFFC000;
	s31 =	smov.u32 s29;
	s2 =	sadd.s32 $0x400, s29  }
0x32: {  	[tilespmem:s17], [sflag:$0x2] =	stream.indirect.gather [hbm4b:s1+s15], $0x80, s30, s15, $0xb8;
	[tilespmem:$0x1E800] =	vst v63  }
0x33: {  	p0 =	sne.s32 s29, $0x4800;
	_ =	swait.ge [sflag:s18], $0x4000  }
0x34: {  	[sflag:s18] =	ssyncset.done $0x0  }
0x35: {  	s29 =	sadd.s32 $0x1400, s28;
	[sflag:s18] =	ssyncadd.s32 $0xFFFFC000  }
0x36: {  	[spmem:s3] =	stream.indirect.scatter.add.f32 [tilespmem:s16], [sflag:$0x4], $0x80, s29, s15, $0xb8;
	[tilespmem:$0x1E800] =	vst v63  }
0x37: {  	_ =	swait.ge [sflag:s12], $0x4000  }
0x38: {  	[sflag:s12] =	ssyncset.done $0x0  }
0x39: {  	s29 =	sadd.s32 $0x100, s28;
	[sflag:s12] =	ssyncadd.s32 $0xFFFFC000  }
0x3a: {  	[tilespmem:s16], [sflag:$0x1] =	stream.indirect.gather [hbm4b:s1+s15], $0x80, s29, s15, $0xb8;
	[tilespmem:$0x1E800] =	vst v63  }
0x3b: {  	_ =	swait.ge [sflag:s19], $0x4000  }
.Ltmp0:
0x3c: {  	[sflag:s19] =	ssyncset.done $0x0;
	(pc) =	sbr.rel @p0 .LBB2_2-.Ltmp0, $4  }
0x3d: {  	s28 =	sadd.s32 $0x1480, s28;
	[sflag:s19] =	ssyncadd.s32 $0xFFFFC000  }
0x3e: {  	[spmem:s3] =	stream.indirect.scatter.add.f32 [tilespmem:s17], [sflag:$0x4], $0x80, s28, s15, $0xb8;
	[tilespmem:$0x1E800] =	vst v63  }
0x3f: {  	_ =	swait.ge [sflag:s12], $0x4000  }
0x40: {  	s29 =	smov.u32 s2;
	s28 =	sshra.s32 s31, $0x2;
	[sflag:s12] =	ssyncset.done $0x0  }
0x41: {  	s2 =	sadd.s32 $0x80, s28;
	[sflag:s12] =	ssyncadd.s32 $0xFFFFC000  }
0x42: {  	[tilespmem:s17], [sflag:$0x2] =	stream.indirect.gather [hbm4b:s1+s15], $0x80, s2, s15, $0xb8;
	[tilespmem:$0x1E800] =	vst v63  }
0x43: {  	_ =	swait.ge [sflag:s18], $0x4000  }
0x44: {  	[sflag:s18] =	ssyncset.done $0x0  }
0x45: {  	s30 =	sadd.s32 $0x1400, s28;
	[sflag:s18] =	ssyncadd.s32 $0xFFFFC000  }
0x46: {  	[spmem:s3] =	stream.indirect.scatter.add.f32 [tilespmem:s16], [sflag:$0x4], $0x80, s30, s15, $0xb8;
	[tilespmem:$0x1E800] =	vst v63  }
0x47: {  	_ =	swait.ge [sflag:s12], $0x4000  }
0x48: {  	[sflag:s12] =	ssyncset.done $0x0  }
0x49: {  	s31 =	sadd.s32 $0x100, s28;
	[sflag:s12] =	ssyncadd.s32 $0xFFFFC000  }
0x4a: {  	[tilespmem:s16], [sflag:$0x1] =	stream.indirect.gather [hbm4b:s1+s15], $0x80, s31, s15, $0xb8;
	[tilespmem:$0x1E800] =	vst v63  }
0x4b: {  	_ =	swait.ge [sflag:s19], $0x4000  }
0x4c: {  	[sflag:s19] =	ssyncset.done $0x0  }
0x4d: {  	s30 =	sadd.s32 $0x1480, s28;
	[sflag:s19] =	ssyncadd.s32 $0xFFFFC000  }
0x4e: {  	[spmem:s3] =	stream.indirect.scatter.add.f32 [tilespmem:s17], [sflag:$0x4], $0x80, s30, s15, $0xb8;
	[tilespmem:$0x1E800] =	vst v63  }
0x4f: {  	_ =	swait.ge [sflag:s12], $0x4000  }
0x50: {  	[sflag:s12] =	ssyncset.done $0x0  }
0x51: {  	[sflag:s12] =	ssyncadd.s32 $0xFFFFC000  }
0x52: {  	[tilespmem:s17], [sflag:$0x2] =	stream.indirect.gather [hbm4b:s1+s15], $0x80, s20, s15, $0xb8;
	[tilespmem:$0x1E800] =	vst v63  }
0x53: {  	_ =	swait.ge [sflag:s18], $0x4000  }
0x54: {  	[sflag:s18] =	ssyncset.done $0x0  }
0x55: {  	[sflag:s18] =	ssyncadd.s32 $0xFFFFC000  }
0x56: {  	[spmem:s3] =	stream.indirect.scatter.add.f32 [tilespmem:s16], [sflag:$0x4], $0x80, s21, s15, $0xb8;
	[tilespmem:$0x1E800] =	vst v63  }
0x57: {  	_ =	swait.ge [sflag:s12], $0x4000  }
0x58: {  	[sflag:s12] =	ssyncset.done $0x0  }
0x59: {  	[sflag:s12] =	ssyncadd.s32 $0xFFFFC000  }
0x5a: {  	_ =	swait.ge [sflag:s19], $0x4000  }
0x5b: {  	[sflag:s19] =	ssyncset.done $0x0  }
0x5c: {  	[sflag:s19] =	ssyncadd.s32 $0xFFFFC000  }
0x5d: {  	[spmem:s3] =	stream.indirect.scatter.add.f32 [tilespmem:s17], [sflag:$0x4], $0x80, s22, s15, $0xb8;
	[tilespmem:$0x1E800] =	vst v63  }
0x5e: {  	_ =	swait.ge [sflag:s12], $0x4000  }
0x5f: {  	[sflag:s12] =	ssyncset.done $0x0  }
0x60: {  	s31 =	simm.s32 $0x0;
	[sflag:s12] =	ssyncadd.s32 $0xFFFFC000  }
0x61: {  	[tilespmem:s31], [sflag:$0x4] =	stream.linear.gather [hbm4b:s23+s31], $0x1400, $0x38;
	[tilespmem:$0x1E800] =	vst v63  }
0x62: {  	_ =	swait.ge [sflag:s12], $0x1400  }
0x63: {  	[sflag:s12] =	ssyncset.done $0x0  }
0x64: {  	[sflag:s12] =	ssyncadd.s32 $0xFFFFEC00  }
0x65: {  	[tilespmem:s13], [sflag:$0x4] =	stream.linear.gather [hbm4b:s25+s31], $0x1400, $0x38;
	[tilespmem:$0x1E800] =	vst v63  }
0x66: {  	_ =	swait.ge [sflag:s12], $0x1400  }
0x67: {  	[sflag:s12] =	ssyncset.done $0x0  }
0x68: {  	[sflag:s12] =	ssyncadd.s32 $0xFFFFEC00  }
0x69: {  	[tilespmem:s16], [sflag:$0x1] =	stream.indirect.gather [hbm4b:s1+s15], $0x80, s31, s15, $0xb8;
	[tilespmem:$0x1E800] =	vst v63  }
0x6a: {  	s30 =	simm.s32 $0x80  }
0x6b: {  	[tilespmem:s17], [sflag:$0x2] =	stream.indirect.gather [hbm4b:s1+s15], $0x80, s30, s15, $0xb8;
	[tilespmem:$0x1E800] =	vst v63  }
0x6c: {  	_ =	swait.ge [sflag:s18], $0x4000  }
0x6d: {  	[sflag:s18] =	ssyncset.done $0x0  }
0x6e: {  	s31 =	simm.s32 $0x1400;
	[sflag:s18] =	ssyncadd.s32 $0xFFFFC000  }
0x6f: {  	[spmem:s3] =	stream.indirect.scatter.add.f32 [tilespmem:s16], [sflag:$0x4], $0x80, s31, s15, $0xb8;
	[tilespmem:$0x1E800] =	vst v63  }
0x70: {  	_ =	swait.ge [sflag:s12], $0x4000  }
0x71: {  	[sflag:s12] =	ssyncset.done $0x0  }
0x72: {  	s30 =	simm.s32 $0x100;
	[sflag:s12] =	ssyncadd.s32 $0xFFFFC000  }
0x73: {  	[tilespmem:s16], [sflag:$0x1] =	stream.indirect.gather [hbm4b:s1+s15], $0x80, s30, s15, $0xb8;
	[tilespmem:$0x1E800] =	vst v63  }
0x74: {  	_ =	swait.ge [sflag:s19], $0x4000  }
0x75: {  	[sflag:s19] =	ssyncset.done $0x0  }
0x76: {  	s31 =	simm.s32 $0x1480;
	[sflag:s19] =	ssyncadd.s32 $0xFFFFC000  }
0x77: {  	[spmem:s3] =	stream.indirect.scatter.add.f32 [tilespmem:s17], [sflag:$0x4], $0x80, s31, s15, $0xb8;
	[tilespmem:$0x1E800] =	vst v63  }
0x78: {  	_ =	swait.ge [sflag:s12], $0x4000  }
0x79: {  	s29 =	simm.s32 $0x800;
	s28 =	simm.s32 $0x100;
	[sflag:s12] =	ssyncset.done $0x0  }
.LBB2_4:
0x7a: {  	s2 =	sadd.s32 $0x80, s28  }
0x7b: {  	[sflag:s12] =	ssyncadd.s32 $0xFFFFC000;
	s30 =	smov.u32 s29;
	s31 =	sadd.s32 $0x400, s29  }
0x7c: {  	[tilespmem:s17], [sflag:$0x2] =	stream.indirect.gather [hbm4b:s1+s15], $0x80, s2, s15, $0xb8;
	[tilespmem:$0x1E800] =	vst v63  }
0x7d: {  	p0 =	sne.s32 s29, $0x4800;
	_ =	swait.ge [sflag:s18], $0x4000  }
0x7e: {  	[sflag:s18] =	ssyncset.done $0x0  }
0x7f: {  	s2 =	sadd.s32 $0x1400, s28;
	[sflag:s18] =	ssyncadd.s32 $0xFFFFC000  }
0x80: {  	[spmem:s3] =	stream.indirect.scatter.add.f32 [tilespmem:s16], [sflag:$0x4], $0x80, s2, s15, $0xb8;
	[tilespmem:$0x1E800] =	vst v63  }
0x81: {  	_ =	swait.ge [sflag:s12], $0x4000  }
0x82: {  	[sflag:s12] =	ssyncset.done $0x0  }
0x83: {  	s2 =	sadd.s32 $0x100, s28;
	[sflag:s12] =	ssyncadd.s32 $0xFFFFC000  }
0x84: {  	[tilespmem:s16], [sflag:$0x1] =	stream.indirect.gather [hbm4b:s1+s15], $0x80, s2, s15, $0xb8;
	[tilespmem:$0x1E800] =	vst v63  }
0x85: {  	_ =	swait.ge [sflag:s19], $0x4000  }
.Ltmp1:
0x86: {  	[sflag:s19] =	ssyncset.done $0x0;
	(pc) =	sbr.rel @p0 .LBB2_4-.Ltmp1, $4  }
0x87: {  	s2 =	sadd.s32 $0x1480, s28;
	[sflag:s19] =	ssyncadd.s32 $0xFFFFC000  }
0x88: {  	[spmem:s3] =	stream.indirect.scatter.add.f32 [tilespmem:s17], [sflag:$0x4], $0x80, s2, s15, $0xb8;
	[tilespmem:$0x1E800] =	vst v63  }
0x89: {  	_ =	swait.ge [sflag:s12], $0x4000  }
0x8a: {  	s29 =	smov.u32 s31;
	s28 =	sshra.s32 s30, $0x2;
	[sflag:s12] =	ssyncset.done $0x0  }
0x8b: {  	s2 =	sadd.s32 $0x80, s28;
	[sflag:s12] =	ssyncadd.s32 $0xFFFFC000  }
0x8c: {  	[tilespmem:s17], [sflag:$0x2] =	stream.indirect.gather [hbm4b:s1+s15], $0x80, s2, s15, $0xb8;
	[tilespmem:$0x1E800] =	vst v63  }
0x8d: {  	_ =	swait.ge [sflag:s18], $0x4000  }
0x8e: {  	[sflag:s18] =	ssyncset.done $0x0  }
0x8f: {  	s31 =	sadd.s32 $0x1400, s28;
	[sflag:s18] =	ssyncadd.s32 $0xFFFFC000  }
0x90: {  	[spmem:s3] =	stream.indirect.scatter.add.f32 [tilespmem:s16], [sflag:$0x4], $0x80, s31, s15, $0xb8;
	[tilespmem:$0x1E800] =	vst v63  }
0x91: {  	_ =	swait.ge [sflag:s12], $0x4000  }
0x92: {  	[sflag:s12] =	ssyncset.done $0x0  }
0x93: {  	s29 =	sadd.s32 $0x100, s28;
	[sflag:s12] =	ssyncadd.s32 $0xFFFFC000  }
0x94: {  	[tilespmem:s16], [sflag:$0x1] =	stream.indirect.gather [hbm4b:s1+s15], $0x80, s29, s15, $0xb8;
	[tilespmem:$0x1E800] =	vst v63  }
0x95: {  	_ =	swait.ge [sflag:s19], $0x4000  }
0x96: {  	[sflag:s19] =	ssyncset.done $0x0  }
0x97: {  	s30 =	sadd.s32 $0x1480, s28;
	[sflag:s19] =	ssyncadd.s32 $0xFFFFC000  }
0x98: {  	[spmem:s3] =	stream.indirect.scatter.add.f32 [tilespmem:s17], [sflag:$0x4], $0x80, s30, s15, $0xb8;
	[tilespmem:$0x1E800] =	vst v63  }
0x99: {  	_ =	swait.ge [sflag:s12], $0x4000  }
0x9a: {  	[sflag:s12] =	ssyncset.done $0x0  }
0x9b: {  	[sflag:s12] =	ssyncadd.s32 $0xFFFFC000  }
0x9c: {  	[tilespmem:s17], [sflag:$0x2] =	stream.indirect.gather [hbm4b:s1+s15], $0x80, s20, s15, $0xb8;
	[tilespmem:$0x1E800] =	vst v63  }
0x9d: {  	_ =	swait.ge [sflag:s18], $0x4000  }
0x9e: {  	[sflag:s18] =	ssyncset.done $0x0  }
0x9f: {  	[sflag:s18] =	ssyncadd.s32 $0xFFFFC000  }
0xa0: {  	[spmem:s3] =	stream.indirect.scatter.add.f32 [tilespmem:s16], [sflag:$0x4], $0x80, s21, s15, $0xb8;
	[tilespmem:$0x1E800] =	vst v63  }
0xa1: {  	_ =	swait.ge [sflag:s12], $0x4000  }
0xa2: {  	[sflag:s12] =	ssyncset.done $0x0  }
0xa3: {  	[sflag:s12] =	ssyncadd.s32 $0xFFFFC000  }
0xa4: {  	_ =	swait.ge [sflag:s19], $0x4000  }
0xa5: {  	[sflag:s19] =	ssyncset.done $0x0  }
0xa6: {  	[sflag:s19] =	ssyncadd.s32 $0xFFFFC000  }
0xa7: {  	[spmem:s3] =	stream.indirect.scatter.add.f32 [tilespmem:s17], [sflag:$0x4], $0x80, s22, s15, $0xb8;
	[tilespmem:$0x1E800] =	vst v63  }
0xa8: {  	_ =	swait.ge [sflag:s12], $0x4000  }
0xa9: {  	s26 =	sadd.s32 $0x1, s26;
	[sflag:s12] =	ssyncset.done $0x0  }
0xaa: {  	p0 =	sne.s32 s26, s10;
	[sflag:s12] =	ssyncadd.s32 $0xFFFFC000  }
.Ltmp2:
0xab: {  	s31 =	sor.u32 $0x1C04, s6;
	[bflag:$0x0] =	sbarrier.arrive $0xFFFF;
	(pc) =	sbr.rel @p0 .LBB2_1-.Ltmp2, $4  }
0xac: {  	[hbm:s24], [sflag:s31] =	dma.local [spmem:s11], $0x2800  }
0xad: {  	_ =	swait.ge [sflag:s12], $0x2800  }
0xae: {  	[sflag:s12] =	ssyncset.done $0x0  }
0xaf: {  	[sflag:s12] =	ssyncadd.s32 $0xFFFFD800  }
0xb0: {  	_ =	sfence.sel $0x180000  }
0xb1: {  	[bflag:$0x0] =	sbarrier.arrive $0xFFFF  }
0xb2: {  	_ =	strace $0x9000004D  }
0xb3: {  	[bflag:$0x2] =	sbarrier.arrive $0xFFFF  }
0xb4: {  	p0 =	sne.s32 s0, $0x0;
	s0 =	rddreg [dreg:$0x3]  }
0xb5: {  	s0 =	sadd.s32 @!p0 $0x100000, s0  }
0xb6: {  	[sflag:s0] =	ssyncadd.tile.s32 @!p0 $0x1;
	_ =	shalt  }
.Lfunc_end2:
_tile_overlayer_lowered:
.L_overlay_start_2:
0xb7: {  	(tag) =	ssettag $0x2  }
0xb8: {  	s0 =	rddreg [dreg:$0x0];
	s2 =	stileid.u32  }
0xb9: {  	s1 =	rddreg [dreg:$0x1];
	p0 =	sne.s32 s2, $0x0  }
0xba: {  	s3 =	rddreg [dreg:$0x2];
	[bflag:$0x3] =	sbarrier.arrive $0xFFFF;
	s2 =	simm.s32 @!p0 $0x1C04  }
0xbb: {  	[timem:s3], [sflag:s2] =	dma.local @!p0 [hbm:s0], s1  }
0xbc: {  	s0 =	simm.s32 @!p0 $0x4  }
0xbd: {  	_ =	swait.ge @!p0 [sflag:s0], s1  }
0xbe: {  	s1 =	ssub.s32 @!p0 $0x0, s1;
	[sflag:s0] =	ssyncset.done @!p0 $0x0  }
0xbf: {  	[sflag:s0] =	ssyncadd.s32 @!p0 s1  }
0xc0: {  	[bflag:$0x3] =	sbarrier.arrive $0xFFFF  }
0xc1: {  	_ =	shalt  }

// kernel: kernel.19.cloned.1.call-start
scs
__scs_entry_jumppad:
0x0: {  	(pc) =	sbr.rel $0x88, $3  }
0x1: {  	(tag) =	ssettag $0x0;
	lr =	simm.s32 $0x1  }
0x2: {  	[smem:$0x3F98] =	sst lr;
	_ =	strace $0xD0000000  }
0x3: {  	_ = 	snop  }
0x4: {  	_ = 	snop  }
0x5: {  	_ = 	snop  }
0x6: {  	_ = 	snop  }
0x7: {  	_ = 	snop  }
__scs_overlays_trampoline_lowered:
0x8: {  	[smem:$0x3FA7] =	sst s0  }
0x9: {  	[smem:$0x3FA8] =	sst s1  }
0xa: {  	[smem:$0x3FA9] =	sst s2  }
0xb: {  	[smem:$0x3FAA] =	sst s3  }
0xc: {  	[smem:$0x3FAB] =	sst s4  }
0xd: {  	[smem:$0x3FAC] =	sst s5  }
0xe: {  	[smem:$0x3FAD] =	sst s6  }
0xf: {  	[smem:$0x3FAE] =	sst s7  }
0x10: {  	[smem:$0x3FAF] =	sst s8  }
0x11: {  	[smem:$0x3FB0] =	sst s9;
	s0 =	simm.s32 @!p0 $0x0  }
0x12: {  	s1 =	sld [smem:$0x3F96];
	s0 =	simm.s32 @p0 $0x1  }
0x13: {  	[smem:$0x3FB1] =	sst s0;
	s0 =	simm.s32 @!p1 $0x0  }
0x14: {  	s2 =	sld [smem:$0x3F95];
	s0 =	simm.s32 @p1 $0x1  }
0x15: {  	[smem:$0x3FB2] =	sst s0;
	s0 =	simm.s32 @!p2 $0x0  }
0x16: {  	s3 =	sld [smem:$0x3FDB];
	s0 =	simm.s32 @p2 $0x1  }
0x17: {  	s4 =	simm.s32 $0x1BF5;
	[smem:$0x3FB4] =	sst s0  }
0x18: {  	s0 =	sld [smem:$0x3F97];
	_ =	swait.ge [sflag:s4], $0x0  }
0x19: {  	s7 =	sld [smem:$0x3F98]  }
0x1a: {  	s8 =	sadd.s32 $0xFFFFE003, lr  }
0x1b: {  	s9 =	sadd.s32 $0xFFFFFEF7, lr;
	s5 =	simm.s32 $0xFFFFFFFF;
	p2 =	slt.u32 s8, $0xFFFFF086  }
0x1c: {  	p1 =	slt.u32 s9, $0xF7A;
	s5 =	simm.s32 @!p2 $0x0  }
0x1d: {  	s5 =	simm.s32 @p1 $0x1;
	p0 =	seq.s32 s7, s2  }
0x1e: {  	s7 =	smul.u32 @!p0 $0xF7A, s2;
	p2 =	seq.s32 @!p0 s5, $0x0  }
0x1f: {  	s9 =	smul.u32 $0xF7A, s1;
	s8 =	simm.s32 @!p0 $0x1BF5;
	p2 =	por !p2, p0  }
0x20: {  	[sflag:s8] =	ssyncset.s32 @!p0 $0xFFFFF086;
	s6 =	sadd.s32 @!p0 s3, s7;
	s7 =	simm.s32 @!p0 $0x108  }
0x21: {  	s3 =	sadd.s32 s3, s9;
	s6 =	sadd.s32 @!p0 $0x88, s6;
	s7 =	simm.s32 @p2 $0x1082  }
0x22: {  	[simem:s7], [sflag:s8] =	dma.local @!p0 [hbm:s6], $0xF7A  }
0x23: {  	s9 =	sor.u32 $0xD0000000, s2;
	s6 =	simm.s32 $0x108;
	_ =	swait.ge @!p0 [sflag:s8], $0x0  }
0x24: {  	s3 =	sadd.s32 $0x88, s3;
	s6 =	simm.s32 @!p1 $0x1082;
	[sflag:s4] =	ssyncset.s32 $0xFFFFF086  }
0x25: {  	[simem:s6], [sflag:s4] =	dma.local [hbm:s3], $0xF7A  }
0x26: {  	[smem:$0x3F98] =	sst s1;
	(tag) =	ssettag s2;
	_ =	strace s9  }
0x27: {  	s1 =	sld [smem:$0x3FA8]  }
0x28: {  	s2 =	sld [smem:$0x3FA9]  }
0x29: {  	s4 =	sld [smem:$0x3FAB]  }
0x2a: {  	p0 =	seq.s32 s5, $0x0;
	s5 =	sld [smem:$0x3FAC]  }
0x2b: {  	s6 =	sld [smem:$0x3FAD]  }
0x2c: {  	s7 =	sld [smem:$0x3FAE]  }
0x2d: {  	s3 =	simm.s32 $0x108;
	s8 =	sld [smem:$0x3FAF]  }
0x2e: {  	s3 =	simm.s32 @!p0 $0x1082;
	s9 =	sld [smem:$0x3FB0]  }
0x2f: {  	lr =	sadd.s32 s0, s3;
	s0 =	sld [smem:$0x3FA7]  }
0x30: {  	s3 =	sld [smem:$0x3FAA]  }
0x31: {  	[smem:$0x3FB3] =	sst s10  }
0x32: {  	s10 =	sld [smem:$0x3FB1];
	_ =	sdelay $0x3  }
0x33: {  	p0 =	seq.s32 s10, $0x1;
	s10 =	sld [smem:$0x3FB3];
	_ =	sdelay $0x3  }
0x34: {  	[smem:$0x3FB3] =	sst s10  }
0x35: {  	s10 =	sld [smem:$0x3FB2];
	_ =	sdelay $0x3  }
0x36: {  	p1 =	seq.s32 s10, $0x1;
	s10 =	sld [smem:$0x3FB3];
	_ =	sdelay $0x3  }
0x37: {  	[smem:$0x3FB3] =	sst s10  }
0x38: {  	s10 =	sld [smem:$0x3FB4]  }
0x39: {  	_ = 	snop;
	(pc) =	sbr.ind lr, $3  }
0x3a: {  	_ = 	snop  }
0x3b: {  	_ = 	snop  }
0x3c: {  	p2 =	seq.s32 s10, $0x1;
	s10 =	sld [smem:$0x3FB3]  }
0x3d: {  	_ =	shalt  }
0x3e: {  	_ =	shalt  }
0x3f: {  	_ =	shalt  }
0x40: {  	_ =	shalt  }
0x41: {  	_ =	shalt  }
0x42: {  	_ =	shalt  }
0x43: {  	_ =	shalt  }
0x44: {  	_ =	shalt  }
0x45: {  	_ =	shalt  }
0x46: {  	_ =	shalt  }
0x47: {  	_ =	shalt  }
0x48: {  	_ =	shalt  }
0x49: {  	_ =	shalt  }
0x4a: {  	_ =	shalt  }
0x4b: {  	_ =	shalt  }
0x4c: {  	_ =	shalt  }
0x4d: {  	_ =	shalt  }
0x4e: {  	_ =	shalt  }
0x4f: {  	_ =	shalt  }
0x50: {  	_ =	shalt  }
0x51: {  	_ =	shalt  }
0x52: {  	_ =	shalt  }
0x53: {  	_ =	shalt  }
0x54: {  	_ =	shalt  }
0x55: {  	_ =	shalt  }
0x56: {  	_ =	shalt  }
0x57: {  	_ =	shalt  }
0x58: {  	_ =	shalt  }
0x59: {  	_ =	shalt  }
0x5a: {  	_ =	shalt  }
0x5b: {  	_ =	shalt  }
0x5c: {  	_ =	shalt  }
0x5d: {  	_ =	shalt  }
0x5e: {  	_ =	shalt  }
0x5f: {  	_ =	shalt  }
0x60: {  	_ =	shalt  }
0x61: {  	_ =	shalt  }
0x62: {  	_ =	shalt  }
0x63: {  	_ =	shalt  }
0x64: {  	_ =	shalt  }
0x65: {  	_ =	shalt  }
0x66: {  	_ =	shalt  }
0x67: {  	_ =	shalt  }
0x68: {  	_ =	shalt  }
0x69: {  	_ =	shalt  }
0x6a: {  	_ =	shalt  }
0x6b: {  	_ =	shalt  }
0x6c: {  	_ =	shalt  }
0x6d: {  	_ =	shalt  }
0x6e: {  	_ =	shalt  }
0x6f: {  	_ =	shalt  }
0x70: {  	_ =	shalt  }
0x71: {  	_ =	shalt  }
0x72: {  	_ =	shalt  }
0x73: {  	_ =	shalt  }
0x74: {  	_ =	shalt  }
0x75: {  	_ =	shalt  }
0x76: {  	_ =	shalt  }
0x77: {  	_ =	shalt  }
0x78: {  	_ =	shalt  }
0x79: {  	_ =	shalt  }
0x7a: {  	_ =	shalt  }
0x7b: {  	_ =	shalt  }
0x7c: {  	_ =	shalt  }
0x7d: {  	_ =	shalt  }
0x7e: {  	_ =	shalt  }
0x7f: {  	_ =	shalt  }
0x80: {  	_ =	shalt  }
0x81: {  	_ =	shalt  }
0x82: {  	_ =	shalt  }
0x83: {  	_ =	shalt  }
0x84: {  	_ =	shalt  }
0x85: {  	_ =	shalt  }
0x86: {  	_ =	shalt  }
0x87: {  	_ =	shalt  }
.Lfunc_end0:
.L_simem_size_0:
called_computation.3_lowered:
.L_overlay_start_0:
0x88: {  	s2 =	sld [smem:$0x3FD9]  }
0x89: {  	s3 =	sld [smem:$0x3FFE];
	_ =	sdelay $0x1  }
0x8a: {  	s1 =	srdreg.scid  }
0x8b: {  	s0 =	sand.u32 $0x1, s1  }
0x8c: {  	s17 =	sshll.u32 s0, $0xA;
	s2 =	sadd.s32 s3, s2  }
0x8d: {  	s2 =	sadd.s32 s2, s17  }
0x8e: {  	[smem:$0x3FBF] =	sst s2  }
0x8f: {  	_ = 	snop  }
0x90: {  	s2 =	sld [smem:$0x3FD0];
	(tm) =	ssettm $0x1  }
0x91: {  	s18 =	sld [smem:$0x3FFB];
	_ =	sdelay $0x3  }
0x92: {  	_ =	strace s18  }
0x93: {  	s3 =	sld [smem:$0x3FFC];
	_ =	sdelay $0x3  }
0x94: {  	_ =	strace s3  }
0x95: {  	s3 =	sld [smem:$0x3FFD];
	_ =	sdelay $0x3  }
0x96: {  	_ =	strace s3  }
0x97: {  	_ =	strace $0x8FFFFFFF  }
0x98: {  	s19 =	sld [smem:$0x3FDB];
	_ =	sdelay $0x1  }
0x99: {  	s4 =	simm.s32 $_scs_section_size  }
0x9a: {  	s5 =	simm.s32 $_size__tile_overlayer_lowered;
	s6 =	simm.s32 $_tile_overlayer_lowered  }
0x9b: {  	s22 =	simm.s32 $0x1BFF;
	s21 =	sshll.u32 s6, $0x1;
	s3 =	sadd.s32 s4, s19  }
0x9c: {  	s7 =	simm.s32 $0x0;
	s20 =	sshll.u32 s5, $0x1;
	s5 =	sadd.s32 s21, s3  }
0x9d: {  	[timem:s7], [sflag:s22] =	dma.local [hbm:s5], s20  }
0x9e: {  	_ =	swait.ge [sflag:s22], s20  }
0x9f: {  	s4 =	ssub.s32 $0x0, s20;
	[sflag:s22] =	ssyncset.done $0x0  }
0xa0: {  	[sflag:s22] =	ssyncadd.s32 s4;
	_ =	sdelay $0x1  }
0xa1: {  	s23 =	simm.s32 $0x1B8B  }
0xa2: {  	_ =	swait.ge [sflag:s23], $0x1  }
0xa3: {  	[sflag:s23] =	ssyncset.done $0x0  }
0xa4: {  	s25 =	simm.s32 $0x1B8E;
	s24 =	sld [smem:$0x3FFE];
	[sflag:s23] =	ssyncadd.s32 $0xFFFFFFFF  }
0xa5: {  	s26 =	simm.s32 $execute0_lowered;
	[smem:$0x3FD2] =	sst s25  }
0xa6: {  	s5 =	sshll.u32 s26, $0x1;
	_ =	strace $0x8000004F;
	[dreg:$0x1] =	wrdreg $0xFFFFFFFF  }
0xa7: {  	s28 =	simm.s32 $_size_execute0_lowered;
	s3 =	sadd.s32 s3, s5;
	[dreg:$0x0] =	wrdreg $0x0  }
0xa8: {  	s5 =	sshll.u32 s28, $0x1;
	[dreg:$0x2] =	wrdreg s3  }
0xa9: {  	[dreg:$0x3] =	wrdreg s5  }
0xaa: {  	[dreg:$0x4] =	wrdreg $0xC0  }
0xab: {  	_ =	task [dreg:s7], $0x5FFFF  }
0xac: {  	[dreg:$0x1] =	wrdreg $0xFFFFFFFF  }
0xad: {  	[dreg:$0x0] =	wrdreg $0x60  }
0xae: {  	[dreg:$0x2] =	wrdreg s2  }
0xaf: {  	[dreg:$0x3] =	wrdreg s24  }
0xb0: {  	[dreg:$0x4] =	wrdreg $0xA8000  }
0xb1: {  	[dreg:$0x5] =	wrdreg $0x9  }
0xb2: {  	_ =	task.clear_ibuf [dreg:s7], $0x6FFFF;
	_ =	strace $0x9000004F  }
0xb3: {  	s29 =	simm.s32 $0x9;
	_ =	strace $0x80000051  }
0xb4: {  	_ =	swait.ge [sflag:s29], $0x1  }
0xb5: {  	[sflag:s29] =	ssyncadd.s32 $0xFFFFFFFF  }
0xb6: {  	_ =	strace $0x90000051  }
0xb7: {  	_ =	sfence  }
0xb8: {  	s30 =	sld [smem:$0x0];
	_ =	sdelay $0x2  }
0xb9: {  	s31 =	sshll.u32 s1, $0xD;
	s1 =	sshrl.u32 s1, $0x2  }
0xba: {  	s3 =	sand.u32 $0x4000, s31;
	s1 =	sadd.s32 s1, s30  }
0xbb: {  	s0 =	sor.u32 s3, s0;
	s1 =	sshll.u32 s1, $0x11  }
0xbc: {  	s0 =	sor.u32 s1, s0  }
0xbd: {  	s0 =	sadd.s32 $0x8F2B, s0  }
0xbe: {  	[sflag:s0] =	ssyncadd.remote.s32 $0x1  }
0xbf: {  	_ =	sfence.sel $0xFFFF  }
0xc0: {  	[dreg:$0x0] =	wrdreg $0xFFFFFFFF;
	(pc) =	sbr.abs _section_cstart, $3  }
0xc1: {  	[dreg:$0x1] =	wrdreg $0xFFFFFFFF  }
0xc2: {  	_ =	task.clear_ibuf [dreg:s7], $0x2FFFF;
	_ =	strace $0x9FFFFFFF  }
0xc3: {  	(tm) =	ssettm $0x7FFFFFFF  }
tec
execute0_lowered:
.L_overlay_start_1:
0x0: {  	(tag) =	ssettag $0x1  }
0x1: {  	s1 =	rddreg [dreg:$0x0]  }
0x2: {  	s6 =	rddreg [dreg:$0x1]  }
0x3: {  	s0 =	srdreg.scid;
	s3 =	rddreg [dreg:$0x2]  }
0x4: {  	s4 =	simm.s32 $0x0;
	s14 =	simm.s32 $0x3;
	s15 =	simm.s32 $0x80  }
0x5: {  	s16 =	simm.s32 $0x2800;
	s17 =	simm.s32 $0x6800;
	s18 =	simm.s32 $0x1  }
0x6: {  	s19 =	simm.s32 $0x2;
	s20 =	simm.s32 $0x1380;
	s21 =	simm.s32 $0x2700  }
0x7: {  	s22 =	simm.s32 $0x2780;
	s5 =	sand.u32 $0x1, s0;
	s0 =	stileid.u32  }
0x8: {  	s26 =	simm.s32 $0x0;
	[smem:$0x7FF] =	sst s4;
	s24 =	smul.u32 $0x2800, s0  }
0x9: {  	s2 =	sshll.u32 s5, $0x4;
	s8 =	smul.u32 $0x28000, s5;
	_ =	strace $0x80000050  }
0xa: {  	s5 =	ssub.s32 $0x2, s5;
	s9 =	smul.u32 $0x50000, s0;
	s2 =	sor.u32 s0, s2  }
0xb: {  	s11 =	sshrl.u32 s5, $0x1;
	s7 =	smul.u32 $0x500, s2;
	s30 =	sadd.s32 s24, s6  }
0xc: {  	s12 =	sadd.s32 s8, s6;
	s11 =	ssub.s32 s5, s11;
	s31 =	sshrl.u32 s9, $0x2  }
0xd: {  	s13 =	sadd.s32 s31, s3;
	s5 =	sadd.s32 $0x17E00, s30;
	s25 =	sadd.s32 $0x3FE00, s12  }
0xe: {  	s12 =	simm.s32 $0x4;
	s10 =	sadd.s32 s7, s6;
	s6 =	sshll.u32 s0, $0x6  }
0xf: {  	s24 =	sadd.s32 s24, s25;
	s7 =	sor.u32 $0x1C03, s6;
	s8 =	sadd.s32 $0xDE00, s10  }
0x10: {  	s9 =	sadd.s32 $0x3E00, s10;
	s10 =	smax.u32 s11, $0x1;
	s11 =	sshrl.u32 s13, $0x3  }
0x11: {  	s13 =	simm.s32 $0x1400;
	s23 =	sadd.s32 $0x280, s8;
	s25 =	sadd.s32 $0x280, s9  }
.LBB2_1:
0x12: {  	[spmem:s11], [sflag:s7] =	dma.local [hbm:s5], $0x2800  }
0x13: {  	[tilespmem:s4], [sflag:$0x4] =	stream.linear.gather [hbm4b:s8+s4], $0x1400, $0x38;
	[tilespmem:$0x1E800] =	vst v63  }
0x14: {  	_ =	swait.ge [sflag:s12], $0x1400  }
0x15: {  	[sflag:s12] =	ssyncset.done $0x0  }
0x16: {  	[sflag:s12] =	ssyncadd.s32 $0xFFFFEC00  }
0x17: {  	[tilespmem:s13], [sflag:$0x4] =	stream.linear.gather [hbm4b:s9+s4], $0x1400, $0x38;
	[tilespmem:$0x1E800] =	vst v63  }
0x18: {  	_ =	swait.ge [sflag:s12], $0x1400  }
0x19: {  	[sflag:s12] =	ssyncset.done $0x0  }
0x1a: {  	[sflag:s12] =	ssyncadd.s32 $0xFFFFEC00  }
0x1b: {  	_ =	swait.ge [sflag:s14], $0x2800  }
0x1c: {  	[sflag:s14] =	ssyncset.done $0x0  }
0x1d: {  	[sflag:s14] =	ssyncadd.s32 $0xFFFFD800  }
0x1e: {  	[bflag:$0x0] =	sbarrier.arrive $0xFFFF  }
0x1f: {  	[tilespmem:s16], [sflag:$0x1] =	stream.indirect.gather [hbm4b:s1+s15], $0x80, s4, s15, $0xb8;
	[tilespmem:$0x1E800] =	vst v63  }
0x20: {  	s28 =	simm.s32 $0x80  }
0x21: {  	[tilespmem:s17], [sflag:$0x2] =	stream.indirect.gather [hbm4b:s1+s15], $0x80, s28, s15, $0xb8;
	[tilespmem:$0x1E800] =	vst v63  }
0x22: {  	_ =	swait.ge [sflag:s18], $0x4000  }
0x23: {  	[sflag:s18] =	ssyncset.done $0x0  }
0x24: {  	s28 =	simm.s32 $0x1400;
	[sflag:s18] =	ssyncadd.s32 $0xFFFFC000  }
0x25: {  	[spmem:s3] =	stream.indirect.scatter.add.f32 [tilespmem:s16], [sflag:$0x4], $0x80, s28, s15, $0xb8;
	[tilespmem:$0x1E800] =	vst v63  }
0x26: {  	_ =	swait.ge [sflag:s12], $0x4000  }
0x27: {  	[sflag:s12] =	ssyncset.done $0x0  }
0x28: {  	s28 =	simm.s32 $0x100;
	[sflag:s12] =	ssyncadd.s32 $0xFFFFC000  }
0x29: {  	[tilespmem:s16], [sflag:$0x1] =	stream.indirect.gather [hbm4b:s1+s15], $0x80, s28, s15, $0xb8;
	[tilespmem:$0x1E800] =	vst v63  }
0x2a: {  	_ =	swait.ge [sflag:s19], $0x4000  }
0x2b: {  	[sflag:s19] =	ssyncset.done $0x0  }
0x2c: {  	s28 =	simm.s32 $0x1480;
	[sflag:s19] =	ssyncadd.s32 $0xFFFFC000  }
0x2d: {  	[spmem:s3] =	stream.indirect.scatter.add.f32 [tilespmem:s17], [sflag:$0x4], $0x80, s28, s15, $0xb8;
	[tilespmem:$0x1E800] =	vst v63  }
0x2e: {  	_ =	swait.ge [sflag:s12], $0x4000  }
0x2f: {  	s29 =	simm.s32 $0x800;
	s28 =	simm.s32 $0x100;
	[sflag:s12] =	ssyncset.done $0x0  }
.LBB2_2:
0x30: {  	s30 =	sadd.s32 $0x80, s28  }
0x31: {  	[sflag:s12] =	ssyncadd.s32 $0xFFFFC000;
	s31 =	smov.u32 s29;
	s2 =	sadd.s32 $0x400, s29  }
0x32: {  	[tilespmem:s17], [sflag:$0x2] =	stream.indirect.gather [hbm4b:s1+s15], $0x80, s30, s15, $0xb8;
	[tilespmem:$0x1E800] =	vst v63  }
0x33: {  	p0 =	sne.s32 s29, $0x4800;
	_ =	swait.ge [sflag:s18], $0x4000  }
0x34: {  	[sflag:s18] =	ssyncset.done $0x0  }
0x35: {  	s29 =	sadd.s32 $0x1400, s28;
	[sflag:s18] =	ssyncadd.s32 $0xFFFFC000  }
0x36: {  	[spmem:s3] =	stream.indirect.scatter.add.f32 [tilespmem:s16], [sflag:$0x4], $0x80, s29, s15, $0xb8;
	[tilespmem:$0x1E800] =	vst v63  }
0x37: {  	_ =	swait.ge [sflag:s12], $0x4000  }
0x38: {  	[sflag:s12] =	ssyncset.done $0x0  }
0x39: {  	s29 =	sadd.s32 $0x100, s28;
	[sflag:s12] =	ssyncadd.s32 $0xFFFFC000  }
0x3a: {  	[tilespmem:s16], [sflag:$0x1] =	stream.indirect.gather [hbm4b:s1+s15], $0x80, s29, s15, $0xb8;
	[tilespmem:$0x1E800] =	vst v63  }
0x3b: {  	_ =	swait.ge [sflag:s19], $0x4000  }
.Ltmp0:
0x3c: {  	[sflag:s19] =	ssyncset.done $0x0;
	(pc) =	sbr.rel @p0 .LBB2_2-.Ltmp0, $4  }
0x3d: {  	s28 =	sadd.s32 $0x1480, s28;
	[sflag:s19] =	ssyncadd.s32 $0xFFFFC000  }
0x3e: {  	[spmem:s3] =	stream.indirect.scatter.add.f32 [tilespmem:s17], [sflag:$0x4], $0x80, s28, s15, $0xb8;
	[tilespmem:$0x1E800] =	vst v63  }
0x3f: {  	_ =	swait.ge [sflag:s12], $0x4000  }
0x40: {  	s29 =	smov.u32 s2;
	s28 =	sshra.s32 s31, $0x2;
	[sflag:s12] =	ssyncset.done $0x0  }
0x41: {  	s2 =	sadd.s32 $0x80, s28;
	[sflag:s12] =	ssyncadd.s32 $0xFFFFC000  }
0x42: {  	[tilespmem:s17], [sflag:$0x2] =	stream.indirect.gather [hbm4b:s1+s15], $0x80, s2, s15, $0xb8;
	[tilespmem:$0x1E800] =	vst v63  }
0x43: {  	_ =	swait.ge [sflag:s18], $0x4000  }
0x44: {  	[sflag:s18] =	ssyncset.done $0x0  }
0x45: {  	s30 =	sadd.s32 $0x1400, s28;
	[sflag:s18] =	ssyncadd.s32 $0xFFFFC000  }
0x46: {  	[spmem:s3] =	stream.indirect.scatter.add.f32 [tilespmem:s16], [sflag:$0x4], $0x80, s30, s15, $0xb8;
	[tilespmem:$0x1E800] =	vst v63  }
0x47: {  	_ =	swait.ge [sflag:s12], $0x4000  }
0x48: {  	[sflag:s12] =	ssyncset.done $0x0  }
0x49: {  	s31 =	sadd.s32 $0x100, s28;
	[sflag:s12] =	ssyncadd.s32 $0xFFFFC000  }
0x4a: {  	[tilespmem:s16], [sflag:$0x1] =	stream.indirect.gather [hbm4b:s1+s15], $0x80, s31, s15, $0xb8;
	[tilespmem:$0x1E800] =	vst v63  }
0x4b: {  	_ =	swait.ge [sflag:s19], $0x4000  }
0x4c: {  	[sflag:s19] =	ssyncset.done $0x0  }
0x4d: {  	s30 =	sadd.s32 $0x1480, s28;
	[sflag:s19] =	ssyncadd.s32 $0xFFFFC000  }
0x4e: {  	[spmem:s3] =	stream.indirect.scatter.add.f32 [tilespmem:s17], [sflag:$0x4], $0x80, s30, s15, $0xb8;
	[tilespmem:$0x1E800] =	vst v63  }
0x4f: {  	_ =	swait.ge [sflag:s12], $0x4000  }
0x50: {  	[sflag:s12] =	ssyncset.done $0x0  }
0x51: {  	[sflag:s12] =	ssyncadd.s32 $0xFFFFC000  }
0x52: {  	[tilespmem:s17], [sflag:$0x2] =	stream.indirect.gather [hbm4b:s1+s15], $0x80, s20, s15, $0xb8;
	[tilespmem:$0x1E800] =	vst v63  }
0x53: {  	_ =	swait.ge [sflag:s18], $0x4000  }
0x54: {  	[sflag:s18] =	ssyncset.done $0x0  }
0x55: {  	[sflag:s18] =	ssyncadd.s32 $0xFFFFC000  }
0x56: {  	[spmem:s3] =	stream.indirect.scatter.add.f32 [tilespmem:s16], [sflag:$0x4], $0x80, s21, s15, $0xb8;
	[tilespmem:$0x1E800] =	vst v63  }
0x57: {  	_ =	swait.ge [sflag:s12], $0x4000  }
0x58: {  	[sflag:s12] =	ssyncset.done $0x0  }
0x59: {  	[sflag:s12] =	ssyncadd.s32 $0xFFFFC000  }
0x5a: {  	_ =	swait.ge [sflag:s19], $0x4000  }
0x5b: {  	[sflag:s19] =	ssyncset.done $0x0  }
0x5c: {  	[sflag:s19] =	ssyncadd.s32 $0xFFFFC000  }
0x5d: {  	[spmem:s3] =	stream.indirect.scatter.add.f32 [tilespmem:s17], [sflag:$0x4], $0x80, s22, s15, $0xb8;
	[tilespmem:$0x1E800] =	vst v63  }
0x5e: {  	_ =	swait.ge [sflag:s12], $0x4000  }
0x5f: {  	[sflag:s12] =	ssyncset.done $0x0  }
0x60: {  	s31 =	simm.s32 $0x0;
	[sflag:s12] =	ssyncadd.s32 $0xFFFFC000  }
0x61: {  	[tilespmem:s31], [sflag:$0x4] =	stream.linear.gather [hbm4b:s23+s31], $0x1400, $0x38;
	[tilespmem:$0x1E800] =	vst v63  }
0x62: {  	_ =	swait.ge [sflag:s12], $0x1400  }
0x63: {  	[sflag:s12] =	ssyncset.done $0x0  }
0x64: {  	[sflag:s12] =	ssyncadd.s32 $0xFFFFEC00  }
0x65: {  	[tilespmem:s13], [sflag:$0x4] =	stream.linear.gather [hbm4b:s25+s31], $0x1400, $0x38;
	[tilespmem:$0x1E800] =	vst v63  }
0x66: {  	_ =	swait.ge [sflag:s12], $0x1400  }
0x67: {  	[sflag:s12] =	ssyncset.done $0x0  }
0x68: {  	[sflag:s12] =	ssyncadd.s32 $0xFFFFEC00  }
0x69: {  	[tilespmem:s16], [sflag:$0x1] =	stream.indirect.gather [hbm4b:s1+s15], $0x80, s31, s15, $0xb8;
	[tilespmem:$0x1E800] =	vst v63  }
0x6a: {  	s30 =	simm.s32 $0x80  }
0x6b: {  	[tilespmem:s17], [sflag:$0x2] =	stream.indirect.gather [hbm4b:s1+s15], $0x80, s30, s15, $0xb8;
	[tilespmem:$0x1E800] =	vst v63  }
0x6c: {  	_ =	swait.ge [sflag:s18], $0x4000  }
0x6d: {  	[sflag:s18] =	ssyncset.done $0x0  }
0x6e: {  	s31 =	simm.s32 $0x1400;
	[sflag:s18] =	ssyncadd.s32 $0xFFFFC000  }
0x6f: {  	[spmem:s3] =	stream.indirect.scatter.add.f32 [tilespmem:s16], [sflag:$0x4], $0x80, s31, s15, $0xb8;
	[tilespmem:$0x1E800] =	vst v63  }
0x70: {  	_ =	swait.ge [sflag:s12], $0x4000  }
0x71: {  	[sflag:s12] =	ssyncset.done $0x0  }
0x72: {  	s30 =	simm.s32 $0x100;
	[sflag:s12] =	ssyncadd.s32 $0xFFFFC000  }
0x73: {  	[tilespmem:s16], [sflag:$0x1] =	stream.indirect.gather [hbm4b:s1+s15], $0x80, s30, s15, $0xb8;
	[tilespmem:$0x1E800] =	vst v63  }
0x74: {  	_ =	swait.ge [sflag:s19], $0x4000  }
0x75: {  	[sflag:s19] =	ssyncset.done $0x0  }
0x76: {  	s31 =	simm.s32 $0x1480;
	[sflag:s19] =	ssyncadd.s32 $0xFFFFC000  }
0x77: {  	[spmem:s3] =	stream.indirect.scatter.add.f32 [tilespmem:s17], [sflag:$0x4], $0x80, s31, s15, $0xb8;
	[tilespmem:$0x1E800] =	vst v63  }
0x78: {  	_ =	swait.ge [sflag:s12], $0x4000  }
0x79: {  	s29 =	simm.s32 $0x800;
	s28 =	simm.s32 $0x100;
	[sflag:s12] =	ssyncset.done $0x0  }
.LBB2_4:
0x7a: {  	s2 =	sadd.s32 $0x80, s28  }
0x7b: {  	[sflag:s12] =	ssyncadd.s32 $0xFFFFC000;
	s30 =	smov.u32 s29;
	s31 =	sadd.s32 $0x400, s29  }
0x7c: {  	[tilespmem:s17], [sflag:$0x2] =	stream.indirect.gather [hbm4b:s1+s15], $0x80, s2, s15, $0xb8;
	[tilespmem:$0x1E800] =	vst v63  }
0x7d: {  	p0 =	sne.s32 s29, $0x4800;
	_ =	swait.ge [sflag:s18], $0x4000  }
0x7e: {  	[sflag:s18] =	ssyncset.done $0x0  }
0x7f: {  	s2 =	sadd.s32 $0x1400, s28;
	[sflag:s18] =	ssyncadd.s32 $0xFFFFC000  }
0x80: {  	[spmem:s3] =	stream.indirect.scatter.add.f32 [tilespmem:s16], [sflag:$0x4], $0x80, s2, s15, $0xb8;
	[tilespmem:$0x1E800] =	vst v63  }
0x81: {  	_ =	swait.ge [sflag:s12], $0x4000  }
0x82: {  	[sflag:s12] =	ssyncset.done $0x0  }
0x83: {  	s2 =	sadd.s32 $0x100, s28;
	[sflag:s12] =	ssyncadd.s32 $0xFFFFC000  }
0x84: {  	[tilespmem:s16], [sflag:$0x1] =	stream.indirect.gather [hbm4b:s1+s15], $0x80, s2, s15, $0xb8;
	[tilespmem:$0x1E800] =	vst v63  }
0x85: {  	_ =	swait.ge [sflag:s19], $0x4000  }
.Ltmp1:
0x86: {  	[sflag:s19] =	ssyncset.done $0x0;
	(pc) =	sbr.rel @p0 .LBB2_4-.Ltmp1, $4  }
0x87: {  	s2 =	sadd.s32 $0x1480, s28;
	[sflag:s19] =	ssyncadd.s32 $0xFFFFC000  }
0x88: {  	[spmem:s3] =	stream.indirect.scatter.add.f32 [tilespmem:s17], [sflag:$0x4], $0x80, s2, s15, $0xb8;
	[tilespmem:$0x1E800] =	vst v63  }
0x89: {  	_ =	swait.ge [sflag:s12], $0x4000  }
0x8a: {  	s29 =	smov.u32 s31;
	s28 =	sshra.s32 s30, $0x2;
	[sflag:s12] =	ssyncset.done $0x0  }
0x8b: {  	s2 =	sadd.s32 $0x80, s28;
	[sflag:s12] =	ssyncadd.s32 $0xFFFFC000  }
0x8c: {  	[tilespmem:s17], [sflag:$0x2] =	stream.indirect.gather [hbm4b:s1+s15], $0x80, s2, s15, $0xb8;
	[tilespmem:$0x1E800] =	vst v63  }
0x8d: {  	_ =	swait.ge [sflag:s18], $0x4000  }
0x8e: {  	[sflag:s18] =	ssyncset.done $0x0  }
0x8f: {  	s31 =	sadd.s32 $0x1400, s28;
	[sflag:s18] =	ssyncadd.s32 $0xFFFFC000  }
0x90: {  	[spmem:s3] =	stream.indirect.scatter.add.f32 [tilespmem:s16], [sflag:$0x4], $0x80, s31, s15, $0xb8;
	[tilespmem:$0x1E800] =	vst v63  }
0x91: {  	_ =	swait.ge [sflag:s12], $0x4000  }
0x92: {  	[sflag:s12] =	ssyncset.done $0x0  }
0x93: {  	s29 =	sadd.s32 $0x100, s28;
	[sflag:s12] =	ssyncadd.s32 $0xFFFFC000  }
0x94: {  	[tilespmem:s16], [sflag:$0x1] =	stream.indirect.gather [hbm4b:s1+s15], $0x80, s29, s15, $0xb8;
	[tilespmem:$0x1E800] =	vst v63  }
0x95: {  	_ =	swait.ge [sflag:s19], $0x4000  }
0x96: {  	[sflag:s19] =	ssyncset.done $0x0  }
0x97: {  	s30 =	sadd.s32 $0x1480, s28;
	[sflag:s19] =	ssyncadd.s32 $0xFFFFC000  }
0x98: {  	[spmem:s3] =	stream.indirect.scatter.add.f32 [tilespmem:s17], [sflag:$0x4], $0x80, s30, s15, $0xb8;
	[tilespmem:$0x1E800] =	vst v63  }
0x99: {  	_ =	swait.ge [sflag:s12], $0x4000  }
0x9a: {  	[sflag:s12] =	ssyncset.done $0x0  }
0x9b: {  	[sflag:s12] =	ssyncadd.s32 $0xFFFFC000  }
0x9c: {  	[tilespmem:s17], [sflag:$0x2] =	stream.indirect.gather [hbm4b:s1+s15], $0x80, s20, s15, $0xb8;
	[tilespmem:$0x1E800] =	vst v63  }
0x9d: {  	_ =	swait.ge [sflag:s18], $0x4000  }
0x9e: {  	[sflag:s18] =	ssyncset.done $0x0  }
0x9f: {  	[sflag:s18] =	ssyncadd.s32 $0xFFFFC000  }
0xa0: {  	[spmem:s3] =	stream.indirect.scatter.add.f32 [tilespmem:s16], [sflag:$0x4], $0x80, s21, s15, $0xb8;
	[tilespmem:$0x1E800] =	vst v63  }
0xa1: {  	_ =	swait.ge [sflag:s12], $0x4000  }
0xa2: {  	[sflag:s12] =	ssyncset.done $0x0  }
0xa3: {  	[sflag:s12] =	ssyncadd.s32 $0xFFFFC000  }
0xa4: {  	_ =	swait.ge [sflag:s19], $0x4000  }
0xa5: {  	[sflag:s19] =	ssyncset.done $0x0  }
0xa6: {  	[sflag:s19] =	ssyncadd.s32 $0xFFFFC000  }
0xa7: {  	[spmem:s3] =	stream.indirect.scatter.add.f32 [tilespmem:s17], [sflag:$0x4], $0x80, s22, s15, $0xb8;
	[tilespmem:$0x1E800] =	vst v63  }
0xa8: {  	_ =	swait.ge [sflag:s12], $0x4000  }
0xa9: {  	s26 =	sadd.s32 $0x1, s26;
	[sflag:s12] =	ssyncset.done $0x0  }
0xaa: {  	p0 =	sne.s32 s26, s10;
	[sflag:s12] =	ssyncadd.s32 $0xFFFFC000  }
.Ltmp2:
0xab: {  	s31 =	sor.u32 $0x1C04, s6;
	[bflag:$0x0] =	sbarrier.arrive $0xFFFF;
	(pc) =	sbr.rel @p0 .LBB2_1-.Ltmp2, $4  }
0xac: {  	[hbm:s24], [sflag:s31] =	dma.local [spmem:s11], $0x2800  }
0xad: {  	_ =	swait.ge [sflag:s12], $0x2800  }
0xae: {  	[sflag:s12] =	ssyncset.done $0x0  }
0xaf: {  	[sflag:s12] =	ssyncadd.s32 $0xFFFFD800  }
0xb0: {  	_ =	sfence.sel $0x180000  }
0xb1: {  	[bflag:$0x0] =	sbarrier.arrive $0xFFFF  }
0xb2: {  	_ =	strace $0x90000050  }
0xb3: {  	[bflag:$0x2] =	sbarrier.arrive $0xFFFF  }
0xb4: {  	p0 =	sne.s32 s0, $0x0;
	s0 =	rddreg [dreg:$0x3]  }
0xb5: {  	s0 =	sadd.s32 @!p0 $0x100000, s0  }
0xb6: {  	[sflag:s0] =	ssyncadd.tile.s32 @!p0 $0x1;
	_ =	shalt  }
.Lfunc_end2:
_tile_overlayer_lowered:
.L_overlay_start_2:
0xb7: {  	(tag) =	ssettag $0x2  }
0xb8: {  	s0 =	rddreg [dreg:$0x0];
	s2 =	stileid.u32  }
0xb9: {  	s1 =	rddreg [dreg:$0x1];
	p0 =	sne.s32 s2, $0x0  }
0xba: {  	s3 =	rddreg [dreg:$0x2];
	[bflag:$0x3] =	sbarrier.arrive $0xFFFF;
	s2 =	simm.s32 @!p0 $0x1C04  }
0xbb: {  	[timem:s3], [sflag:s2] =	dma.local @!p0 [hbm:s0], s1  }
0xbc: {  	s0 =	simm.s32 @!p0 $0x4  }
0xbd: {  	_ =	swait.ge @!p0 [sflag:s0], s1  }
0xbe: {  	s1 =	ssub.s32 @!p0 $0x0, s1;
	[sflag:s0] =	ssyncset.done @!p0 $0x0  }
0xbf: {  	[sflag:s0] =	ssyncadd.s32 @!p0 s1  }
0xc0: {  	[bflag:$0x3] =	sbarrier.arrive $0xFFFF  }
0xc1: {  	_ =	shalt  }

</sc_bundles>
